<compile_context>
chip_gen: v7x
topology: tpu7x:2x2x1
jax: 0.10.2.dev20260603
libtpu: 0.0.44.dev20260713+nightly
codegen_flags: <defaults>
</compile_context>

<pallas_src>
import functools

import jax
import jax.numpy as jnp
from jax import lax
from jax.experimental import pallas as pl
from jax.experimental.pallas import tpu as pltpu
from jax.experimental.pallas import tpu_sc as plsc

_B, _T, _C = 128, 196, 768
_M = 4
_S = _T // _M
_H = _B // 4
_NQ = _B // _H
_COV = _H + 8
_NVC = _C // 16


def _sc_permute_t(xt):
    info = plsc.get_sparse_core_info()
    nw = info.num_cores * info.num_subcores
    wpq = nw // _M
    mesh = plsc.VectorSubcoreMesh(core_axis_name="c", subcore_axis_name="s")

    @functools.partial(
        pl.kernel,
        out_type=jax.ShapeDtypeStruct((_T, _B, _C), jnp.float32),
        mesh=mesh,
        scratch_types=[
            pltpu.VMEM((2, _COV, _C), jnp.float32),
            pltpu.VMEM((2, _H, _C), jnp.float32),
            pltpu.SemaphoreType.DMA,
            pltpu.SemaphoreType.DMA,
        ],
    )
    def k(x_hbm, out_hbm, bufs, stage, sem_in, sem_out):
        wid = lax.axis_index("s") * info.num_cores + lax.axis_index("c")
        mm = wid // wpq
        v = lax.rem(wid, wpq)
        total = _S * _NQ
        u0 = (total * v) // wpq
        n = (total * (v + 1)) // wpq - u0

        def unit(j):
            u = u0 + j
            h = lax.rem(u, _NQ)
            p = lax.rem(j, 2)
            t = _S * mm + u // _NQ
            off = pl.multiple_of(_H * h, _H)
            woff = pl.multiple_of(lax.rem(_H * h + _H, _B), 8)
            merged = pltpu.make_async_copy(
                x_hbm.at[t, pl.ds(off, _COV)],
                bufs.at[p, pl.ds(0, _COV)], sem_in)
            split = [
                pltpu.make_async_copy(
                    x_hbm.at[t, pl.ds(off, _H)],
                    bufs.at[p, pl.ds(0, _H)], sem_in),
                pltpu.make_async_copy(
                    x_hbm.at[t, pl.ds(woff, 8)],
                    bufs.at[p, pl.ds(_H, 8)], sem_in),
            ]
            out = pltpu.make_async_copy(
                stage.at[p, pl.ds(0, _H)],
                out_hbm.at[t, pl.ds(off, _H)], sem_out)
            return h, merged, split, out

        def start_ins(j):
            h, merged, split, _ = unit(j)

            @pl.when(h < _NQ - 1)
            def _():
                merged.start()

            @pl.when(h == _NQ - 1)
            def _():
                for c in split:
                    c.start()

        def shift(p):
            @plsc.parallel_loop(0, _H, unroll=4)
            def _(r):
                src = bufs.at[p, r + mm]
                dst = stage.at[p, r]
                for vv in range(_NVC):
                    dst[pl.ds(vv * 16, 16)] = src[pl.ds(vv * 16, 16)]

        start_ins(0)

        def pipeline_step(j, carry):
            _, _, split_j, out_j = unit(j)
            for c in split_j:
                c.wait()

            @pl.when(j >= 1)
            def _():
                out_j.wait()

            @pl.when(j + 1 < n)
            def _():
                start_ins(j + 1)
            shift(lax.rem(j, 2))
            out_j.start()
            return carry

        lax.fori_loop(0, n, pipeline_step, 0)
        unit(n - 1)[3].wait()

    return k(xt)


def kernel(patches, m):
    del m
    xt = jnp.transpose(patches, (1, 0, 2))
    mixed = jnp.transpose(_sc_permute_t(xt), (1, 0, 2))
    ids_b = jnp.arange(_B).reshape(-1, 1)
    target = (ids_b + jnp.arange(_M)) % _B
    mix_target = (ids_b - _M + 1 + jnp.arange(_M * 2 - 1) + _B) % _B
    return (mixed, target, mix_target)

# --- scband reference (transcript-rebuilt; emitter-appended) ---
"""Pipeline reference for scband-patch-mix-62277025792410 (READ-ONLY COPY).

The authoritative reference and input builder live on the scoring server;
editing this copy changes nothing except your own understanding.
"""

import jax, jax.numpy as jnp
import numpy as np


def setup_inputs(seed: int = 0) -> dict:
    key = jax.random.key(seed)
    patches = jax.random.normal(key, (128, 196, 768), dtype=jnp.float32)
    return {"patches": patches, "m": 4}


def reference(patches, m):
    B, T, C = patches.shape
    m_static = 4
    S = T // m_static
    mix_offset = S * m_static
    # rearrange 'g (m s) c -> (g m) s c'
    mix_patches = patches[:, :mix_offset, :].reshape(B * m_static, S, C)
    L = B * m_static
    ids = jnp.arange(L)
    indexes = (ids + (ids % m) * m) % L
    # torch.gather along dim 0 with index broadcast over s, c == row gather
    mix_patches = jnp.take(mix_patches, indexes, axis=0)
    ids_b = jnp.arange(B).reshape(-1, 1)
    target = (ids_b + jnp.arange(m_static)) % B
    mix_target = (ids_b - m + 1 + jnp.arange(m_static * 2 - 1) + B) % B
    # rearrange '(g m) s c -> g (m s) c'
    mix_patches = mix_patches.reshape(B, m_static * S, C)
    patches = patches.at[:, :mix_offset, :].set(mix_patches)
    return (patches, target, mix_target)

if __name__ == "__main__":
    import jax
    _d = setup_inputs()
    print(jax.jit(kernel)(*tuple(_d.values())))

</pallas_src>

<mosaic_0001>
#map = affine_map<(d0, d1) -> (0, 0, 0)>
module attributes {stable_mosaic.version = 14 : i64} {
  func.func @k(%arg0: i32, %arg1: i32, %arg2: memref<196x128x768xf32, #tpu.memory_space<hbm>>, %arg3: memref<196x128x768xf32, #tpu.memory_space<hbm>>, %arg4: memref<2x40x768xf32, #tpu.memory_space<vmem>>, %arg5: memref<2x32x768xf32, #tpu.memory_space<vmem>>, %arg6: memref<!tpu.dma_semaphore, #tpu.memory_space<semaphore_mem>>, %arg7: memref<!tpu.dma_semaphore, #tpu.memory_space<semaphore_mem>>) attributes {dimension_semantics = [#tpu.dimension_semantics<core_parallel>, #tpu.dimension_semantics<subcore_parallel>], iteration_bounds = array<i64: 2, 16>, scalar_prefetch = 0 : i64, scratch_operands = 4 : i64, tpu.core_type = #tpu.core_type<sc_vector_subcore>, window_params = [{transform_indices = #map}, {transform_indices = #map}]} {
    %mul3A = arith.constant 2 : i32
    %mul3A_0 = arith.muli %arg1, %mul3A : i32
    %add3A = arith.addi %mul3A_0, %arg0 : i32
    %jit3A = arith.constant 8 : i32
    %div3A = arith.divsi %add3A, %jit3A : i32
    %sign3A = arith.constant 0 : i32
    %sign3A_1 = arith.cmpi sgt, %add3A, %sign3A : i32
    %sign3A_2 = arith.extui %sign3A_1 : i1 to i32
    %sign3A_3 = arith.constant 0 : i32
    %sign3A_4 = arith.cmpi slt, %add3A, %sign3A_3 : i32
    %sign3A_5 = arith.extui %sign3A_4 : i1 to i32
    %sign3A_6 = arith.subi %sign3A_2, %sign3A_5 : i32
    %sign3A_7 = arith.constant 0 : i32
    %sign3A_8 = arith.cmpi sgt, %jit3A, %sign3A_7 : i32
    %sign3A_9 = arith.extui %sign3A_8 : i1 to i32
    %sign3A_10 = arith.constant 0 : i32
    %sign3A_11 = arith.cmpi slt, %jit3A, %sign3A_10 : i32
    %sign3A_12 = arith.extui %sign3A_11 : i1 to i32
    %sign3A_13 = arith.subi %sign3A_9, %sign3A_12 : i32
    %ne3A = arith.cmpi ne, %sign3A_6, %sign3A_13 : i32
    %rem3A = arith.remsi %add3A, %jit3A : i32
    %ne3A_14 = arith.constant 0 : i32
    %ne3A_15 = arith.cmpi ne, %rem3A, %ne3A_14 : i32
    %and3A = arith.andi %ne3A, %ne3A_15 : i1
    %sub3A = arith.constant 1 : i32
    %sub3A_16 = arith.subi %div3A, %sub3A : i32
    %select_n3A = arith.select %and3A, %sub3A_16, %div3A : i32
    %rem3A_17 = arith.constant 8 : i32
    %rem3A_18 = arith.remsi %add3A, %rem3A_17 : i32
    %mul3A_19 = arith.constant 196 : i32
    %mul3A_20 = arith.muli %mul3A_19, %rem3A_18 : i32
    %jit3A_21 = arith.constant 8 : i32
    %div3A_22 = arith.divsi %mul3A_20, %jit3A_21 : i32
    %sign3A_23 = arith.constant 0 : i32
    %sign3A_24 = arith.cmpi sgt, %mul3A_20, %sign3A_23 : i32
    %sign3A_25 = arith.extui %sign3A_24 : i1 to i32
    %sign3A_26 = arith.constant 0 : i32
    %sign3A_27 = arith.cmpi slt, %mul3A_20, %sign3A_26 : i32
    %sign3A_28 = arith.extui %sign3A_27 : i1 to i32
    %sign3A_29 = arith.subi %sign3A_25, %sign3A_28 : i32
    %sign3A_30 = arith.constant 0 : i32
    %sign3A_31 = arith.cmpi sgt, %jit3A_21, %sign3A_30 : i32
    %sign3A_32 = arith.extui %sign3A_31 : i1 to i32
    %sign3A_33 = arith.constant 0 : i32
    %sign3A_34 = arith.cmpi slt, %jit3A_21, %sign3A_33 : i32
    %sign3A_35 = arith.extui %sign3A_34 : i1 to i32
    %sign3A_36 = arith.subi %sign3A_32, %sign3A_35 : i32
    %ne3A_37 = arith.cmpi ne, %sign3A_29, %sign3A_36 : i32
    %rem3A_38 = arith.remsi %mul3A_20, %jit3A_21 : i32
    %ne3A_39 = arith.constant 0 : i32
    %ne3A_40 = arith.cmpi ne, %rem3A_38, %ne3A_39 : i32
    %and3A_41 = arith.andi %ne3A_37, %ne3A_40 : i1
    %sub3A_42 = arith.constant 1 : i32
    %sub3A_43 = arith.subi %div3A_22, %sub3A_42 : i32
    %select_n3A_44 = arith.select %and3A_41, %sub3A_43, %div3A_22 : i32
    %add3A_45 = arith.constant 1 : i32
    %add3A_46 = arith.addi %rem3A_18, %add3A_45 : i32
    %mul3A_47 = arith.constant 196 : i32
    %mul3A_48 = arith.muli %mul3A_47, %add3A_46 : i32
    %jit3A_49 = arith.constant 8 : i32
    %div3A_50 = arith.divsi %mul3A_48, %jit3A_49 : i32
    %sign3A_51 = arith.constant 0 : i32
    %sign3A_52 = arith.cmpi sgt, %mul3A_48, %sign3A_51 : i32
    %sign3A_53 = arith.extui %sign3A_52 : i1 to i32
    %sign3A_54 = arith.constant 0 : i32
    %sign3A_55 = arith.cmpi slt, %mul3A_48, %sign3A_54 : i32
    %sign3A_56 = arith.extui %sign3A_55 : i1 to i32
    %sign3A_57 = arith.subi %sign3A_53, %sign3A_56 : i32
    %sign3A_58 = arith.constant 0 : i32
    %sign3A_59 = arith.cmpi sgt, %jit3A_49, %sign3A_58 : i32
    %sign3A_60 = arith.extui %sign3A_59 : i1 to i32
    %sign3A_61 = arith.constant 0 : i32
    %sign3A_62 = arith.cmpi slt, %jit3A_49, %sign3A_61 : i32
    %sign3A_63 = arith.extui %sign3A_62 : i1 to i32
    %sign3A_64 = arith.subi %sign3A_60, %sign3A_63 : i32
    %ne3A_65 = arith.cmpi ne, %sign3A_57, %sign3A_64 : i32
    %rem3A_66 = arith.remsi %mul3A_48, %jit3A_49 : i32
    %ne3A_67 = arith.constant 0 : i32
    %ne3A_68 = arith.cmpi ne, %rem3A_66, %ne3A_67 : i32
    %and3A_69 = arith.andi %ne3A_65, %ne3A_68 : i1
    %sub3A_70 = arith.constant 1 : i32
    %sub3A_71 = arith.subi %div3A_50, %sub3A_70 : i32
    %select_n3A_72 = arith.select %and3A_69, %sub3A_71, %div3A_50 : i32
    %sub3A_73 = arith.subi %select_n3A_72, %select_n3A_44 : i32
    %add3A_74 = arith.constant 0 : i32
    %add3A_75 = arith.addi %select_n3A_44, %add3A_74 : i32
    %rem3A_76 = arith.constant 4 : i32
    %rem3A_77 = arith.remsi %add3A_75, %rem3A_76 : i32
    %rem3A_78 = arith.constant 0 : i32
    %rem3A_79 = arith.constant 2 : i32
    %rem3A_80 = arith.remsi %rem3A_78, %rem3A_79 : i32
    %mul3A_81 = arith.constant 49 : i32
    %mul3A_82 = arith.muli %mul3A_81, %select_n3A : i32
    %jit3A_83 = arith.constant 4 : i32
    %div3A_84 = arith.divsi %add3A_75, %jit3A_83 : i32
    %sign3A_85 = arith.constant 0 : i32
    %sign3A_86 = arith.cmpi sgt, %add3A_75, %sign3A_85 : i32
    %sign3A_87 = arith.extui %sign3A_86 : i1 to i32
    %sign3A_88 = arith.constant 0 : i32
    %sign3A_89 = arith.cmpi slt, %add3A_75, %sign3A_88 : i32
    %sign3A_90 = arith.extui %sign3A_89 : i1 to i32
    %sign3A_91 = arith.subi %sign3A_87, %sign3A_90 : i32
    %sign3A_92 = arith.constant 0 : i32
    %sign3A_93 = arith.cmpi sgt, %jit3A_83, %sign3A_92 : i32
    %sign3A_94 = arith.extui %sign3A_93 : i1 to i32
    %sign3A_95 = arith.constant 0 : i32
    %sign3A_96 = arith.cmpi slt, %jit3A_83, %sign3A_95 : i32
    %sign3A_97 = arith.extui %sign3A_96 : i1 to i32
    %sign3A_98 = arith.subi %sign3A_94, %sign3A_97 : i32
    %ne3A_99 = arith.cmpi ne, %sign3A_91, %sign3A_98 : i32
    %rem3A_100 = arith.remsi %add3A_75, %jit3A_83 : i32
    %ne3A_101 = arith.constant 0 : i32
    %ne3A_102 = arith.cmpi ne, %rem3A_100, %ne3A_101 : i32
    %and3A_103 = arith.andi %ne3A_99, %ne3A_102 : i1
    %sub3A_104 = arith.constant 1 : i32
    %sub3A_105 = arith.subi %div3A_84, %sub3A_104 : i32
    %select_n3A_106 = arith.select %and3A_103, %sub3A_105, %div3A_84 : i32
    %add3A_107 = arith.addi %mul3A_82, %select_n3A_106 : i32
    %mul3A_108 = arith.constant 32 : i32
    %mul3A_109 = arith.muli %mul3A_108, %rem3A_77 : i32
    %multiple_of3A = tpu.assume_multiple %mul3A_109, 32 : i32
    %mul3A_110 = arith.constant 32 : i32
    %mul3A_111 = arith.muli %mul3A_110, %rem3A_77 : i32
    %add3A_112 = arith.constant 32 : i32
    %add3A_113 = arith.addi %mul3A_111, %add3A_112 : i32
    %rem3A_114 = arith.constant 128 : i32
    %rem3A_115 = arith.remsi %add3A_113, %rem3A_114 : i32
    %multiple_of3A_116 = tpu.assume_multiple %rem3A_115, 8 : i32
    %lt3A = arith.constant 3 : i32
    %lt3A_117 = arith.cmpi slt, %rem3A_77, %lt3A : i32
    %convert_element_type3A = arith.extui %lt3A_117 : i1 to i32
    %cond3A = arith.constant 0 : i32
    %cond3A_118 = arith.cmpi ne, %convert_element_type3A, %cond3A : i32
    scf.if %cond3A_118 {
      %dma_start3A = arith.constant 0 : i32
      %dma_start3A_189 = arith.constant 0 : i32
      %dma_start3A_190 = tpu.memref_slice %arg4[%rem3A_80, %dma_start3A, %dma_start3A_189] : memref<2x40x768xf32, #tpu.memory_space<vmem>> -> memref<1x40x768xf32, #tpu.memory_space<vmem>>
      %dma_start3A_191 = tpu.memref_squeeze %dma_start3A_190 : memref<1x40x768xf32, #tpu.memory_space<vmem>> -> memref<40x768xf32, #tpu.memory_space<vmem>>
      %dma_start3A_192 = arith.constant 0 : i32
      %dma_start3A_193 = tpu.memref_slice %arg2[%add3A_107, %multiple_of3A, %dma_start3A_192] : memref<196x128x768xf32, #tpu.memory_space<hbm>> -> memref<1x40x768xf32, #tpu.memory_space<hbm>>
      %dma_start3A_194 = tpu.memref_squeeze %dma_start3A_193 : memref<1x40x768xf32, #tpu.memory_space<hbm>> -> memref<40x768xf32, #tpu.memory_space<hbm>>
      %dma_start3A_195 = arith.constant 0 : i32
      %dma_start3A_196 = arith.constant 0 : i32
      %dma_start3A_197 = tpu.memref_slice %arg4[%rem3A_80, %dma_start3A_195, %dma_start3A_196] : memref<2x40x768xf32, #tpu.memory_space<vmem>> -> memref<1x40x768xf32, #tpu.memory_space<vmem>>
      %dma_start3A_198 = tpu.memref_squeeze %dma_start3A_197 : memref<1x40x768xf32, #tpu.memory_space<vmem>> -> memref<40x768xf32, #tpu.memory_space<vmem>>
      %dma_start3A_199 = arith.constant 0 : i32
      %dma_start3A_200 = tpu.memref_slice %arg2[%add3A_107, %multiple_of3A, %dma_start3A_199] : memref<196x128x768xf32, #tpu.memory_space<hbm>> -> memref<1x40x768xf32, #tpu.memory_space<hbm>>
      %dma_start3A_201 = tpu.memref_squeeze %dma_start3A_200 : memref<1x40x768xf32, #tpu.memory_space<hbm>> -> memref<40x768xf32, #tpu.memory_space<hbm>>
      tpu.enqueue_dma source(%dma_start3A_201 : memref<40x768xf32, #tpu.memory_space<hbm>>) target(%dma_start3A_198 : memref<40x768xf32, #tpu.memory_space<vmem>>) target_semaphore(%arg6 : memref<!tpu.dma_semaphore, #tpu.memory_space<semaphore_mem>>)
    } else {
    }
    %eq3A = arith.constant 3 : i32
    %eq3A_119 = arith.cmpi eq, %rem3A_77, %eq3A : i32
    %convert_element_type3A_120 = arith.extui %eq3A_119 : i1 to i32
    %cond3A_121 = arith.constant 0 : i32
    %cond3A_122 = arith.cmpi ne, %convert_element_type3A_120, %cond3A_121 : i32
    scf.if %cond3A_122 {
      %dma_start3A = arith.constant 0 : i32
      %dma_start3A_189 = arith.constant 0 : i32
      %dma_start3A_190 = tpu.memref_slice %arg4[%rem3A_80, %dma_start3A, %dma_start3A_189] : memref<2x40x768xf32, #tpu.memory_space<vmem>> -> memref<1x32x768xf32, #tpu.memory_space<vmem>>
      %dma_start3A_191 = tpu.memref_squeeze %dma_start3A_190 : memref<1x32x768xf32, #tpu.memory_space<vmem>> -> memref<32x768xf32, #tpu.memory_space<vmem>>
      %dma_start3A_192 = arith.constant 0 : i32
      %dma_start3A_193 = tpu.memref_slice %arg2[%add3A_107, %multiple_of3A, %dma_start3A_192] : memref<196x128x768xf32, #tpu.memory_space<hbm>> -> memref<1x32x768xf32, #tpu.memory_space<hbm>>
      %dma_start3A_194 = tpu.memref_squeeze %dma_start3A_193 : memref<1x32x768xf32, #tpu.memory_space<hbm>> -> memref<32x768xf32, #tpu.memory_space<hbm>>
      %dma_start3A_195 = arith.constant 0 : i32
      %dma_start3A_196 = arith.constant 0 : i32
      %dma_start3A_197 = tpu.memref_slice %arg4[%rem3A_80, %dma_start3A_195, %dma_start3A_196] : memref<2x40x768xf32, #tpu.memory_space<vmem>> -> memref<1x32x768xf32, #tpu.memory_space<vmem>>
      %dma_start3A_198 = tpu.memref_squeeze %dma_start3A_197 : memref<1x32x768xf32, #tpu.memory_space<vmem>> -> memref<32x768xf32, #tpu.memory_space<vmem>>
      %dma_start3A_199 = arith.constant 0 : i32
      %dma_start3A_200 = tpu.memref_slice %arg2[%add3A_107, %multiple_of3A, %dma_start3A_199] : memref<196x128x768xf32, #tpu.memory_space<hbm>> -> memref<1x32x768xf32, #tpu.memory_space<hbm>>
      %dma_start3A_201 = tpu.memref_squeeze %dma_start3A_200 : memref<1x32x768xf32, #tpu.memory_space<hbm>> -> memref<32x768xf32, #tpu.memory_space<hbm>>
      tpu.enqueue_dma source(%dma_start3A_201 : memref<32x768xf32, #tpu.memory_space<hbm>>) target(%dma_start3A_198 : memref<32x768xf32, #tpu.memory_space<vmem>>) target_semaphore(%arg6 : memref<!tpu.dma_semaphore, #tpu.memory_space<semaphore_mem>>)
      %dma_start3A_202 = arith.constant 32 : i32
      %dma_start3A_203 = arith.constant 0 : i32
      %dma_start3A_204 = tpu.memref_slice %arg4[%rem3A_80, %dma_start3A_202, %dma_start3A_203] : memref<2x40x768xf32, #tpu.memory_space<vmem>> -> memref<1x8x768xf32, #tpu.memory_space<vmem>>
      %dma_start3A_205 = tpu.memref_squeeze %dma_start3A_204 : memref<1x8x768xf32, #tpu.memory_space<vmem>> -> memref<8x768xf32, #tpu.memory_space<vmem>>
      %dma_start3A_206 = arith.constant 0 : i32
      %dma_start3A_207 = tpu.memref_slice %arg2[%add3A_107, %multiple_of3A_116, %dma_start3A_206] : memref<196x128x768xf32, #tpu.memory_space<hbm>> -> memref<1x8x768xf32, #tpu.memory_space<hbm>>
      %dma_start3A_208 = tpu.memref_squeeze %dma_start3A_207 : memref<1x8x768xf32, #tpu.memory_space<hbm>> -> memref<8x768xf32, #tpu.memory_space<hbm>>
      %dma_start3A_209 = arith.constant 32 : i32
      %dma_start3A_210 = arith.constant 0 : i32
      %dma_start3A_211 = tpu.memref_slice %arg4[%rem3A_80, %dma_start3A_209, %dma_start3A_210] : memref<2x40x768xf32, #tpu.memory_space<vmem>> -> memref<1x8x768xf32, #tpu.memory_space<vmem>>
      %dma_start3A_212 = tpu.memref_squeeze %dma_start3A_211 : memref<1x8x768xf32, #tpu.memory_space<vmem>> -> memref<8x768xf32, #tpu.memory_space<vmem>>
      %dma_start3A_213 = arith.constant 0 : i32
      %dma_start3A_214 = tpu.memref_slice %arg2[%add3A_107, %multiple_of3A_116, %dma_start3A_213] : memref<196x128x768xf32, #tpu.memory_space<hbm>> -> memref<1x8x768xf32, #tpu.memory_space<hbm>>
      %dma_start3A_215 = tpu.memref_squeeze %dma_start3A_214 : memref<1x8x768xf32, #tpu.memory_space<hbm>> -> memref<8x768xf32, #tpu.memory_space<hbm>>
      tpu.enqueue_dma source(%dma_start3A_215 : memref<8x768xf32, #tpu.memory_space<hbm>>) target(%dma_start3A_212 : memref<8x768xf32, #tpu.memory_space<vmem>>) target_semaphore(%arg6 : memref<!tpu.dma_semaphore, #tpu.memory_space<semaphore_mem>>)
    } else {
    }
    %while3A = arith.constant 0 : i32
    %while3A_123 = arith.constant 0 : i32
    %while3A_124 = arith.subi %sub3A_73, %while3A_123 : i32
    %while3A_125 = arith.addi %while3A_123, %while3A_124 : i32
    %while3A_126 = arith.constant 1 : i32
    %while3A_127 = arith.divsi %while3A_124, %while3A_126 : i32
    %while3A_128 = arith.muli %while3A_127, %while3A_126 : i32
    %while3A_129 = arith.addi %while3A_123, %while3A_128 : i32
    %while3A_130 = arith.constant 1 : i32
    scf.for %while3A_189 = %while3A_123 to %while3A_129 step %while3A_130  : i32 {
      %add3A_190 = arith.addi %select_n3A_44, %while3A_189 : i32
      %rem3A_191 = arith.constant 4 : i32
      %rem3A_192 = arith.remsi %add3A_190, %rem3A_191 : i32
      %rem3A_193 = arith.constant 2 : i32
      %rem3A_194 = arith.remsi %while3A_189, %rem3A_193 : i32
      %mul3A_195 = arith.constant 49 : i32
      %mul3A_196 = arith.muli %mul3A_195, %select_n3A : i32
      %jit3A_197 = arith.constant 4 : i32
      %div3A_198 = arith.divsi %add3A_190, %jit3A_197 : i32
      %sign3A_199 = arith.constant 0 : i32
      %sign3A_200 = arith.cmpi sgt, %add3A_190, %sign3A_199 : i32
      %sign3A_201 = arith.extui %sign3A_200 : i1 to i32
      %sign3A_202 = arith.constant 0 : i32
      %sign3A_203 = arith.cmpi slt, %add3A_190, %sign3A_202 : i32
      %sign3A_204 = arith.extui %sign3A_203 : i1 to i32
      %sign3A_205 = arith.subi %sign3A_201, %sign3A_204 : i32
      %sign3A_206 = arith.constant 0 : i32
      %sign3A_207 = arith.cmpi sgt, %jit3A_197, %sign3A_206 : i32
      %sign3A_208 = arith.extui %sign3A_207 : i1 to i32
      %sign3A_209 = arith.constant 0 : i32
      %sign3A_210 = arith.cmpi slt, %jit3A_197, %sign3A_209 : i32
      %sign3A_211 = arith.extui %sign3A_210 : i1 to i32
      %sign3A_212 = arith.subi %sign3A_208, %sign3A_211 : i32
      %ne3A_213 = arith.cmpi ne, %sign3A_205, %sign3A_212 : i32
      %rem3A_214 = arith.remsi %add3A_190, %jit3A_197 : i32
      %ne3A_215 = arith.constant 0 : i32
      %ne3A_216 = arith.cmpi ne, %rem3A_214, %ne3A_215 : i32
      %and3A_217 = arith.andi %ne3A_213, %ne3A_216 : i1
      %sub3A_218 = arith.constant 1 : i32
      %sub3A_219 = arith.subi %div3A_198, %sub3A_218 : i32
      %select_n3A_220 = arith.select %and3A_217, %sub3A_219, %div3A_198 : i32
      %add3A_221 = arith.addi %mul3A_196, %select_n3A_220 : i32
      %mul3A_222 = arith.constant 32 : i32
      %mul3A_223 = arith.muli %mul3A_222, %rem3A_192 : i32
      %multiple_of3A_224 = tpu.assume_multiple %mul3A_223, 32 : i32
      %mul3A_225 = arith.constant 32 : i32
      %mul3A_226 = arith.muli %mul3A_225, %rem3A_192 : i32
      %add3A_227 = arith.constant 32 : i32
      %add3A_228 = arith.addi %mul3A_226, %add3A_227 : i32
      %rem3A_229 = arith.constant 128 : i32
      %rem3A_230 = arith.remsi %add3A_228, %rem3A_229 : i32
      %multiple_of3A_231 = tpu.assume_multiple %rem3A_230, 8 : i32
      %dma_wait3A_232 = arith.constant 0 : i32
      %dma_wait3A_233 = arith.constant 0 : i32
      %dma_wait3A_234 = tpu.memref_slice %arg4[%rem3A_194, %dma_wait3A_232, %dma_wait3A_233] : memref<2x40x768xf32, #tpu.memory_space<vmem>> -> memref<1x32x768xf32, #tpu.memory_space<vmem>>
      %dma_wait3A_235 = tpu.memref_squeeze %dma_wait3A_234 : memref<1x32x768xf32, #tpu.memory_space<vmem>> -> memref<32x768xf32, #tpu.memory_space<vmem>>
      %dma_wait3A_236 = arith.constant 0 : i32
      %dma_wait3A_237 = tpu.memref_slice %arg2[%add3A_221, %multiple_of3A_224, %dma_wait3A_236] : memref<196x128x768xf32, #tpu.memory_space<hbm>> -> memref<1x32x768xf32, #tpu.memory_space<hbm>>
      %dma_wait3A_238 = tpu.memref_squeeze %dma_wait3A_237 : memref<1x32x768xf32, #tpu.memory_space<hbm>> -> memref<32x768xf32, #tpu.memory_space<hbm>>
      %dma_wait3A_239 = arith.constant 0 : i32
      %dma_wait3A_240 = arith.constant 0 : i32
      %dma_wait3A_241 = tpu.memref_slice %arg4[%rem3A_194, %dma_wait3A_239, %dma_wait3A_240] : memref<2x40x768xf32, #tpu.memory_space<vmem>> -> memref<1x32x768xf32, #tpu.memory_space<vmem>>
      %dma_wait3A_242 = tpu.memref_squeeze %dma_wait3A_241 : memref<1x32x768xf32, #tpu.memory_space<vmem>> -> memref<32x768xf32, #tpu.memory_space<vmem>>
      %dma_wait3A_243 = arith.constant 0 : i32
      %dma_wait3A_244 = tpu.memref_slice %arg2[%add3A_221, %multiple_of3A_224, %dma_wait3A_243] : memref<196x128x768xf32, #tpu.memory_space<hbm>> -> memref<1x32x768xf32, #tpu.memory_space<hbm>>
      %dma_wait3A_245 = tpu.memref_squeeze %dma_wait3A_244 : memref<1x32x768xf32, #tpu.memory_space<hbm>> -> memref<32x768xf32, #tpu.memory_space<hbm>>
      tpu.wait_dma2 semaphore(%arg6 : memref<!tpu.dma_semaphore, #tpu.memory_space<semaphore_mem>>) src(%dma_wait3A_245 : memref<32x768xf32, #tpu.memory_space<hbm>>) dst(%dma_wait3A_242 : memref<32x768xf32, #tpu.memory_space<vmem>>)
      %dma_wait3A_246 = arith.constant 32 : i32
      %dma_wait3A_247 = arith.constant 0 : i32
      %dma_wait3A_248 = tpu.memref_slice %arg4[%rem3A_194, %dma_wait3A_246, %dma_wait3A_247] : memref<2x40x768xf32, #tpu.memory_space<vmem>> -> memref<1x8x768xf32, #tpu.memory_space<vmem>>
      %dma_wait3A_249 = tpu.memref_squeeze %dma_wait3A_248 : memref<1x8x768xf32, #tpu.memory_space<vmem>> -> memref<8x768xf32, #tpu.memory_space<vmem>>
      %dma_wait3A_250 = arith.constant 0 : i32
      %dma_wait3A_251 = tpu.memref_slice %arg2[%add3A_221, %multiple_of3A_231, %dma_wait3A_250] : memref<196x128x768xf32, #tpu.memory_space<hbm>> -> memref<1x8x768xf32, #tpu.memory_space<hbm>>
      %dma_wait3A_252 = tpu.memref_squeeze %dma_wait3A_251 : memref<1x8x768xf32, #tpu.memory_space<hbm>> -> memref<8x768xf32, #tpu.memory_space<hbm>>
      %dma_wait3A_253 = arith.constant 32 : i32
      %dma_wait3A_254 = arith.constant 0 : i32
      %dma_wait3A_255 = tpu.memref_slice %arg4[%rem3A_194, %dma_wait3A_253, %dma_wait3A_254] : memref<2x40x768xf32, #tpu.memory_space<vmem>> -> memref<1x8x768xf32, #tpu.memory_space<vmem>>
      %dma_wait3A_256 = tpu.memref_squeeze %dma_wait3A_255 : memref<1x8x768xf32, #tpu.memory_space<vmem>> -> memref<8x768xf32, #tpu.memory_space<vmem>>
      %dma_wait3A_257 = arith.constant 0 : i32
      %dma_wait3A_258 = tpu.memref_slice %arg2[%add3A_221, %multiple_of3A_231, %dma_wait3A_257] : memref<196x128x768xf32, #tpu.memory_space<hbm>> -> memref<1x8x768xf32, #tpu.memory_space<hbm>>
      %dma_wait3A_259 = tpu.memref_squeeze %dma_wait3A_258 : memref<1x8x768xf32, #tpu.memory_space<hbm>> -> memref<8x768xf32, #tpu.memory_space<hbm>>
      tpu.wait_dma2 semaphore(%arg6 : memref<!tpu.dma_semaphore, #tpu.memory_space<semaphore_mem>>) src(%dma_wait3A_259 : memref<8x768xf32, #tpu.memory_space<hbm>>) dst(%dma_wait3A_256 : memref<8x768xf32, #tpu.memory_space<vmem>>)
      %ge3A = arith.constant 1 : i32
      %ge3A_260 = arith.cmpi sge, %while3A_189, %ge3A : i32
      %convert_element_type3A_261 = arith.extui %ge3A_260 : i1 to i32
      %cond3A_262 = arith.constant 0 : i32
      %cond3A_263 = arith.cmpi ne, %convert_element_type3A_261, %cond3A_262 : i32
      scf.if %cond3A_263 {
        %dma_wait3A_287 = arith.constant 0 : i32
        %dma_wait3A_288 = arith.constant 0 : i32
        %dma_wait3A_289 = tpu.memref_slice %arg5[%rem3A_194, %dma_wait3A_287, %dma_wait3A_288] : memref<2x32x768xf32, #tpu.memory_space<vmem>> -> memref<1x32x768xf32, #tpu.memory_space<vmem>>
        %dma_wait3A_290 = tpu.memref_squeeze %dma_wait3A_289 : memref<1x32x768xf32, #tpu.memory_space<vmem>> -> memref<32x768xf32, #tpu.memory_space<vmem>>
        %dma_wait3A_291 = arith.constant 0 : i32
        %dma_wait3A_292 = tpu.memref_slice %arg3[%add3A_221, %multiple_of3A_224, %dma_wait3A_291] : memref<196x128x768xf32, #tpu.memory_space<hbm>> -> memref<1x32x768xf32, #tpu.memory_space<hbm>>
        %dma_wait3A_293 = tpu.memref_squeeze %dma_wait3A_292 : memref<1x32x768xf32, #tpu.memory_space<hbm>> -> memref<32x768xf32, #tpu.memory_space<hbm>>
        %dma_wait3A_294 = arith.constant 0 : i32
        %dma_wait3A_295 = tpu.memref_slice %arg3[%add3A_221, %multiple_of3A_224, %dma_wait3A_294] : memref<196x128x768xf32, #tpu.memory_space<hbm>> -> memref<1x32x768xf32, #tpu.memory_space<hbm>>
        %dma_wait3A_296 = tpu.memref_squeeze %dma_wait3A_295 : memref<1x32x768xf32, #tpu.memory_space<hbm>> -> memref<32x768xf32, #tpu.memory_space<hbm>>
        %dma_wait3A_297 = arith.constant 0 : i32
        %dma_wait3A_298 = arith.constant 0 : i32
        %dma_wait3A_299 = tpu.memref_slice %arg5[%rem3A_194, %dma_wait3A_297, %dma_wait3A_298] : memref<2x32x768xf32, #tpu.memory_space<vmem>> -> memref<1x32x768xf32, #tpu.memory_space<vmem>>
        %dma_wait3A_300 = tpu.memref_squeeze %dma_wait3A_299 : memref<1x32x768xf32, #tpu.memory_space<vmem>> -> memref<32x768xf32, #tpu.memory_space<vmem>>
        tpu.wait_dma2 semaphore(%arg7 : memref<!tpu.dma_semaphore, #tpu.memory_space<semaphore_mem>>) src(%dma_wait3A_300 : memref<32x768xf32, #tpu.memory_space<vmem>>) dst(%dma_wait3A_296 : memref<32x768xf32, #tpu.memory_space<hbm>>)
      } else {
      }
      %add3A_264 = arith.constant 1 : i32
      %add3A_265 = arith.addi %while3A_189, %add3A_264 : i32
      %lt3A_266 = arith.cmpi slt, %add3A_265, %sub3A_73 : i32
      %convert_element_type3A_267 = arith.extui %lt3A_266 : i1 to i32
      %cond3A_268 = arith.constant 0 : i32
      %cond3A_269 = arith.cmpi ne, %convert_element_type3A_267, %cond3A_268 : i32
      scf.if %cond3A_269 {
        %add3A_287 = arith.constant 1 : i32
        %add3A_288 = arith.addi %while3A_189, %add3A_287 : i32
        %add3A_289 = arith.addi %select_n3A_44, %add3A_288 : i32
        %rem3A_290 = arith.constant 4 : i32
        %rem3A_291 = arith.remsi %add3A_289, %rem3A_290 : i32
        %rem3A_292 = arith.constant 2 : i32
        %rem3A_293 = arith.remsi %add3A_288, %rem3A_292 : i32
        %mul3A_294 = arith.constant 49 : i32
        %mul3A_295 = arith.muli %mul3A_294, %select_n3A : i32
        %jit3A_296 = arith.constant 4 : i32
        %div3A_297 = arith.divsi %add3A_289, %jit3A_296 : i32
        %sign3A_298 = arith.constant 0 : i32
        %sign3A_299 = arith.cmpi sgt, %add3A_289, %sign3A_298 : i32
        %sign3A_300 = arith.extui %sign3A_299 : i1 to i32
        %sign3A_301 = arith.constant 0 : i32
        %sign3A_302 = arith.cmpi slt, %add3A_289, %sign3A_301 : i32
        %sign3A_303 = arith.extui %sign3A_302 : i1 to i32
        %sign3A_304 = arith.subi %sign3A_300, %sign3A_303 : i32
        %sign3A_305 = arith.constant 0 : i32
        %sign3A_306 = arith.cmpi sgt, %jit3A_296, %sign3A_305 : i32
        %sign3A_307 = arith.extui %sign3A_306 : i1 to i32
        %sign3A_308 = arith.constant 0 : i32
        %sign3A_309 = arith.cmpi slt, %jit3A_296, %sign3A_308 : i32
        %sign3A_310 = arith.extui %sign3A_309 : i1 to i32
        %sign3A_311 = arith.subi %sign3A_307, %sign3A_310 : i32
        %ne3A_312 = arith.cmpi ne, %sign3A_304, %sign3A_311 : i32
        %rem3A_313 = arith.remsi %add3A_289, %jit3A_296 : i32
        %ne3A_314 = arith.constant 0 : i32
        %ne3A_315 = arith.cmpi ne, %rem3A_313, %ne3A_314 : i32
        %and3A_316 = arith.andi %ne3A_312, %ne3A_315 : i1
        %sub3A_317 = arith.constant 1 : i32
        %sub3A_318 = arith.subi %div3A_297, %sub3A_317 : i32
        %select_n3A_319 = arith.select %and3A_316, %sub3A_318, %div3A_297 : i32
        %add3A_320 = arith.addi %mul3A_295, %select_n3A_319 : i32
        %mul3A_321 = arith.constant 32 : i32
        %mul3A_322 = arith.muli %mul3A_321, %rem3A_291 : i32
        %multiple_of3A_323 = tpu.assume_multiple %mul3A_322, 32 : i32
        %mul3A_324 = arith.constant 32 : i32
        %mul3A_325 = arith.muli %mul3A_324, %rem3A_291 : i32
        %add3A_326 = arith.constant 32 : i32
        %add3A_327 = arith.addi %mul3A_325, %add3A_326 : i32
        %rem3A_328 = arith.constant 128 : i32
        %rem3A_329 = arith.remsi %add3A_327, %rem3A_328 : i32
        %multiple_of3A_330 = tpu.assume_multiple %rem3A_329, 8 : i32
        %lt3A_331 = arith.constant 3 : i32
        %lt3A_332 = arith.cmpi slt, %rem3A_291, %lt3A_331 : i32
        %convert_element_type3A_333 = arith.extui %lt3A_332 : i1 to i32
        %cond3A_334 = arith.constant 0 : i32
        %cond3A_335 = arith.cmpi ne, %convert_element_type3A_333, %cond3A_334 : i32
        scf.if %cond3A_335 {
          %dma_start3A_341 = arith.constant 0 : i32
          %dma_start3A_342 = arith.constant 0 : i32
          %dma_start3A_343 = tpu.memref_slice %arg4[%rem3A_293, %dma_start3A_341, %dma_start3A_342] : memref<2x40x768xf32, #tpu.memory_space<vmem>> -> memref<1x40x768xf32, #tpu.memory_space<vmem>>
          %dma_start3A_344 = tpu.memref_squeeze %dma_start3A_343 : memref<1x40x768xf32, #tpu.memory_space<vmem>> -> memref<40x768xf32, #tpu.memory_space<vmem>>
          %dma_start3A_345 = arith.constant 0 : i32
          %dma_start3A_346 = tpu.memref_slice %arg2[%add3A_320, %multiple_of3A_323, %dma_start3A_345] : memref<196x128x768xf32, #tpu.memory_space<hbm>> -> memref<1x40x768xf32, #tpu.memory_space<hbm>>
          %dma_start3A_347 = tpu.memref_squeeze %dma_start3A_346 : memref<1x40x768xf32, #tpu.memory_space<hbm>> -> memref<40x768xf32, #tpu.memory_space<hbm>>
          %dma_start3A_348 = arith.constant 0 : i32
          %dma_start3A_349 = arith.constant 0 : i32
          %dma_start3A_350 = tpu.memref_slice %arg4[%rem3A_293, %dma_start3A_348, %dma_start3A_349] : memref<2x40x768xf32, #tpu.memory_space<vmem>> -> memref<1x40x768xf32, #tpu.memory_space<vmem>>
          %dma_start3A_351 = tpu.memref_squeeze %dma_start3A_350 : memref<1x40x768xf32, #tpu.memory_space<vmem>> -> memref<40x768xf32, #tpu.memory_space<vmem>>
          %dma_start3A_352 = arith.constant 0 : i32
          %dma_start3A_353 = tpu.memref_slice %arg2[%add3A_320, %multiple_of3A_323, %dma_start3A_352] : memref<196x128x768xf32, #tpu.memory_space<hbm>> -> memref<1x40x768xf32, #tpu.memory_space<hbm>>
          %dma_start3A_354 = tpu.memref_squeeze %dma_start3A_353 : memref<1x40x768xf32, #tpu.memory_space<hbm>> -> memref<40x768xf32, #tpu.memory_space<hbm>>
          tpu.enqueue_dma source(%dma_start3A_354 : memref<40x768xf32, #tpu.memory_space<hbm>>) target(%dma_start3A_351 : memref<40x768xf32, #tpu.memory_space<vmem>>) target_semaphore(%arg6 : memref<!tpu.dma_semaphore, #tpu.memory_space<semaphore_mem>>)
        } else {
        }
        %eq3A_336 = arith.constant 3 : i32
        %eq3A_337 = arith.cmpi eq, %rem3A_291, %eq3A_336 : i32
        %convert_element_type3A_338 = arith.extui %eq3A_337 : i1 to i32
        %cond3A_339 = arith.constant 0 : i32
        %cond3A_340 = arith.cmpi ne, %convert_element_type3A_338, %cond3A_339 : i32
        scf.if %cond3A_340 {
          %dma_start3A_341 = arith.constant 0 : i32
          %dma_start3A_342 = arith.constant 0 : i32
          %dma_start3A_343 = tpu.memref_slice %arg4[%rem3A_293, %dma_start3A_341, %dma_start3A_342] : memref<2x40x768xf32, #tpu.memory_space<vmem>> -> memref<1x32x768xf32, #tpu.memory_space<vmem>>
          %dma_start3A_344 = tpu.memref_squeeze %dma_start3A_343 : memref<1x32x768xf32, #tpu.memory_space<vmem>> -> memref<32x768xf32, #tpu.memory_space<vmem>>
          %dma_start3A_345 = arith.constant 0 : i32
          %dma_start3A_346 = tpu.memref_slice %arg2[%add3A_320, %multiple_of3A_323, %dma_start3A_345] : memref<196x128x768xf32, #tpu.memory_space<hbm>> -> memref<1x32x768xf32, #tpu.memory_space<hbm>>
          %dma_start3A_347 = tpu.memref_squeeze %dma_start3A_346 : memref<1x32x768xf32, #tpu.memory_space<hbm>> -> memref<32x768xf32, #tpu.memory_space<hbm>>
          %dma_start3A_348 = arith.constant 0 : i32
          %dma_start3A_349 = arith.constant 0 : i32
          %dma_start3A_350 = tpu.memref_slice %arg4[%rem3A_293, %dma_start3A_348, %dma_start3A_349] : memref<2x40x768xf32, #tpu.memory_space<vmem>> -> memref<1x32x768xf32, #tpu.memory_space<vmem>>
          %dma_start3A_351 = tpu.memref_squeeze %dma_start3A_350 : memref<1x32x768xf32, #tpu.memory_space<vmem>> -> memref<32x768xf32, #tpu.memory_space<vmem>>
          %dma_start3A_352 = arith.constant 0 : i32
          %dma_start3A_353 = tpu.memref_slice %arg2[%add3A_320, %multiple_of3A_323, %dma_start3A_352] : memref<196x128x768xf32, #tpu.memory_space<hbm>> -> memref<1x32x768xf32, #tpu.memory_space<hbm>>
          %dma_start3A_354 = tpu.memref_squeeze %dma_start3A_353 : memref<1x32x768xf32, #tpu.memory_space<hbm>> -> memref<32x768xf32, #tpu.memory_space<hbm>>
          tpu.enqueue_dma source(%dma_start3A_354 : memref<32x768xf32, #tpu.memory_space<hbm>>) target(%dma_start3A_351 : memref<32x768xf32, #tpu.memory_space<vmem>>) target_semaphore(%arg6 : memref<!tpu.dma_semaphore, #tpu.memory_space<semaphore_mem>>)
          %dma_start3A_355 = arith.constant 32 : i32
          %dma_start3A_356 = arith.constant 0 : i32
          %dma_start3A_357 = tpu.memref_slice %arg4[%rem3A_293, %dma_start3A_355, %dma_start3A_356] : memref<2x40x768xf32, #tpu.memory_space<vmem>> -> memref<1x8x768xf32, #tpu.memory_space<vmem>>
          %dma_start3A_358 = tpu.memref_squeeze %dma_start3A_357 : memref<1x8x768xf32, #tpu.memory_space<vmem>> -> memref<8x768xf32, #tpu.memory_space<vmem>>
          %dma_start3A_359 = arith.constant 0 : i32
          %dma_start3A_360 = tpu.memref_slice %arg2[%add3A_320, %multiple_of3A_330, %dma_start3A_359] : memref<196x128x768xf32, #tpu.memory_space<hbm>> -> memref<1x8x768xf32, #tpu.memory_space<hbm>>
          %dma_start3A_361 = tpu.memref_squeeze %dma_start3A_360 : memref<1x8x768xf32, #tpu.memory_space<hbm>> -> memref<8x768xf32, #tpu.memory_space<hbm>>
          %dma_start3A_362 = arith.constant 32 : i32
          %dma_start3A_363 = arith.constant 0 : i32
          %dma_start3A_364 = tpu.memref_slice %arg4[%rem3A_293, %dma_start3A_362, %dma_start3A_363] : memref<2x40x768xf32, #tpu.memory_space<vmem>> -> memref<1x8x768xf32, #tpu.memory_space<vmem>>
          %dma_start3A_365 = tpu.memref_squeeze %dma_start3A_364 : memref<1x8x768xf32, #tpu.memory_space<vmem>> -> memref<8x768xf32, #tpu.memory_space<vmem>>
          %dma_start3A_366 = arith.constant 0 : i32
          %dma_start3A_367 = tpu.memref_slice %arg2[%add3A_320, %multiple_of3A_330, %dma_start3A_366] : memref<196x128x768xf32, #tpu.memory_space<hbm>> -> memref<1x8x768xf32, #tpu.memory_space<hbm>>
          %dma_start3A_368 = tpu.memref_squeeze %dma_start3A_367 : memref<1x8x768xf32, #tpu.memory_space<hbm>> -> memref<8x768xf32, #tpu.memory_space<hbm>>
          tpu.enqueue_dma source(%dma_start3A_368 : memref<8x768xf32, #tpu.memory_space<hbm>>) target(%dma_start3A_365 : memref<8x768xf32, #tpu.memory_space<vmem>>) target_semaphore(%arg6 : memref<!tpu.dma_semaphore, #tpu.memory_space<semaphore_mem>>)
        } else {
        }
      } else {
      }
      %rem3A_270 = arith.constant 2 : i32
      %rem3A_271 = arith.remsi %while3A_189, %rem3A_270 : i32
      %parallel_loop3A = arith.constant 0 : i32
      %parallel_loop3A_272 = arith.constant 32 : i32
      %parallel_loop3A_273 = arith.constant 1 : i32
      scf.for %parallel_loop3A_287 = %parallel_loop3A to %parallel_loop3A_272 step %parallel_loop3A_273  : i32 {
        %parallel_loop3A_288 = arith.addi %parallel_loop3A_287, %select_n3A : i32
        %parallel_loop3A_289 = arith.constant 0 : i32
        %parallel_loop3A_290 = tpu.memref_slice %arg4[%rem3A_271, %parallel_loop3A_288, %parallel_loop3A_289] : memref<2x40x768xf32, #tpu.memory_space<vmem>> -> memref<1x1x768xf32, #tpu.memory_space<vmem>>
        %parallel_loop3A_291 = tpu.memref_squeeze %parallel_loop3A_290 : memref<1x1x768xf32, #tpu.memory_space<vmem>> -> memref<768xf32, #tpu.memory_space<vmem>>
        %parallel_loop3A_292 = arith.constant 0 : index
        %parallel_loop3A_293 = tpu.vector_load %parallel_loop3A_291[%parallel_loop3A_292] {strides = array<i32>} : memref<768xf32, #tpu.memory_space<vmem>>, vector<16xf32>,
        %parallel_loop3A_294 = vector.shape_cast %parallel_loop3A_293 : vector<16xf32> to vector<16xf32>
        %parallel_loop3A_295 = arith.constant 0 : i32
        %parallel_loop3A_296 = tpu.memref_slice %arg5[%rem3A_271, %parallel_loop3A_287, %parallel_loop3A_295] : memref<2x32x768xf32, #tpu.memory_space<vmem>> -> memref<1x1x768xf32, #tpu.memory_space<vmem>>
        %parallel_loop3A_297 = tpu.memref_squeeze %parallel_loop3A_296 : memref<1x1x768xf32, #tpu.memory_space<vmem>> -> memref<768xf32, #tpu.memory_space<vmem>>
        %parallel_loop3A_298 = arith.constant 0 : index
        %parallel_loop3A_299 = tpu.vector_load %parallel_loop3A_297[%parallel_loop3A_298] {strides = array<i32>} : memref<768xf32, #tpu.memory_space<vmem>>, vector<16xf32>,
        %parallel_loop3A_300 = vector.shape_cast %parallel_loop3A_299 : vector<16xf32> to vector<16xf32>
        %parallel_loop3A_301 = vector.shape_cast %parallel_loop3A_294 : vector<16xf32> to vector<16xf32>
        tpu.vector_store %parallel_loop3A_297[%parallel_loop3A_298], %parallel_loop3A_301 {strides = array<i32>} : memref<768xf32, #tpu.memory_space<vmem>>, vector<16xf32>,
        %parallel_loop3A_302 = arith.constant 0 : i32
        %parallel_loop3A_303 = tpu.memref_slice %arg4[%rem3A_271, %parallel_loop3A_288, %parallel_loop3A_302] : memref<2x40x768xf32, #tpu.memory_space<vmem>> -> memref<1x1x768xf32, #tpu.memory_space<vmem>>
        %parallel_loop3A_304 = tpu.memref_squeeze %parallel_loop3A_303 : memref<1x1x768xf32, #tpu.memory_space<vmem>> -> memref<768xf32, #tpu.memory_space<vmem>>
        %parallel_loop3A_305 = arith.constant 16 : index
        %parallel_loop3A_306 = tpu.vector_load %parallel_loop3A_304[%parallel_loop3A_305] {strides = array<i32>} : memref<768xf32, #tpu.memory_space<vmem>>, vector<16xf32>,
        %parallel_loop3A_307 = vector.shape_cast %parallel_loop3A_306 : vector<16xf32> to vector<16xf32>
        %parallel_loop3A_308 = arith.constant 0 : i32
        %parallel_loop3A_309 = tpu.memref_slice %arg5[%rem3A_271, %parallel_loop3A_287, %parallel_loop3A_308] : memref<2x32x768xf32, #tpu.memory_space<vmem>> -> memref<1x1x768xf32, #tpu.memory_space<vmem>>
        %parallel_loop3A_310 = tpu.memref_squeeze %parallel_loop3A_309 : memref<1x1x768xf32, #tpu.memory_space<vmem>> -> memref<768xf32, #tpu.memory_space<vmem>>
        %parallel_loop3A_311 = arith.constant 16 : index
        %parallel_loop3A_312 = tpu.vector_load %parallel_loop3A_310[%parallel_loop3A_311] {strides = array<i32>} : memref<768xf32, #tpu.memory_space<vmem>>, vector<16xf32>,
        %parallel_loop3A_313 = vector.shape_cast %parallel_loop3A_312 : vector<16xf32> to vector<16xf32>
        %parallel_loop3A_314 = vector.shape_cast %parallel_loop3A_307 : vector<16xf32> to vector<16xf32>
        tpu.vector_store %parallel_loop3A_310[%parallel_loop3A_311], %parallel_loop3A_314 {strides = array<i32>} : memref<768xf32, #tpu.memory_space<vmem>>, vector<16xf32>,
        %parallel_loop3A_315 = arith.constant 0 : i32
        %parallel_loop3A_316 = tpu.memref_slice %arg4[%rem3A_271, %parallel_loop3A_288, %parallel_loop3A_315] : memref<2x40x768xf32, #tpu.memory_space<vmem>> -> memref<1x1x768xf32, #tpu.memory_space<vmem>>
        %parallel_loop3A_317 = tpu.memref_squeeze %parallel_loop3A_316 : memref<1x1x768xf32, #tpu.memory_space<vmem>> -> memref<768xf32, #tpu.memory_space<vmem>>
        %parallel_loop3A_318 = arith.constant 32 : index
        %parallel_loop3A_319 = tpu.vector_load %parallel_loop3A_317[%parallel_loop3A_318] {strides = array<i32>} : memref<768xf32, #tpu.memory_space<vmem>>, vector<16xf32>,
        %parallel_loop3A_320 = vector.shape_cast %parallel_loop3A_319 : vector<16xf32> to vector<16xf32>
        %parallel_loop3A_321 = arith.constant 0 : i32
        %parallel_loop3A_322 = tpu.memref_slice %arg5[%rem3A_271, %parallel_loop3A_287, %parallel_loop3A_321] : memref<2x32x768xf32, #tpu.memory_space<vmem>> -> memref<1x1x768xf32, #tpu.memory_space<vmem>>
        %parallel_loop3A_323 = tpu.memref_squeeze %parallel_loop3A_322 : memref<1x1x768xf32, #tpu.memory_space<vmem>> -> memref<768xf32, #tpu.memory_space<vmem>>
        %parallel_loop3A_324 = arith.constant 32 : index
        %parallel_loop3A_325 = tpu.vector_load %parallel_loop3A_323[%parallel_loop3A_324] {strides = array<i32>} : memref<768xf32, #tpu.memory_space<vmem>>, vector<16xf32>,
        %parallel_loop3A_326 = vector.shape_cast %parallel_loop3A_325 : vector<16xf32> to vector<16xf32>
        %parallel_loop3A_327 = vector.shape_cast %parallel_loop3A_320 : vector<16xf32> to vector<16xf32>
        tpu.vector_store %parallel_loop3A_323[%parallel_loop3A_324], %parallel_loop3A_327 {strides = array<i32>} : memref<768xf32, #tpu.memory_space<vmem>>, vector<16xf32>,
        %parallel_loop3A_328 = arith.constant 0 : i32
        %parallel_loop3A_329 = tpu.memref_slice %arg4[%rem3A_271, %parallel_loop3A_288, %parallel_loop3A_328] : memref<2x40x768xf32, #tpu.memory_space<vmem>> -> memref<1x1x768xf32, #tpu.memory_space<vmem>>
        %parallel_loop3A_330 = tpu.memref_squeeze %parallel_loop3A_329 : memref<1x1x768xf32, #tpu.memory_space<vmem>> -> memref<768xf32, #tpu.memory_space<vmem>>
        %parallel_loop3A_331 = arith.constant 48 : index
        %parallel_loop3A_332 = tpu.vector_load %parallel_loop3A_330[%parallel_loop3A_331] {strides = array<i32>} : memref<768xf32, #tpu.memory_space<vmem>>, vector<16xf32>,
        %parallel_loop3A_333 = vector.shape_cast %parallel_loop3A_332 : vector<16xf32> to vector<16xf32>
        %parallel_loop3A_334 = arith.constant 0 : i32
        %parallel_loop3A_335 = tpu.memref_slice %arg5[%rem3A_271, %parallel_loop3A_287, %parallel_loop3A_334] : memref<2x32x768xf32, #tpu.memory_space<vmem>> -> memref<1x1x768xf32, #tpu.memory_space<vmem>>
        %parallel_loop3A_336 = tpu.memref_squeeze %parallel_loop3A_335 : memref<1x1x768xf32, #tpu.memory_space<vmem>> -> memref<768xf32, #tpu.memory_space<vmem>>
        %parallel_loop3A_337 = arith.constant 48 : index
        %parallel_loop3A_338 = tpu.vector_load %parallel_loop3A_336[%parallel_loop3A_337] {strides = array<i32>} : memref<768xf32, #tpu.memory_space<vmem>>, vector<16xf32>,
        %parallel_loop3A_339 = vector.shape_cast %parallel_loop3A_338 : vector<16xf32> to vector<16xf32>
        %parallel_loop3A_340 = vector.shape_cast %parallel_loop3A_333 : vector<16xf32> to vector<16xf32>
        tpu.vector_store %parallel_loop3A_336[%parallel_loop3A_337], %parallel_loop3A_340 {strides = array<i32>} : memref<768xf32, #tpu.memory_space<vmem>>, vector<16xf32>,
        %parallel_loop3A_341 = arith.constant 0 : i32
        %parallel_loop3A_342 = tpu.memref_slice %arg4[%rem3A_271, %parallel_loop3A_288, %parallel_loop3A_341] : memref<2x40x768xf32, #tpu.memory_space<vmem>> -> memref<1x1x768xf32, #tpu.memory_space<vmem>>
        %parallel_loop3A_343 = tpu.memref_squeeze %parallel_loop3A_342 : memref<1x1x768xf32, #tpu.memory_space<vmem>> -> memref<768xf32, #tpu.memory_space<vmem>>
        %parallel_loop3A_344 = arith.constant 64 : index
        %parallel_loop3A_345 = tpu.vector_load %parallel_loop3A_343[%parallel_loop3A_344] {strides = array<i32>} : memref<768xf32, #tpu.memory_space<vmem>>, vector<16xf32>,
        %parallel_loop3A_346 = vector.shape_cast %parallel_loop3A_345 : vector<16xf32> to vector<16xf32>
        %parallel_loop3A_347 = arith.constant 0 : i32
        %parallel_loop3A_348 = tpu.memref_slice %arg5[%rem3A_271, %parallel_loop3A_287, %parallel_loop3A_347] : memref<2x32x768xf32, #tpu.memory_space<vmem>> -> memref<1x1x768xf32, #tpu.memory_space<vmem>>
        %parallel_loop3A_349 = tpu.memref_squeeze %parallel_loop3A_348 : memref<1x1x768xf32, #tpu.memory_space<vmem>> -> memref<768xf32, #tpu.memory_space<vmem>>
        %parallel_loop3A_350 = arith.constant 64 : index
        %parallel_loop3A_351 = tpu.vector_load %parallel_loop3A_349[%parallel_loop3A_350] {strides = array<i32>} : memref<768xf32, #tpu.memory_space<vmem>>, vector<16xf32>,
        %parallel_loop3A_352 = vector.shape_cast %parallel_loop3A_351 : vector<16xf32> to vector<16xf32>
        %parallel_loop3A_353 = vector.shape_cast %parallel_loop3A_346 : vector<16xf32> to vector<16xf32>
        tpu.vector_store %parallel_loop3A_349[%parallel_loop3A_350], %parallel_loop3A_353 {strides = array<i32>} : memref<768xf32, #tpu.memory_space<vmem>>, vector<16xf32>,
        %parallel_loop3A_354 = arith.constant 0 : i32
        %parallel_loop3A_355 = tpu.memref_slice %arg4[%rem3A_271, %parallel_loop3A_288, %parallel_loop3A_354] : memref<2x40x768xf32, #tpu.memory_space<vmem>> -> memref<1x1x768xf32, #tpu.memory_space<vmem>>
        %parallel_loop3A_356 = tpu.memref_squeeze %parallel_loop3A_355 : memref<1x1x768xf32, #tpu.memory_space<vmem>> -> memref<768xf32, #tpu.memory_space<vmem>>
        %parallel_loop3A_357 = arith.constant 80 : index
        %parallel_loop3A_358 = tpu.vector_load %parallel_loop3A_356[%parallel_loop3A_357] {strides = array<i32>} : memref<768xf32, #tpu.memory_space<vmem>>, vector<16xf32>,
        %parallel_loop3A_359 = vector.shape_cast %parallel_loop3A_358 : vector<16xf32> to vector<16xf32>
        %parallel_loop3A_360 = arith.constant 0 : i32
        %parallel_loop3A_361 = tpu.memref_slice %arg5[%rem3A_271, %parallel_loop3A_287, %parallel_loop3A_360] : memref<2x32x768xf32, #tpu.memory_space<vmem>> -> memref<1x1x768xf32, #tpu.memory_space<vmem>>
        %parallel_loop3A_362 = tpu.memref_squeeze %parallel_loop3A_361 : memref<1x1x768xf32, #tpu.memory_space<vmem>> -> memref<768xf32, #tpu.memory_space<vmem>>
        %parallel_loop3A_363 = arith.constant 80 : index
        %parallel_loop3A_364 = tpu.vector_load %parallel_loop3A_362[%parallel_loop3A_363] {strides = array<i32>} : memref<768xf32, #tpu.memory_space<vmem>>, vector<16xf32>,
        %parallel_loop3A_365 = vector.shape_cast %parallel_loop3A_364 : vector<16xf32> to vector<16xf32>
        %parallel_loop3A_366 = vector.shape_cast %parallel_loop3A_359 : vector<16xf32> to vector<16xf32>
        tpu.vector_store %parallel_loop3A_362[%parallel_loop3A_363], %parallel_loop3A_366 {strides = array<i32>} : memref<768xf32, #tpu.memory_space<vmem>>, vector<16xf32>,
        %parallel_loop3A_367 = arith.constant 0 : i32
        %parallel_loop3A_368 = tpu.memref_slice %arg4[%rem3A_271, %parallel_loop3A_288, %parallel_loop3A_367] : memref<2x40x768xf32, #tpu.memory_space<vmem>> -> memref<1x1x768xf32, #tpu.memory_space<vmem>>
        %parallel_loop3A_369 = tpu.memref_squeeze %parallel_loop3A_368 : memref<1x1x768xf32, #tpu.memory_space<vmem>> -> memref<768xf32, #tpu.memory_space<vmem>>
        %parallel_loop3A_370 = arith.constant 96 : index
        %parallel_loop3A_371 = tpu.vector_load %parallel_loop3A_369[%parallel_loop3A_370] {strides = array<i32>} : memref<768xf32, #tpu.memory_space<vmem>>, vector<16xf32>,
        %parallel_loop3A_372 = vector.shape_cast %parallel_loop3A_371 : vector<16xf32> to vector<16xf32>
        %parallel_loop3A_373 = arith.constant 0 : i32
        %parallel_loop3A_374 = tpu.memref_slice %arg5[%rem3A_271, %parallel_loop3A_287, %parallel_loop3A_373] : memref<2x32x768xf32, #tpu.memory_space<vmem>> -> memref<1x1x768xf32, #tpu.memory_space<vmem>>
        %parallel_loop3A_375 = tpu.memref_squeeze %parallel_loop3A_374 : memref<1x1x768xf32, #tpu.memory_space<vmem>> -> memref<768xf32, #tpu.memory_space<vmem>>
        %parallel_loop3A_376 = arith.constant 96 : index
        %parallel_loop3A_377 = tpu.vector_load %parallel_loop3A_375[%parallel_loop3A_376] {strides = array<i32>} : memref<768xf32, #tpu.memory_space<vmem>>, vector<16xf32>,
        %parallel_loop3A_378 = vector.shape_cast %parallel_loop3A_377 : vector<16xf32> to vector<16xf32>
        %parallel_loop3A_379 = vector.shape_cast %parallel_loop3A_372 : vector<16xf32> to vector<16xf32>
        tpu.vector_store %parallel_loop3A_375[%parallel_loop3A_376], %parallel_loop3A_379 {strides = array<i32>} : memref<768xf32, #tpu.memory_space<vmem>>, vector<16xf32>,
        %parallel_loop3A_380 = arith.constant 0 : i32
        %parallel_loop3A_381 = tpu.memref_slice %arg4[%rem3A_271, %parallel_loop3A_288, %parallel_loop3A_380] : memref<2x40x768xf32, #tpu.memory_space<vmem>> -> memref<1x1x768xf32, #tpu.memory_space<vmem>>
        %parallel_loop3A_382 = tpu.memref_squeeze %parallel_loop3A_381 : memref<1x1x768xf32, #tpu.memory_space<vmem>> -> memref<768xf32, #tpu.memory_space<vmem>>
        %parallel_loop3A_383 = arith.constant 112 : index
        %parallel_loop3A_384 = tpu.vector_load %parallel_loop3A_382[%parallel_loop3A_383] {strides = array<i32>} : memref<768xf32, #tpu.memory_space<vmem>>, vector<16xf32>,
        %parallel_loop3A_385 = vector.shape_cast %parallel_loop3A_384 : vector<16xf32> to vector<16xf32>
        %parallel_loop3A_386 = arith.constant 0 : i32
        %parallel_loop3A_387 = tpu.memref_slice %arg5[%rem3A_271, %parallel_loop3A_287, %parallel_loop3A_386] : memref<2x32x768xf32, #tpu.memory_space<vmem>> -> memref<1x1x768xf32, #tpu.memory_space<vmem>>
        %parallel_loop3A_388 = tpu.memref_squeeze %parallel_loop3A_387 : memref<1x1x768xf32, #tpu.memory_space<vmem>> -> memref<768xf32, #tpu.memory_space<vmem>>
        %parallel_loop3A_389 = arith.constant 112 : index
        %parallel_loop3A_390 = tpu.vector_load %parallel_loop3A_388[%parallel_loop3A_389] {strides = array<i32>} : memref<768xf32, #tpu.memory_space<vmem>>, vector<16xf32>,
        %parallel_loop3A_391 = vector.shape_cast %parallel_loop3A_390 : vector<16xf32> to vector<16xf32>
        %parallel_loop3A_392 = vector.shape_cast %parallel_loop3A_385 : vector<16xf32> to vector<16xf32>
        tpu.vector_store %parallel_loop3A_388[%parallel_loop3A_389], %parallel_loop3A_392 {strides = array<i32>} : memref<768xf32, #tpu.memory_space<vmem>>, vector<16xf32>,
        %parallel_loop3A_393 = arith.constant 0 : i32
        %parallel_loop3A_394 = tpu.memref_slice %arg4[%rem3A_271, %parallel_loop3A_288, %parallel_loop3A_393] : memref<2x40x768xf32, #tpu.memory_space<vmem>> -> memref<1x1x768xf32, #tpu.memory_space<vmem>>
        %parallel_loop3A_395 = tpu.memref_squeeze %parallel_loop3A_394 : memref<1x1x768xf32, #tpu.memory_space<vmem>> -> memref<768xf32, #tpu.memory_space<vmem>>
        %parallel_loop3A_396 = arith.constant 128 : index
        %parallel_loop3A_397 = tpu.vector_load %parallel_loop3A_395[%parallel_loop3A_396] {strides = array<i32>} : memref<768xf32, #tpu.memory_space<vmem>>, vector<16xf32>,
        %parallel_loop3A_398 = vector.shape_cast %parallel_loop3A_397 : vector<16xf32> to vector<16xf32>
        %parallel_loop3A_399 = arith.constant 0 : i32
        %parallel_loop3A_400 = tpu.memref_slice %arg5[%rem3A_271, %parallel_loop3A_287, %parallel_loop3A_399] : memref<2x32x768xf32, #tpu.memory_space<vmem>> -> memref<1x1x768xf32, #tpu.memory_space<vmem>>
        %parallel_loop3A_401 = tpu.memref_squeeze %parallel_loop3A_400 : memref<1x1x768xf32, #tpu.memory_space<vmem>> -> memref<768xf32, #tpu.memory_space<vmem>>
        %parallel_loop3A_402 = arith.constant 128 : index
        %parallel_loop3A_403 = tpu.vector_load %parallel_loop3A_401[%parallel_loop3A_402] {strides = array<i32>} : memref<768xf32, #tpu.memory_space<vmem>>, vector<16xf32>,
        %parallel_loop3A_404 = vector.shape_cast %parallel_loop3A_403 : vector<16xf32> to vector<16xf32>
        %parallel_loop3A_405 = vector.shape_cast %parallel_loop3A_398 : vector<16xf32> to vector<16xf32>
        tpu.vector_store %parallel_loop3A_401[%parallel_loop3A_402], %parallel_loop3A_405 {strides = array<i32>} : memref<768xf32, #tpu.memory_space<vmem>>, vector<16xf32>,
        %parallel_loop3A_406 = arith.constant 0 : i32
        %parallel_loop3A_407 = tpu.memref_slice %arg4[%rem3A_271, %parallel_loop3A_288, %parallel_loop3A_406] : memref<2x40x768xf32, #tpu.memory_space<vmem>> -> memref<1x1x768xf32, #tpu.memory_space<vmem>>
        %parallel_loop3A_408 = tpu.memref_squeeze %parallel_loop3A_407 : memref<1x1x768xf32, #tpu.memory_space<vmem>> -> memref<768xf32, #tpu.memory_space<vmem>>
        %parallel_loop3A_409 = arith.constant 144 : index
        %parallel_loop3A_410 = tpu.vector_load %parallel_loop3A_408[%parallel_loop3A_409] {strides = array<i32>} : memref<768xf32, #tpu.memory_space<vmem>>, vector<16xf32>,
        %parallel_loop3A_411 = vector.shape_cast %parallel_loop3A_410 : vector<16xf32> to vector<16xf32>
        %parallel_loop3A_412 = arith.constant 0 : i32
        %parallel_loop3A_413 = tpu.memref_slice %arg5[%rem3A_271, %parallel_loop3A_287, %parallel_loop3A_412] : memref<2x32x768xf32, #tpu.memory_space<vmem>> -> memref<1x1x768xf32, #tpu.memory_space<vmem>>
        %parallel_loop3A_414 = tpu.memref_squeeze %parallel_loop3A_413 : memref<1x1x768xf32, #tpu.memory_space<vmem>> -> memref<768xf32, #tpu.memory_space<vmem>>
        %parallel_loop3A_415 = arith.constant 144 : index
        %parallel_loop3A_416 = tpu.vector_load %parallel_loop3A_414[%parallel_loop3A_415] {strides = array<i32>} : memref<768xf32, #tpu.memory_space<vmem>>, vector<16xf32>,
        %parallel_loop3A_417 = vector.shape_cast %parallel_loop3A_416 : vector<16xf32> to vector<16xf32>
        %parallel_loop3A_418 = vector.shape_cast %parallel_loop3A_411 : vector<16xf32> to vector<16xf32>
        tpu.vector_store %parallel_loop3A_414[%parallel_loop3A_415], %parallel_loop3A_418 {strides = array<i32>} : memref<768xf32, #tpu.memory_space<vmem>>, vector<16xf32>,
        %parallel_loop3A_419 = arith.constant 0 : i32
        %parallel_loop3A_420 = tpu.memref_slice %arg4[%rem3A_271, %parallel_loop3A_288, %parallel_loop3A_419] : memref<2x40x768xf32, #tpu.memory_space<vmem>> -> memref<1x1x768xf32, #tpu.memory_space<vmem>>
        %parallel_loop3A_421 = tpu.memref_squeeze %parallel_loop3A_420 : memref<1x1x768xf32, #tpu.memory_space<vmem>> -> memref<768xf32, #tpu.memory_space<vmem>>
        %parallel_loop3A_422 = arith.constant 160 : index
        %parallel_loop3A_423 = tpu.vector_load %parallel_loop3A_421[%parallel_loop3A_422] {strides = array<i32>} : memref<768xf32, #tpu.memory_space<vmem>>, vector<16xf32>,
        %parallel_loop3A_424 = vector.shape_cast %parallel_loop3A_423 : vector<16xf32> to vector<16xf32>
        %parallel_loop3A_425 = arith.constant 0 : i32
        %parallel_loop3A_426 = tpu.memref_slice %arg5[%rem3A_271, %parallel_loop3A_287, %parallel_loop3A_425] : memref<2x32x768xf32, #tpu.memory_space<vmem>> -> memref<1x1x768xf32, #tpu.memory_space<vmem>>
        %parallel_loop3A_427 = tpu.memref_squeeze %parallel_loop3A_426 : memref<1x1x768xf32, #tpu.memory_space<vmem>> -> memref<768xf32, #tpu.memory_space<vmem>>
        %parallel_loop3A_428 = arith.constant 160 : index
        %parallel_loop3A_429 = tpu.vector_load %parallel_loop3A_427[%parallel_loop3A_428] {strides = array<i32>} : memref<768xf32, #tpu.memory_space<vmem>>, vector<16xf32>,
        %parallel_loop3A_430 = vector.shape_cast %parallel_loop3A_429 : vector<16xf32> to vector<16xf32>
        %parallel_loop3A_431 = vector.shape_cast %parallel_loop3A_424 : vector<16xf32> to vector<16xf32>
        tpu.vector_store %parallel_loop3A_427[%parallel_loop3A_428], %parallel_loop3A_431 {strides = array<i32>} : memref<768xf32, #tpu.memory_space<vmem>>, vector<16xf32>,
        %parallel_loop3A_432 = arith.constant 0 : i32
        %parallel_loop3A_433 = tpu.memref_slice %arg4[%rem3A_271, %parallel_loop3A_288, %parallel_loop3A_432] : memref<2x40x768xf32, #tpu.memory_space<vmem>> -> memref<1x1x768xf32, #tpu.memory_space<vmem>>
        %parallel_loop3A_434 = tpu.memref_squeeze %parallel_loop3A_433 : memref<1x1x768xf32, #tpu.memory_space<vmem>> -> memref<768xf32, #tpu.memory_space<vmem>>
        %parallel_loop3A_435 = arith.constant 176 : index
        %parallel_loop3A_436 = tpu.vector_load %parallel_loop3A_434[%parallel_loop3A_435] {strides = array<i32>} : memref<768xf32, #tpu.memory_space<vmem>>, vector<16xf32>,
        %parallel_loop3A_437 = vector.shape_cast %parallel_loop3A_436 : vector<16xf32> to vector<16xf32>
        %parallel_loop3A_438 = arith.constant 0 : i32
        %parallel_loop3A_439 = tpu.memref_slice %arg5[%rem3A_271, %parallel_loop3A_287, %parallel_loop3A_438] : memref<2x32x768xf32, #tpu.memory_space<vmem>> -> memref<1x1x768xf32, #tpu.memory_space<vmem>>
        %parallel_loop3A_440 = tpu.memref_squeeze %parallel_loop3A_439 : memref<1x1x768xf32, #tpu.memory_space<vmem>> -> memref<768xf32, #tpu.memory_space<vmem>>
        %parallel_loop3A_441 = arith.constant 176 : index
        %parallel_loop3A_442 = tpu.vector_load %parallel_loop3A_440[%parallel_loop3A_441] {strides = array<i32>} : memref<768xf32, #tpu.memory_space<vmem>>, vector<16xf32>,
        %parallel_loop3A_443 = vector.shape_cast %parallel_loop3A_442 : vector<16xf32> to vector<16xf32>
        %parallel_loop3A_444 = vector.shape_cast %parallel_loop3A_437 : vector<16xf32> to vector<16xf32>
        tpu.vector_store %parallel_loop3A_440[%parallel_loop3A_441], %parallel_loop3A_444 {strides = array<i32>} : memref<768xf32, #tpu.memory_space<vmem>>, vector<16xf32>,
        %parallel_loop3A_445 = arith.constant 0 : i32
        %parallel_loop3A_446 = tpu.memref_slice %arg4[%rem3A_271, %parallel_loop3A_288, %parallel_loop3A_445] : memref<2x40x768xf32, #tpu.memory_space<vmem>> -> memref<1x1x768xf32, #tpu.memory_space<vmem>>
        %parallel_loop3A_447 = tpu.memref_squeeze %parallel_loop3A_446 : memref<1x1x768xf32, #tpu.memory_space<vmem>> -> memref<768xf32, #tpu.memory_space<vmem>>
        %parallel_loop3A_448 = arith.constant 192 : index
        %parallel_loop3A_449 = tpu.vector_load %parallel_loop3A_447[%parallel_loop3A_448] {strides = array<i32>} : memref<768xf32, #tpu.memory_space<vmem>>, vector<16xf32>,
        %parallel_loop3A_450 = vector.shape_cast %parallel_loop3A_449 : vector<16xf32> to vector<16xf32>
        %parallel_loop3A_451 = arith.constant 0 : i32
        %parallel_loop3A_452 = tpu.memref_slice %arg5[%rem3A_271, %parallel_loop3A_287, %parallel_loop3A_451] : memref<2x32x768xf32, #tpu.memory_space<vmem>> -> memref<1x1x768xf32, #tpu.memory_space<vmem>>
        %parallel_loop3A_453 = tpu.memref_squeeze %parallel_loop3A_452 : memref<1x1x768xf32, #tpu.memory_space<vmem>> -> memref<768xf32, #tpu.memory_space<vmem>>
        %parallel_loop3A_454 = arith.constant 192 : index
        %parallel_loop3A_455 = tpu.vector_load %parallel_loop3A_453[%parallel_loop3A_454] {strides = array<i32>} : memref<768xf32, #tpu.memory_space<vmem>>, vector<16xf32>,
        %parallel_loop3A_456 = vector.shape_cast %parallel_loop3A_455 : vector<16xf32> to vector<16xf32>
        %parallel_loop3A_457 = vector.shape_cast %parallel_loop3A_450 : vector<16xf32> to vector<16xf32>
        tpu.vector_store %parallel_loop3A_453[%parallel_loop3A_454], %parallel_loop3A_457 {strides = array<i32>} : memref<768xf32, #tpu.memory_space<vmem>>, vector<16xf32>,
        %parallel_loop3A_458 = arith.constant 0 : i32
        %parallel_loop3A_459 = tpu.memref_slice %arg4[%rem3A_271, %parallel_loop3A_288, %parallel_loop3A_458] : memref<2x40x768xf32, #tpu.memory_space<vmem>> -> memref<1x1x768xf32, #tpu.memory_space<vmem>>
        %parallel_loop3A_460 = tpu.memref_squeeze %parallel_loop3A_459 : memref<1x1x768xf32, #tpu.memory_space<vmem>> -> memref<768xf32, #tpu.memory_space<vmem>>
        %parallel_loop3A_461 = arith.constant 208 : index
        %parallel_loop3A_462 = tpu.vector_load %parallel_loop3A_460[%parallel_loop3A_461] {strides = array<i32>} : memref<768xf32, #tpu.memory_space<vmem>>, vector<16xf32>,
        %parallel_loop3A_463 = vector.shape_cast %parallel_loop3A_462 : vector<16xf32> to vector<16xf32>
        %parallel_loop3A_464 = arith.constant 0 : i32
        %parallel_loop3A_465 = tpu.memref_slice %arg5[%rem3A_271, %parallel_loop3A_287, %parallel_loop3A_464] : memref<2x32x768xf32, #tpu.memory_space<vmem>> -> memref<1x1x768xf32, #tpu.memory_space<vmem>>
        %parallel_loop3A_466 = tpu.memref_squeeze %parallel_loop3A_465 : memref<1x1x768xf32, #tpu.memory_space<vmem>> -> memref<768xf32, #tpu.memory_space<vmem>>
        %parallel_loop3A_467 = arith.constant 208 : index
        %parallel_loop3A_468 = tpu.vector_load %parallel_loop3A_466[%parallel_loop3A_467] {strides = array<i32>} : memref<768xf32, #tpu.memory_space<vmem>>, vector<16xf32>,
        %parallel_loop3A_469 = vector.shape_cast %parallel_loop3A_468 : vector<16xf32> to vector<16xf32>
        %parallel_loop3A_470 = vector.shape_cast %parallel_loop3A_463 : vector<16xf32> to vector<16xf32>
        tpu.vector_store %parallel_loop3A_466[%parallel_loop3A_467], %parallel_loop3A_470 {strides = array<i32>} : memref<768xf32, #tpu.memory_space<vmem>>, vector<16xf32>,
        %parallel_loop3A_471 = arith.constant 0 : i32
        %parallel_loop3A_472 = tpu.memref_slice %arg4[%rem3A_271, %parallel_loop3A_288, %parallel_loop3A_471] : memref<2x40x768xf32, #tpu.memory_space<vmem>> -> memref<1x1x768xf32, #tpu.memory_space<vmem>>
        %parallel_loop3A_473 = tpu.memref_squeeze %parallel_loop3A_472 : memref<1x1x768xf32, #tpu.memory_space<vmem>> -> memref<768xf32, #tpu.memory_space<vmem>>
        %parallel_loop3A_474 = arith.constant 224 : index
        %parallel_loop3A_475 = tpu.vector_load %parallel_loop3A_473[%parallel_loop3A_474] {strides = array<i32>} : memref<768xf32, #tpu.memory_space<vmem>>, vector<16xf32>,
        %parallel_loop3A_476 = vector.shape_cast %parallel_loop3A_475 : vector<16xf32> to vector<16xf32>
        %parallel_loop3A_477 = arith.constant 0 : i32
        %parallel_loop3A_478 = tpu.memref_slice %arg5[%rem3A_271, %parallel_loop3A_287, %parallel_loop3A_477] : memref<2x32x768xf32, #tpu.memory_space<vmem>> -> memref<1x1x768xf32, #tpu.memory_space<vmem>>
        %parallel_loop3A_479 = tpu.memref_squeeze %parallel_loop3A_478 : memref<1x1x768xf32, #tpu.memory_space<vmem>> -> memref<768xf32, #tpu.memory_space<vmem>>
        %parallel_loop3A_480 = arith.constant 224 : index
        %parallel_loop3A_481 = tpu.vector_load %parallel_loop3A_479[%parallel_loop3A_480] {strides = array<i32>} : memref<768xf32, #tpu.memory_space<vmem>>, vector<16xf32>,
        %parallel_loop3A_482 = vector.shape_cast %parallel_loop3A_481 : vector<16xf32> to vector<16xf32>
        %parallel_loop3A_483 = vector.shape_cast %parallel_loop3A_476 : vector<16xf32> to vector<16xf32>
        tpu.vector_store %parallel_loop3A_479[%parallel_loop3A_480], %parallel_loop3A_483 {strides = array<i32>} : memref<768xf32, #tpu.memory_space<vmem>>, vector<16xf32>,
        %parallel_loop3A_484 = arith.constant 0 : i32
        %parallel_loop3A_485 = tpu.memref_slice %arg4[%rem3A_271, %parallel_loop3A_288, %parallel_loop3A_484] : memref<2x40x768xf32, #tpu.memory_space<vmem>> -> memref<1x1x768xf32, #tpu.memory_space<vmem>>
        %parallel_loop3A_486 = tpu.memref_squeeze %parallel_loop3A_485 : memref<1x1x768xf32, #tpu.memory_space<vmem>> -> memref<768xf32, #tpu.memory_space<vmem>>
        %parallel_loop3A_487 = arith.constant 240 : index
        %parallel_loop3A_488 = tpu.vector_load %parallel_loop3A_486[%parallel_loop3A_487] {strides = array<i32>} : memref<768xf32, #tpu.memory_space<vmem>>, vector<16xf32>,
        %parallel_loop3A_489 = vector.shape_cast %parallel_loop3A_488 : vector<16xf32> to vector<16xf32>
        %parallel_loop3A_490 = arith.constant 0 : i32
        %parallel_loop3A_491 = tpu.memref_slice %arg5[%rem3A_271, %parallel_loop3A_287, %parallel_loop3A_490] : memref<2x32x768xf32, #tpu.memory_space<vmem>> -> memref<1x1x768xf32, #tpu.memory_space<vmem>>
        %parallel_loop3A_492 = tpu.memref_squeeze %parallel_loop3A_491 : memref<1x1x768xf32, #tpu.memory_space<vmem>> -> memref<768xf32, #tpu.memory_space<vmem>>
        %parallel_loop3A_493 = arith.constant 240 : index
        %parallel_loop3A_494 = tpu.vector_load %parallel_loop3A_492[%parallel_loop3A_493] {strides = array<i32>} : memref<768xf32, #tpu.memory_space<vmem>>, vector<16xf32>,
        %parallel_loop3A_495 = vector.shape_cast %parallel_loop3A_494 : vector<16xf32> to vector<16xf32>
        %parallel_loop3A_496 = vector.shape_cast %parallel_loop3A_489 : vector<16xf32> to vector<16xf32>
        tpu.vector_store %parallel_loop3A_492[%parallel_loop3A_493], %parallel_loop3A_496 {strides = array<i32>} : memref<768xf32, #tpu.memory_space<vmem>>, vector<16xf32>,
        %parallel_loop3A_497 = arith.constant 0 : i32
        %parallel_loop3A_498 = tpu.memref_slice %arg4[%rem3A_271, %parallel_loop3A_288, %parallel_loop3A_497] : memref<2x40x768xf32, #tpu.memory_space<vmem>> -> memref<1x1x768xf32, #tpu.memory_space<vmem>>
        %parallel_loop3A_499 = tpu.memref_squeeze %parallel_loop3A_498 : memref<1x1x768xf32, #tpu.memory_space<vmem>> -> memref<768xf32, #tpu.memory_space<vmem>>
        %parallel_loop3A_500 = arith.constant 256 : index
        %parallel_loop3A_501 = tpu.vector_load %parallel_loop3A_499[%parallel_loop3A_500] {strides = array<i32>} : memref<768xf32, #tpu.memory_space<vmem>>, vector<16xf32>,
        %parallel_loop3A_502 = vector.shape_cast %parallel_loop3A_501 : vector<16xf32> to vector<16xf32>
        %parallel_loop3A_503 = arith.constant 0 : i32
        %parallel_loop3A_504 = tpu.memref_slice %arg5[%rem3A_271, %parallel_loop3A_287, %parallel_loop3A_503] : memref<2x32x768xf32, #tpu.memory_space<vmem>> -> memref<1x1x768xf32, #tpu.memory_space<vmem>>
        %parallel_loop3A_505 = tpu.memref_squeeze %parallel_loop3A_504 : memref<1x1x768xf32, #tpu.memory_space<vmem>> -> memref<768xf32, #tpu.memory_space<vmem>>
        %parallel_loop3A_506 = arith.constant 256 : index
        %parallel_loop3A_507 = tpu.vector_load %parallel_loop3A_505[%parallel_loop3A_506] {strides = array<i32>} : memref<768xf32, #tpu.memory_space<vmem>>, vector<16xf32>,
        %parallel_loop3A_508 = vector.shape_cast %parallel_loop3A_507 : vector<16xf32> to vector<16xf32>
        %parallel_loop3A_509 = vector.shape_cast %parallel_loop3A_502 : vector<16xf32> to vector<16xf32>
        tpu.vector_store %parallel_loop3A_505[%parallel_loop3A_506], %parallel_loop3A_509 {strides = array<i32>} : memref<768xf32, #tpu.memory_space<vmem>>, vector<16xf32>,
        %parallel_loop3A_510 = arith.constant 0 : i32
        %parallel_loop3A_511 = tpu.memref_slice %arg4[%rem3A_271, %parallel_loop3A_288, %parallel_loop3A_510] : memref<2x40x768xf32, #tpu.memory_space<vmem>> -> memref<1x1x768xf32, #tpu.memory_space<vmem>>
        %parallel_loop3A_512 = tpu.memref_squeeze %parallel_loop3A_511 : memref<1x1x768xf32, #tpu.memory_space<vmem>> -> memref<768xf32, #tpu.memory_space<vmem>>
        %parallel_loop3A_513 = arith.constant 272 : index
        %parallel_loop3A_514 = tpu.vector_load %parallel_loop3A_512[%parallel_loop3A_513] {strides = array<i32>} : memref<768xf32, #tpu.memory_space<vmem>>, vector<16xf32>,
        %parallel_loop3A_515 = vector.shape_cast %parallel_loop3A_514 : vector<16xf32> to vector<16xf32>
        %parallel_loop3A_516 = arith.constant 0 : i32
        %parallel_loop3A_517 = tpu.memref_slice %arg5[%rem3A_271, %parallel_loop3A_287, %parallel_loop3A_516] : memref<2x32x768xf32, #tpu.memory_space<vmem>> -> memref<1x1x768xf32, #tpu.memory_space<vmem>>
        %parallel_loop3A_518 = tpu.memref_squeeze %parallel_loop3A_517 : memref<1x1x768xf32, #tpu.memory_space<vmem>> -> memref<768xf32, #tpu.memory_space<vmem>>
        %parallel_loop3A_519 = arith.constant 272 : index
        %parallel_loop3A_520 = tpu.vector_load %parallel_loop3A_518[%parallel_loop3A_519] {strides = array<i32>} : memref<768xf32, #tpu.memory_space<vmem>>, vector<16xf32>,
        %parallel_loop3A_521 = vector.shape_cast %parallel_loop3A_520 : vector<16xf32> to vector<16xf32>
        %parallel_loop3A_522 = vector.shape_cast %parallel_loop3A_515 : vector<16xf32> to vector<16xf32>
        tpu.vector_store %parallel_loop3A_518[%parallel_loop3A_519], %parallel_loop3A_522 {strides = array<i32>} : memref<768xf32, #tpu.memory_space<vmem>>, vector<16xf32>,
        %parallel_loop3A_523 = arith.constant 0 : i32
        %parallel_loop3A_524 = tpu.memref_slice %arg4[%rem3A_271, %parallel_loop3A_288, %parallel_loop3A_523] : memref<2x40x768xf32, #tpu.memory_space<vmem>> -> memref<1x1x768xf32, #tpu.memory_space<vmem>>
        %parallel_loop3A_525 = tpu.memref_squeeze %parallel_loop3A_524 : memref<1x1x768xf32, #tpu.memory_space<vmem>> -> memref<768xf32, #tpu.memory_space<vmem>>
        %parallel_loop3A_526 = arith.constant 288 : index
        %parallel_loop3A_527 = tpu.vector_load %parallel_loop3A_525[%parallel_loop3A_526] {strides = array<i32>} : memref<768xf32, #tpu.memory_space<vmem>>, vector<16xf32>,
        %parallel_loop3A_528 = vector.shape_cast %parallel_loop3A_527 : vector<16xf32> to vector<16xf32>
        %parallel_loop3A_529 = arith.constant 0 : i32
        %parallel_loop3A_530 = tpu.memref_slice %arg5[%rem3A_271, %parallel_loop3A_287, %parallel_loop3A_529] : memref<2x32x768xf32, #tpu.memory_space<vmem>> -> memref<1x1x768xf32, #tpu.memory_space<vmem>>
        %parallel_loop3A_531 = tpu.memref_squeeze %parallel_loop3A_530 : memref<1x1x768xf32, #tpu.memory_space<vmem>> -> memref<768xf32, #tpu.memory_space<vmem>>
        %parallel_loop3A_532 = arith.constant 288 : index
        %parallel_loop3A_533 = tpu.vector_load %parallel_loop3A_531[%parallel_loop3A_532] {strides = array<i32>} : memref<768xf32, #tpu.memory_space<vmem>>, vector<16xf32>,
        %parallel_loop3A_534 = vector.shape_cast %parallel_loop3A_533 : vector<16xf32> to vector<16xf32>
        %parallel_loop3A_535 = vector.shape_cast %parallel_loop3A_528 : vector<16xf32> to vector<16xf32>
        tpu.vector_store %parallel_loop3A_531[%parallel_loop3A_532], %parallel_loop3A_535 {strides = array<i32>} : memref<768xf32, #tpu.memory_space<vmem>>, vector<16xf32>,
        %parallel_loop3A_536 = arith.constant 0 : i32
        %parallel_loop3A_537 = tpu.memref_slice %arg4[%rem3A_271, %parallel_loop3A_288, %parallel_loop3A_536] : memref<2x40x768xf32, #tpu.memory_space<vmem>> -> memref<1x1x768xf32, #tpu.memory_space<vmem>>
        %parallel_loop3A_538 = tpu.memref_squeeze %parallel_loop3A_537 : memref<1x1x768xf32, #tpu.memory_space<vmem>> -> memref<768xf32, #tpu.memory_space<vmem>>
        %parallel_loop3A_539 = arith.constant 304 : index
        %parallel_loop3A_540 = tpu.vector_load %parallel_loop3A_538[%parallel_loop3A_539] {strides = array<i32>} : memref<768xf32, #tpu.memory_space<vmem>>, vector<16xf32>,
        %parallel_loop3A_541 = vector.shape_cast %parallel_loop3A_540 : vector<16xf32> to vector<16xf32>
        %parallel_loop3A_542 = arith.constant 0 : i32
        %parallel_loop3A_543 = tpu.memref_slice %arg5[%rem3A_271, %parallel_loop3A_287, %parallel_loop3A_542] : memref<2x32x768xf32, #tpu.memory_space<vmem>> -> memref<1x1x768xf32, #tpu.memory_space<vmem>>
        %parallel_loop3A_544 = tpu.memref_squeeze %parallel_loop3A_543 : memref<1x1x768xf32, #tpu.memory_space<vmem>> -> memref<768xf32, #tpu.memory_space<vmem>>
        %parallel_loop3A_545 = arith.constant 304 : index
        %parallel_loop3A_546 = tpu.vector_load %parallel_loop3A_544[%parallel_loop3A_545] {strides = array<i32>} : memref<768xf32, #tpu.memory_space<vmem>>, vector<16xf32>,
        %parallel_loop3A_547 = vector.shape_cast %parallel_loop3A_546 : vector<16xf32> to vector<16xf32>
        %parallel_loop3A_548 = vector.shape_cast %parallel_loop3A_541 : vector<16xf32> to vector<16xf32>
        tpu.vector_store %parallel_loop3A_544[%parallel_loop3A_545], %parallel_loop3A_548 {strides = array<i32>} : memref<768xf32, #tpu.memory_space<vmem>>, vector<16xf32>,
        %parallel_loop3A_549 = arith.constant 0 : i32
        %parallel_loop3A_550 = tpu.memref_slice %arg4[%rem3A_271, %parallel_loop3A_288, %parallel_loop3A_549] : memref<2x40x768xf32, #tpu.memory_space<vmem>> -> memref<1x1x768xf32, #tpu.memory_space<vmem>>
        %parallel_loop3A_551 = tpu.memref_squeeze %parallel_loop3A_550 : memref<1x1x768xf32, #tpu.memory_space<vmem>> -> memref<768xf32, #tpu.memory_space<vmem>>
        %parallel_loop3A_552 = arith.constant 320 : index
        %parallel_loop3A_553 = tpu.vector_load %parallel_loop3A_551[%parallel_loop3A_552] {strides = array<i32>} : memref<768xf32, #tpu.memory_space<vmem>>, vector<16xf32>,
        %parallel_loop3A_554 = vector.shape_cast %parallel_loop3A_553 : vector<16xf32> to vector<16xf32>
        %parallel_loop3A_555 = arith.constant 0 : i32
        %parallel_loop3A_556 = tpu.memref_slice %arg5[%rem3A_271, %parallel_loop3A_287, %parallel_loop3A_555] : memref<2x32x768xf32, #tpu.memory_space<vmem>> -> memref<1x1x768xf32, #tpu.memory_space<vmem>>
        %parallel_loop3A_557 = tpu.memref_squeeze %parallel_loop3A_556 : memref<1x1x768xf32, #tpu.memory_space<vmem>> -> memref<768xf32, #tpu.memory_space<vmem>>
        %parallel_loop3A_558 = arith.constant 320 : index
        %parallel_loop3A_559 = tpu.vector_load %parallel_loop3A_557[%parallel_loop3A_558] {strides = array<i32>} : memref<768xf32, #tpu.memory_space<vmem>>, vector<16xf32>,
        %parallel_loop3A_560 = vector.shape_cast %parallel_loop3A_559 : vector<16xf32> to vector<16xf32>
        %parallel_loop3A_561 = vector.shape_cast %parallel_loop3A_554 : vector<16xf32> to vector<16xf32>
        tpu.vector_store %parallel_loop3A_557[%parallel_loop3A_558], %parallel_loop3A_561 {strides = array<i32>} : memref<768xf32, #tpu.memory_space<vmem>>, vector<16xf32>,
        %parallel_loop3A_562 = arith.constant 0 : i32
        %parallel_loop3A_563 = tpu.memref_slice %arg4[%rem3A_271, %parallel_loop3A_288, %parallel_loop3A_562] : memref<2x40x768xf32, #tpu.memory_space<vmem>> -> memref<1x1x768xf32, #tpu.memory_space<vmem>>
        %parallel_loop3A_564 = tpu.memref_squeeze %parallel_loop3A_563 : memref<1x1x768xf32, #tpu.memory_space<vmem>> -> memref<768xf32, #tpu.memory_space<vmem>>
        %parallel_loop3A_565 = arith.constant 336 : index
        %parallel_loop3A_566 = tpu.vector_load %parallel_loop3A_564[%parallel_loop3A_565] {strides = array<i32>} : memref<768xf32, #tpu.memory_space<vmem>>, vector<16xf32>,
        %parallel_loop3A_567 = vector.shape_cast %parallel_loop3A_566 : vector<16xf32> to vector<16xf32>
        %parallel_loop3A_568 = arith.constant 0 : i32
        %parallel_loop3A_569 = tpu.memref_slice %arg5[%rem3A_271, %parallel_loop3A_287, %parallel_loop3A_568] : memref<2x32x768xf32, #tpu.memory_space<vmem>> -> memref<1x1x768xf32, #tpu.memory_space<vmem>>
        %parallel_loop3A_570 = tpu.memref_squeeze %parallel_loop3A_569 : memref<1x1x768xf32, #tpu.memory_space<vmem>> -> memref<768xf32, #tpu.memory_space<vmem>>
        %parallel_loop3A_571 = arith.constant 336 : index
        %parallel_loop3A_572 = tpu.vector_load %parallel_loop3A_570[%parallel_loop3A_571] {strides = array<i32>} : memref<768xf32, #tpu.memory_space<vmem>>, vector<16xf32>,
        %parallel_loop3A_573 = vector.shape_cast %parallel_loop3A_572 : vector<16xf32> to vector<16xf32>
        %parallel_loop3A_574 = vector.shape_cast %parallel_loop3A_567 : vector<16xf32> to vector<16xf32>
        tpu.vector_store %parallel_loop3A_570[%parallel_loop3A_571], %parallel_loop3A_574 {strides = array<i32>} : memref<768xf32, #tpu.memory_space<vmem>>, vector<16xf32>,
        %parallel_loop3A_575 = arith.constant 0 : i32
        %parallel_loop3A_576 = tpu.memref_slice %arg4[%rem3A_271, %parallel_loop3A_288, %parallel_loop3A_575] : memref<2x40x768xf32, #tpu.memory_space<vmem>> -> memref<1x1x768xf32, #tpu.memory_space<vmem>>
        %parallel_loop3A_577 = tpu.memref_squeeze %parallel_loop3A_576 : memref<1x1x768xf32, #tpu.memory_space<vmem>> -> memref<768xf32, #tpu.memory_space<vmem>>
        %parallel_loop3A_578 = arith.constant 352 : index
        %parallel_loop3A_579 = tpu.vector_load %parallel_loop3A_577[%parallel_loop3A_578] {strides = array<i32>} : memref<768xf32, #tpu.memory_space<vmem>>, vector<16xf32>,
        %parallel_loop3A_580 = vector.shape_cast %parallel_loop3A_579 : vector<16xf32> to vector<16xf32>
        %parallel_loop3A_581 = arith.constant 0 : i32
        %parallel_loop3A_582 = tpu.memref_slice %arg5[%rem3A_271, %parallel_loop3A_287, %parallel_loop3A_581] : memref<2x32x768xf32, #tpu.memory_space<vmem>> -> memref<1x1x768xf32, #tpu.memory_space<vmem>>
        %parallel_loop3A_583 = tpu.memref_squeeze %parallel_loop3A_582 : memref<1x1x768xf32, #tpu.memory_space<vmem>> -> memref<768xf32, #tpu.memory_space<vmem>>
        %parallel_loop3A_584 = arith.constant 352 : index
        %parallel_loop3A_585 = tpu.vector_load %parallel_loop3A_583[%parallel_loop3A_584] {strides = array<i32>} : memref<768xf32, #tpu.memory_space<vmem>>, vector<16xf32>,
        %parallel_loop3A_586 = vector.shape_cast %parallel_loop3A_585 : vector<16xf32> to vector<16xf32>
        %parallel_loop3A_587 = vector.shape_cast %parallel_loop3A_580 : vector<16xf32> to vector<16xf32>
        tpu.vector_store %parallel_loop3A_583[%parallel_loop3A_584], %parallel_loop3A_587 {strides = array<i32>} : memref<768xf32, #tpu.memory_space<vmem>>, vector<16xf32>,
        %parallel_loop3A_588 = arith.constant 0 : i32
        %parallel_loop3A_589 = tpu.memref_slice %arg4[%rem3A_271, %parallel_loop3A_288, %parallel_loop3A_588] : memref<2x40x768xf32, #tpu.memory_space<vmem>> -> memref<1x1x768xf32, #tpu.memory_space<vmem>>
        %parallel_loop3A_590 = tpu.memref_squeeze %parallel_loop3A_589 : memref<1x1x768xf32, #tpu.memory_space<vmem>> -> memref<768xf32, #tpu.memory_space<vmem>>
        %parallel_loop3A_591 = arith.constant 368 : index
        %parallel_loop3A_592 = tpu.vector_load %parallel_loop3A_590[%parallel_loop3A_591] {strides = array<i32>} : memref<768xf32, #tpu.memory_space<vmem>>, vector<16xf32>,
        %parallel_loop3A_593 = vector.shape_cast %parallel_loop3A_592 : vector<16xf32> to vector<16xf32>
        %parallel_loop3A_594 = arith.constant 0 : i32
        %parallel_loop3A_595 = tpu.memref_slice %arg5[%rem3A_271, %parallel_loop3A_287, %parallel_loop3A_594] : memref<2x32x768xf32, #tpu.memory_space<vmem>> -> memref<1x1x768xf32, #tpu.memory_space<vmem>>
        %parallel_loop3A_596 = tpu.memref_squeeze %parallel_loop3A_595 : memref<1x1x768xf32, #tpu.memory_space<vmem>> -> memref<768xf32, #tpu.memory_space<vmem>>
        %parallel_loop3A_597 = arith.constant 368 : index
        %parallel_loop3A_598 = tpu.vector_load %parallel_loop3A_596[%parallel_loop3A_597] {strides = array<i32>} : memref<768xf32, #tpu.memory_space<vmem>>, vector<16xf32>,
        %parallel_loop3A_599 = vector.shape_cast %parallel_loop3A_598 : vector<16xf32> to vector<16xf32>
        %parallel_loop3A_600 = vector.shape_cast %parallel_loop3A_593 : vector<16xf32> to vector<16xf32>
        tpu.vector_store %parallel_loop3A_596[%parallel_loop3A_597], %parallel_loop3A_600 {strides = array<i32>} : memref<768xf32, #tpu.memory_space<vmem>>, vector<16xf32>,
        %parallel_loop3A_601 = arith.constant 0 : i32
        %parallel_loop3A_602 = tpu.memref_slice %arg4[%rem3A_271, %parallel_loop3A_288, %parallel_loop3A_601] : memref<2x40x768xf32, #tpu.memory_space<vmem>> -> memref<1x1x768xf32, #tpu.memory_space<vmem>>
        %parallel_loop3A_603 = tpu.memref_squeeze %parallel_loop3A_602 : memref<1x1x768xf32, #tpu.memory_space<vmem>> -> memref<768xf32, #tpu.memory_space<vmem>>
        %parallel_loop3A_604 = arith.constant 384 : index
        %parallel_loop3A_605 = tpu.vector_load %parallel_loop3A_603[%parallel_loop3A_604] {strides = array<i32>} : memref<768xf32, #tpu.memory_space<vmem>>, vector<16xf32>,
        %parallel_loop3A_606 = vector.shape_cast %parallel_loop3A_605 : vector<16xf32> to vector<16xf32>
        %parallel_loop3A_607 = arith.constant 0 : i32
        %parallel_loop3A_608 = tpu.memref_slice %arg5[%rem3A_271, %parallel_loop3A_287, %parallel_loop3A_607] : memref<2x32x768xf32, #tpu.memory_space<vmem>> -> memref<1x1x768xf32, #tpu.memory_space<vmem>>
        %parallel_loop3A_609 = tpu.memref_squeeze %parallel_loop3A_608 : memref<1x1x768xf32, #tpu.memory_space<vmem>> -> memref<768xf32, #tpu.memory_space<vmem>>
        %parallel_loop3A_610 = arith.constant 384 : index
        %parallel_loop3A_611 = tpu.vector_load %parallel_loop3A_609[%parallel_loop3A_610] {strides = array<i32>} : memref<768xf32, #tpu.memory_space<vmem>>, vector<16xf32>,
        %parallel_loop3A_612 = vector.shape_cast %parallel_loop3A_611 : vector<16xf32> to vector<16xf32>
        %parallel_loop3A_613 = vector.shape_cast %parallel_loop3A_606 : vector<16xf32> to vector<16xf32>
        tpu.vector_store %parallel_loop3A_609[%parallel_loop3A_610], %parallel_loop3A_613 {strides = array<i32>} : memref<768xf32, #tpu.memory_space<vmem>>, vector<16xf32>,
        %parallel_loop3A_614 = arith.constant 0 : i32
        %parallel_loop3A_615 = tpu.memref_slice %arg4[%rem3A_271, %parallel_loop3A_288, %parallel_loop3A_614] : memref<2x40x768xf32, #tpu.memory_space<vmem>> -> memref<1x1x768xf32, #tpu.memory_space<vmem>>
        %parallel_loop3A_616 = tpu.memref_squeeze %parallel_loop3A_615 : memref<1x1x768xf32, #tpu.memory_space<vmem>> -> memref<768xf32, #tpu.memory_space<vmem>>
        %parallel_loop3A_617 = arith.constant 400 : index
        %parallel_loop3A_618 = tpu.vector_load %parallel_loop3A_616[%parallel_loop3A_617] {strides = array<i32>} : memref<768xf32, #tpu.memory_space<vmem>>, vector<16xf32>,
        %parallel_loop3A_619 = vector.shape_cast %parallel_loop3A_618 : vector<16xf32> to vector<16xf32>
        %parallel_loop3A_620 = arith.constant 0 : i32
        %parallel_loop3A_621 = tpu.memref_slice %arg5[%rem3A_271, %parallel_loop3A_287, %parallel_loop3A_620] : memref<2x32x768xf32, #tpu.memory_space<vmem>> -> memref<1x1x768xf32, #tpu.memory_space<vmem>>
        %parallel_loop3A_622 = tpu.memref_squeeze %parallel_loop3A_621 : memref<1x1x768xf32, #tpu.memory_space<vmem>> -> memref<768xf32, #tpu.memory_space<vmem>>
        %parallel_loop3A_623 = arith.constant 400 : index
        %parallel_loop3A_624 = tpu.vector_load %parallel_loop3A_622[%parallel_loop3A_623] {strides = array<i32>} : memref<768xf32, #tpu.memory_space<vmem>>, vector<16xf32>,
        %parallel_loop3A_625 = vector.shape_cast %parallel_loop3A_624 : vector<16xf32> to vector<16xf32>
        %parallel_loop3A_626 = vector.shape_cast %parallel_loop3A_619 : vector<16xf32> to vector<16xf32>
        tpu.vector_store %parallel_loop3A_622[%parallel_loop3A_623], %parallel_loop3A_626 {strides = array<i32>} : memref<768xf32, #tpu.memory_space<vmem>>, vector<16xf32>,
        %parallel_loop3A_627 = arith.constant 0 : i32
        %parallel_loop3A_628 = tpu.memref_slice %arg4[%rem3A_271, %parallel_loop3A_288, %parallel_loop3A_627] : memref<2x40x768xf32, #tpu.memory_space<vmem>> -> memref<1x1x768xf32, #tpu.memory_space<vmem>>
        %parallel_loop3A_629 = tpu.memref_squeeze %parallel_loop3A_628 : memref<1x1x768xf32, #tpu.memory_space<vmem>> -> memref<768xf32, #tpu.memory_space<vmem>>
        %parallel_loop3A_630 = arith.constant 416 : index
        %parallel_loop3A_631 = tpu.vector_load %parallel_loop3A_629[%parallel_loop3A_630] {strides = array<i32>} : memref<768xf32, #tpu.memory_space<vmem>>, vector<16xf32>,
        %parallel_loop3A_632 = vector.shape_cast %parallel_loop3A_631 : vector<16xf32> to vector<16xf32>
        %parallel_loop3A_633 = arith.constant 0 : i32
        %parallel_loop3A_634 = tpu.memref_slice %arg5[%rem3A_271, %parallel_loop3A_287, %parallel_loop3A_633] : memref<2x32x768xf32, #tpu.memory_space<vmem>> -> memref<1x1x768xf32, #tpu.memory_space<vmem>>
        %parallel_loop3A_635 = tpu.memref_squeeze %parallel_loop3A_634 : memref<1x1x768xf32, #tpu.memory_space<vmem>> -> memref<768xf32, #tpu.memory_space<vmem>>
        %parallel_loop3A_636 = arith.constant 416 : index
        %parallel_loop3A_637 = tpu.vector_load %parallel_loop3A_635[%parallel_loop3A_636] {strides = array<i32>} : memref<768xf32, #tpu.memory_space<vmem>>, vector<16xf32>,
        %parallel_loop3A_638 = vector.shape_cast %parallel_loop3A_637 : vector<16xf32> to vector<16xf32>
        %parallel_loop3A_639 = vector.shape_cast %parallel_loop3A_632 : vector<16xf32> to vector<16xf32>
        tpu.vector_store %parallel_loop3A_635[%parallel_loop3A_636], %parallel_loop3A_639 {strides = array<i32>} : memref<768xf32, #tpu.memory_space<vmem>>, vector<16xf32>,
        %parallel_loop3A_640 = arith.constant 0 : i32
        %parallel_loop3A_641 = tpu.memref_slice %arg4[%rem3A_271, %parallel_loop3A_288, %parallel_loop3A_640] : memref<2x40x768xf32, #tpu.memory_space<vmem>> -> memref<1x1x768xf32, #tpu.memory_space<vmem>>
        %parallel_loop3A_642 = tpu.memref_squeeze %parallel_loop3A_641 : memref<1x1x768xf32, #tpu.memory_space<vmem>> -> memref<768xf32, #tpu.memory_space<vmem>>
        %parallel_loop3A_643 = arith.constant 432 : index
        %parallel_loop3A_644 = tpu.vector_load %parallel_loop3A_642[%parallel_loop3A_643] {strides = array<i32>} : memref<768xf32, #tpu.memory_space<vmem>>, vector<16xf32>,
        %parallel_loop3A_645 = vector.shape_cast %parallel_loop3A_644 : vector<16xf32> to vector<16xf32>
        %parallel_loop3A_646 = arith.constant 0 : i32
        %parallel_loop3A_647 = tpu.memref_slice %arg5[%rem3A_271, %parallel_loop3A_287, %parallel_loop3A_646] : memref<2x32x768xf32, #tpu.memory_space<vmem>> -> memref<1x1x768xf32, #tpu.memory_space<vmem>>
        %parallel_loop3A_648 = tpu.memref_squeeze %parallel_loop3A_647 : memref<1x1x768xf32, #tpu.memory_space<vmem>> -> memref<768xf32, #tpu.memory_space<vmem>>
        %parallel_loop3A_649 = arith.constant 432 : index
        %parallel_loop3A_650 = tpu.vector_load %parallel_loop3A_648[%parallel_loop3A_649] {strides = array<i32>} : memref<768xf32, #tpu.memory_space<vmem>>, vector<16xf32>,
        %parallel_loop3A_651 = vector.shape_cast %parallel_loop3A_650 : vector<16xf32> to vector<16xf32>
        %parallel_loop3A_652 = vector.shape_cast %parallel_loop3A_645 : vector<16xf32> to vector<16xf32>
        tpu.vector_store %parallel_loop3A_648[%parallel_loop3A_649], %parallel_loop3A_652 {strides = array<i32>} : memref<768xf32, #tpu.memory_space<vmem>>, vector<16xf32>,
        %parallel_loop3A_653 = arith.constant 0 : i32
        %parallel_loop3A_654 = tpu.memref_slice %arg4[%rem3A_271, %parallel_loop3A_288, %parallel_loop3A_653] : memref<2x40x768xf32, #tpu.memory_space<vmem>> -> memref<1x1x768xf32, #tpu.memory_space<vmem>>
        %parallel_loop3A_655 = tpu.memref_squeeze %parallel_loop3A_654 : memref<1x1x768xf32, #tpu.memory_space<vmem>> -> memref<768xf32, #tpu.memory_space<vmem>>
        %parallel_loop3A_656 = arith.constant 448 : index
        %parallel_loop3A_657 = tpu.vector_load %parallel_loop3A_655[%parallel_loop3A_656] {strides = array<i32>} : memref<768xf32, #tpu.memory_space<vmem>>, vector<16xf32>,
        %parallel_loop3A_658 = vector.shape_cast %parallel_loop3A_657 : vector<16xf32> to vector<16xf32>
        %parallel_loop3A_659 = arith.constant 0 : i32
        %parallel_loop3A_660 = tpu.memref_slice %arg5[%rem3A_271, %parallel_loop3A_287, %parallel_loop3A_659] : memref<2x32x768xf32, #tpu.memory_space<vmem>> -> memref<1x1x768xf32, #tpu.memory_space<vmem>>
        %parallel_loop3A_661 = tpu.memref_squeeze %parallel_loop3A_660 : memref<1x1x768xf32, #tpu.memory_space<vmem>> -> memref<768xf32, #tpu.memory_space<vmem>>
        %parallel_loop3A_662 = arith.constant 448 : index
        %parallel_loop3A_663 = tpu.vector_load %parallel_loop3A_661[%parallel_loop3A_662] {strides = array<i32>} : memref<768xf32, #tpu.memory_space<vmem>>, vector<16xf32>,
        %parallel_loop3A_664 = vector.shape_cast %parallel_loop3A_663 : vector<16xf32> to vector<16xf32>
        %parallel_loop3A_665 = vector.shape_cast %parallel_loop3A_658 : vector<16xf32> to vector<16xf32>
        tpu.vector_store %parallel_loop3A_661[%parallel_loop3A_662], %parallel_loop3A_665 {strides = array<i32>} : memref<768xf32, #tpu.memory_space<vmem>>, vector<16xf32>,
        %parallel_loop3A_666 = arith.constant 0 : i32
        %parallel_loop3A_667 = tpu.memref_slice %arg4[%rem3A_271, %parallel_loop3A_288, %parallel_loop3A_666] : memref<2x40x768xf32, #tpu.memory_space<vmem>> -> memref<1x1x768xf32, #tpu.memory_space<vmem>>
        %parallel_loop3A_668 = tpu.memref_squeeze %parallel_loop3A_667 : memref<1x1x768xf32, #tpu.memory_space<vmem>> -> memref<768xf32, #tpu.memory_space<vmem>>
        %parallel_loop3A_669 = arith.constant 464 : index
        %parallel_loop3A_670 = tpu.vector_load %parallel_loop3A_668[%parallel_loop3A_669] {strides = array<i32>} : memref<768xf32, #tpu.memory_space<vmem>>, vector<16xf32>,
        %parallel_loop3A_671 = vector.shape_cast %parallel_loop3A_670 : vector<16xf32> to vector<16xf32>
        %parallel_loop3A_672 = arith.constant 0 : i32
        %parallel_loop3A_673 = tpu.memref_slice %arg5[%rem3A_271, %parallel_loop3A_287, %parallel_loop3A_672] : memref<2x32x768xf32, #tpu.memory_space<vmem>> -> memref<1x1x768xf32, #tpu.memory_space<vmem>>
        %parallel_loop3A_674 = tpu.memref_squeeze %parallel_loop3A_673 : memref<1x1x768xf32, #tpu.memory_space<vmem>> -> memref<768xf32, #tpu.memory_space<vmem>>
        %parallel_loop3A_675 = arith.constant 464 : index
        %parallel_loop3A_676 = tpu.vector_load %parallel_loop3A_674[%parallel_loop3A_675] {strides = array<i32>} : memref<768xf32, #tpu.memory_space<vmem>>, vector<16xf32>,
        %parallel_loop3A_677 = vector.shape_cast %parallel_loop3A_676 : vector<16xf32> to vector<16xf32>
        %parallel_loop3A_678 = vector.shape_cast %parallel_loop3A_671 : vector<16xf32> to vector<16xf32>
        tpu.vector_store %parallel_loop3A_674[%parallel_loop3A_675], %parallel_loop3A_678 {strides = array<i32>} : memref<768xf32, #tpu.memory_space<vmem>>, vector<16xf32>,
        %parallel_loop3A_679 = arith.constant 0 : i32
        %parallel_loop3A_680 = tpu.memref_slice %arg4[%rem3A_271, %parallel_loop3A_288, %parallel_loop3A_679] : memref<2x40x768xf32, #tpu.memory_space<vmem>> -> memref<1x1x768xf32, #tpu.memory_space<vmem>>
        %parallel_loop3A_681 = tpu.memref_squeeze %parallel_loop3A_680 : memref<1x1x768xf32, #tpu.memory_space<vmem>> -> memref<768xf32, #tpu.memory_space<vmem>>
        %parallel_loop3A_682 = arith.constant 480 : index
        %parallel_loop3A_683 = tpu.vector_load %parallel_loop3A_681[%parallel_loop3A_682] {strides = array<i32>} : memref<768xf32, #tpu.memory_space<vmem>>, vector<16xf32>,
        %parallel_loop3A_684 = vector.shape_cast %parallel_loop3A_683 : vector<16xf32> to vector<16xf32>
        %parallel_loop3A_685 = arith.constant 0 : i32
        %parallel_loop3A_686 = tpu.memref_slice %arg5[%rem3A_271, %parallel_loop3A_287, %parallel_loop3A_685] : memref<2x32x768xf32, #tpu.memory_space<vmem>> -> memref<1x1x768xf32, #tpu.memory_space<vmem>>
        %parallel_loop3A_687 = tpu.memref_squeeze %parallel_loop3A_686 : memref<1x1x768xf32, #tpu.memory_space<vmem>> -> memref<768xf32, #tpu.memory_space<vmem>>
        %parallel_loop3A_688 = arith.constant 480 : index
        %parallel_loop3A_689 = tpu.vector_load %parallel_loop3A_687[%parallel_loop3A_688] {strides = array<i32>} : memref<768xf32, #tpu.memory_space<vmem>>, vector<16xf32>,
        %parallel_loop3A_690 = vector.shape_cast %parallel_loop3A_689 : vector<16xf32> to vector<16xf32>
        %parallel_loop3A_691 = vector.shape_cast %parallel_loop3A_684 : vector<16xf32> to vector<16xf32>
        tpu.vector_store %parallel_loop3A_687[%parallel_loop3A_688], %parallel_loop3A_691 {strides = array<i32>} : memref<768xf32, #tpu.memory_space<vmem>>, vector<16xf32>,
        %parallel_loop3A_692 = arith.constant 0 : i32
        %parallel_loop3A_693 = tpu.memref_slice %arg4[%rem3A_271, %parallel_loop3A_288, %parallel_loop3A_692] : memref<2x40x768xf32, #tpu.memory_space<vmem>> -> memref<1x1x768xf32, #tpu.memory_space<vmem>>
        %parallel_loop3A_694 = tpu.memref_squeeze %parallel_loop3A_693 : memref<1x1x768xf32, #tpu.memory_space<vmem>> -> memref<768xf32, #tpu.memory_space<vmem>>
        %parallel_loop3A_695 = arith.constant 496 : index
        %parallel_loop3A_696 = tpu.vector_load %parallel_loop3A_694[%parallel_loop3A_695] {strides = array<i32>} : memref<768xf32, #tpu.memory_space<vmem>>, vector<16xf32>,
        %parallel_loop3A_697 = vector.shape_cast %parallel_loop3A_696 : vector<16xf32> to vector<16xf32>
        %parallel_loop3A_698 = arith.constant 0 : i32
        %parallel_loop3A_699 = tpu.memref_slice %arg5[%rem3A_271, %parallel_loop3A_287, %parallel_loop3A_698] : memref<2x32x768xf32, #tpu.memory_space<vmem>> -> memref<1x1x768xf32, #tpu.memory_space<vmem>>
        %parallel_loop3A_700 = tpu.memref_squeeze %parallel_loop3A_699 : memref<1x1x768xf32, #tpu.memory_space<vmem>> -> memref<768xf32, #tpu.memory_space<vmem>>
        %parallel_loop3A_701 = arith.constant 496 : index
        %parallel_loop3A_702 = tpu.vector_load %parallel_loop3A_700[%parallel_loop3A_701] {strides = array<i32>} : memref<768xf32, #tpu.memory_space<vmem>>, vector<16xf32>,
        %parallel_loop3A_703 = vector.shape_cast %parallel_loop3A_702 : vector<16xf32> to vector<16xf32>
        %parallel_loop3A_704 = vector.shape_cast %parallel_loop3A_697 : vector<16xf32> to vector<16xf32>
        tpu.vector_store %parallel_loop3A_700[%parallel_loop3A_701], %parallel_loop3A_704 {strides = array<i32>} : memref<768xf32, #tpu.memory_space<vmem>>, vector<16xf32>,
        %parallel_loop3A_705 = arith.constant 0 : i32
        %parallel_loop3A_706 = tpu.memref_slice %arg4[%rem3A_271, %parallel_loop3A_288, %parallel_loop3A_705] : memref<2x40x768xf32, #tpu.memory_space<vmem>> -> memref<1x1x768xf32, #tpu.memory_space<vmem>>
        %parallel_loop3A_707 = tpu.memref_squeeze %parallel_loop3A_706 : memref<1x1x768xf32, #tpu.memory_space<vmem>> -> memref<768xf32, #tpu.memory_space<vmem>>
        %parallel_loop3A_708 = arith.constant 512 : index
        %parallel_loop3A_709 = tpu.vector_load %parallel_loop3A_707[%parallel_loop3A_708] {strides = array<i32>} : memref<768xf32, #tpu.memory_space<vmem>>, vector<16xf32>,
        %parallel_loop3A_710 = vector.shape_cast %parallel_loop3A_709 : vector<16xf32> to vector<16xf32>
        %parallel_loop3A_711 = arith.constant 0 : i32
        %parallel_loop3A_712 = tpu.memref_slice %arg5[%rem3A_271, %parallel_loop3A_287, %parallel_loop3A_711] : memref<2x32x768xf32, #tpu.memory_space<vmem>> -> memref<1x1x768xf32, #tpu.memory_space<vmem>>
        %parallel_loop3A_713 = tpu.memref_squeeze %parallel_loop3A_712 : memref<1x1x768xf32, #tpu.memory_space<vmem>> -> memref<768xf32, #tpu.memory_space<vmem>>
        %parallel_loop3A_714 = arith.constant 512 : index
        %parallel_loop3A_715 = tpu.vector_load %parallel_loop3A_713[%parallel_loop3A_714] {strides = array<i32>} : memref<768xf32, #tpu.memory_space<vmem>>, vector<16xf32>,
        %parallel_loop3A_716 = vector.shape_cast %parallel_loop3A_715 : vector<16xf32> to vector<16xf32>
        %parallel_loop3A_717 = vector.shape_cast %parallel_loop3A_710 : vector<16xf32> to vector<16xf32>
        tpu.vector_store %parallel_loop3A_713[%parallel_loop3A_714], %parallel_loop3A_717 {strides = array<i32>} : memref<768xf32, #tpu.memory_space<vmem>>, vector<16xf32>,
        %parallel_loop3A_718 = arith.constant 0 : i32
        %parallel_loop3A_719 = tpu.memref_slice %arg4[%rem3A_271, %parallel_loop3A_288, %parallel_loop3A_718] : memref<2x40x768xf32, #tpu.memory_space<vmem>> -> memref<1x1x768xf32, #tpu.memory_space<vmem>>
        %parallel_loop3A_720 = tpu.memref_squeeze %parallel_loop3A_719 : memref<1x1x768xf32, #tpu.memory_space<vmem>> -> memref<768xf32, #tpu.memory_space<vmem>>
        %parallel_loop3A_721 = arith.constant 528 : index
        %parallel_loop3A_722 = tpu.vector_load %parallel_loop3A_720[%parallel_loop3A_721] {strides = array<i32>} : memref<768xf32, #tpu.memory_space<vmem>>, vector<16xf32>,
        %parallel_loop3A_723 = vector.shape_cast %parallel_loop3A_722 : vector<16xf32> to vector<16xf32>
        %parallel_loop3A_724 = arith.constant 0 : i32
        %parallel_loop3A_725 = tpu.memref_slice %arg5[%rem3A_271, %parallel_loop3A_287, %parallel_loop3A_724] : memref<2x32x768xf32, #tpu.memory_space<vmem>> -> memref<1x1x768xf32, #tpu.memory_space<vmem>>
        %parallel_loop3A_726 = tpu.memref_squeeze %parallel_loop3A_725 : memref<1x1x768xf32, #tpu.memory_space<vmem>> -> memref<768xf32, #tpu.memory_space<vmem>>
        %parallel_loop3A_727 = arith.constant 528 : index
        %parallel_loop3A_728 = tpu.vector_load %parallel_loop3A_726[%parallel_loop3A_727] {strides = array<i32>} : memref<768xf32, #tpu.memory_space<vmem>>, vector<16xf32>,
        %parallel_loop3A_729 = vector.shape_cast %parallel_loop3A_728 : vector<16xf32> to vector<16xf32>
        %parallel_loop3A_730 = vector.shape_cast %parallel_loop3A_723 : vector<16xf32> to vector<16xf32>
        tpu.vector_store %parallel_loop3A_726[%parallel_loop3A_727], %parallel_loop3A_730 {strides = array<i32>} : memref<768xf32, #tpu.memory_space<vmem>>, vector<16xf32>,
        %parallel_loop3A_731 = arith.constant 0 : i32
        %parallel_loop3A_732 = tpu.memref_slice %arg4[%rem3A_271, %parallel_loop3A_288, %parallel_loop3A_731] : memref<2x40x768xf32, #tpu.memory_space<vmem>> -> memref<1x1x768xf32, #tpu.memory_space<vmem>>
        %parallel_loop3A_733 = tpu.memref_squeeze %parallel_loop3A_732 : memref<1x1x768xf32, #tpu.memory_space<vmem>> -> memref<768xf32, #tpu.memory_space<vmem>>
        %parallel_loop3A_734 = arith.constant 544 : index
        %parallel_loop3A_735 = tpu.vector_load %parallel_loop3A_733[%parallel_loop3A_734] {strides = array<i32>} : memref<768xf32, #tpu.memory_space<vmem>>, vector<16xf32>,
        %parallel_loop3A_736 = vector.shape_cast %parallel_loop3A_735 : vector<16xf32> to vector<16xf32>
        %parallel_loop3A_737 = arith.constant 0 : i32
        %parallel_loop3A_738 = tpu.memref_slice %arg5[%rem3A_271, %parallel_loop3A_287, %parallel_loop3A_737] : memref<2x32x768xf32, #tpu.memory_space<vmem>> -> memref<1x1x768xf32, #tpu.memory_space<vmem>>
        %parallel_loop3A_739 = tpu.memref_squeeze %parallel_loop3A_738 : memref<1x1x768xf32, #tpu.memory_space<vmem>> -> memref<768xf32, #tpu.memory_space<vmem>>
        %parallel_loop3A_740 = arith.constant 544 : index
        %parallel_loop3A_741 = tpu.vector_load %parallel_loop3A_739[%parallel_loop3A_740] {strides = array<i32>} : memref<768xf32, #tpu.memory_space<vmem>>, vector<16xf32>,
        %parallel_loop3A_742 = vector.shape_cast %parallel_loop3A_741 : vector<16xf32> to vector<16xf32>
        %parallel_loop3A_743 = vector.shape_cast %parallel_loop3A_736 : vector<16xf32> to vector<16xf32>
        tpu.vector_store %parallel_loop3A_739[%parallel_loop3A_740], %parallel_loop3A_743 {strides = array<i32>} : memref<768xf32, #tpu.memory_space<vmem>>, vector<16xf32>,
        %parallel_loop3A_744 = arith.constant 0 : i32
        %parallel_loop3A_745 = tpu.memref_slice %arg4[%rem3A_271, %parallel_loop3A_288, %parallel_loop3A_744] : memref<2x40x768xf32, #tpu.memory_space<vmem>> -> memref<1x1x768xf32, #tpu.memory_space<vmem>>
        %parallel_loop3A_746 = tpu.memref_squeeze %parallel_loop3A_745 : memref<1x1x768xf32, #tpu.memory_space<vmem>> -> memref<768xf32, #tpu.memory_space<vmem>>
        %parallel_loop3A_747 = arith.constant 560 : index
        %parallel_loop3A_748 = tpu.vector_load %parallel_loop3A_746[%parallel_loop3A_747] {strides = array<i32>} : memref<768xf32, #tpu.memory_space<vmem>>, vector<16xf32>,
        %parallel_loop3A_749 = vector.shape_cast %parallel_loop3A_748 : vector<16xf32> to vector<16xf32>
        %parallel_loop3A_750 = arith.constant 0 : i32
        %parallel_loop3A_751 = tpu.memref_slice %arg5[%rem3A_271, %parallel_loop3A_287, %parallel_loop3A_750] : memref<2x32x768xf32, #tpu.memory_space<vmem>> -> memref<1x1x768xf32, #tpu.memory_space<vmem>>
        %parallel_loop3A_752 = tpu.memref_squeeze %parallel_loop3A_751 : memref<1x1x768xf32, #tpu.memory_space<vmem>> -> memref<768xf32, #tpu.memory_space<vmem>>
        %parallel_loop3A_753 = arith.constant 560 : index
        %parallel_loop3A_754 = tpu.vector_load %parallel_loop3A_752[%parallel_loop3A_753] {strides = array<i32>} : memref<768xf32, #tpu.memory_space<vmem>>, vector<16xf32>,
        %parallel_loop3A_755 = vector.shape_cast %parallel_loop3A_754 : vector<16xf32> to vector<16xf32>
        %parallel_loop3A_756 = vector.shape_cast %parallel_loop3A_749 : vector<16xf32> to vector<16xf32>
        tpu.vector_store %parallel_loop3A_752[%parallel_loop3A_753], %parallel_loop3A_756 {strides = array<i32>} : memref<768xf32, #tpu.memory_space<vmem>>, vector<16xf32>,
        %parallel_loop3A_757 = arith.constant 0 : i32
        %parallel_loop3A_758 = tpu.memref_slice %arg4[%rem3A_271, %parallel_loop3A_288, %parallel_loop3A_757] : memref<2x40x768xf32, #tpu.memory_space<vmem>> -> memref<1x1x768xf32, #tpu.memory_space<vmem>>
        %parallel_loop3A_759 = tpu.memref_squeeze %parallel_loop3A_758 : memref<1x1x768xf32, #tpu.memory_space<vmem>> -> memref<768xf32, #tpu.memory_space<vmem>>
        %parallel_loop3A_760 = arith.constant 576 : index
        %parallel_loop3A_761 = tpu.vector_load %parallel_loop3A_759[%parallel_loop3A_760] {strides = array<i32>} : memref<768xf32, #tpu.memory_space<vmem>>, vector<16xf32>,
        %parallel_loop3A_762 = vector.shape_cast %parallel_loop3A_761 : vector<16xf32> to vector<16xf32>
        %parallel_loop3A_763 = arith.constant 0 : i32
        %parallel_loop3A_764 = tpu.memref_slice %arg5[%rem3A_271, %parallel_loop3A_287, %parallel_loop3A_763] : memref<2x32x768xf32, #tpu.memory_space<vmem>> -> memref<1x1x768xf32, #tpu.memory_space<vmem>>
        %parallel_loop3A_765 = tpu.memref_squeeze %parallel_loop3A_764 : memref<1x1x768xf32, #tpu.memory_space<vmem>> -> memref<768xf32, #tpu.memory_space<vmem>>
        %parallel_loop3A_766 = arith.constant 576 : index
        %parallel_loop3A_767 = tpu.vector_load %parallel_loop3A_765[%parallel_loop3A_766] {strides = array<i32>} : memref<768xf32, #tpu.memory_space<vmem>>, vector<16xf32>,
        %parallel_loop3A_768 = vector.shape_cast %parallel_loop3A_767 : vector<16xf32> to vector<16xf32>
        %parallel_loop3A_769 = vector.shape_cast %parallel_loop3A_762 : vector<16xf32> to vector<16xf32>
        tpu.vector_store %parallel_loop3A_765[%parallel_loop3A_766], %parallel_loop3A_769 {strides = array<i32>} : memref<768xf32, #tpu.memory_space<vmem>>, vector<16xf32>,
        %parallel_loop3A_770 = arith.constant 0 : i32
        %parallel_loop3A_771 = tpu.memref_slice %arg4[%rem3A_271, %parallel_loop3A_288, %parallel_loop3A_770] : memref<2x40x768xf32, #tpu.memory_space<vmem>> -> memref<1x1x768xf32, #tpu.memory_space<vmem>>
        %parallel_loop3A_772 = tpu.memref_squeeze %parallel_loop3A_771 : memref<1x1x768xf32, #tpu.memory_space<vmem>> -> memref<768xf32, #tpu.memory_space<vmem>>
        %parallel_loop3A_773 = arith.constant 592 : index
        %parallel_loop3A_774 = tpu.vector_load %parallel_loop3A_772[%parallel_loop3A_773] {strides = array<i32>} : memref<768xf32, #tpu.memory_space<vmem>>, vector<16xf32>,
        %parallel_loop3A_775 = vector.shape_cast %parallel_loop3A_774 : vector<16xf32> to vector<16xf32>
        %parallel_loop3A_776 = arith.constant 0 : i32
        %parallel_loop3A_777 = tpu.memref_slice %arg5[%rem3A_271, %parallel_loop3A_287, %parallel_loop3A_776] : memref<2x32x768xf32, #tpu.memory_space<vmem>> -> memref<1x1x768xf32, #tpu.memory_space<vmem>>
        %parallel_loop3A_778 = tpu.memref_squeeze %parallel_loop3A_777 : memref<1x1x768xf32, #tpu.memory_space<vmem>> -> memref<768xf32, #tpu.memory_space<vmem>>
        %parallel_loop3A_779 = arith.constant 592 : index
        %parallel_loop3A_780 = tpu.vector_load %parallel_loop3A_778[%parallel_loop3A_779] {strides = array<i32>} : memref<768xf32, #tpu.memory_space<vmem>>, vector<16xf32>,
        %parallel_loop3A_781 = vector.shape_cast %parallel_loop3A_780 : vector<16xf32> to vector<16xf32>
        %parallel_loop3A_782 = vector.shape_cast %parallel_loop3A_775 : vector<16xf32> to vector<16xf32>
        tpu.vector_store %parallel_loop3A_778[%parallel_loop3A_779], %parallel_loop3A_782 {strides = array<i32>} : memref<768xf32, #tpu.memory_space<vmem>>, vector<16xf32>,
        %parallel_loop3A_783 = arith.constant 0 : i32
        %parallel_loop3A_784 = tpu.memref_slice %arg4[%rem3A_271, %parallel_loop3A_288, %parallel_loop3A_783] : memref<2x40x768xf32, #tpu.memory_space<vmem>> -> memref<1x1x768xf32, #tpu.memory_space<vmem>>
        %parallel_loop3A_785 = tpu.memref_squeeze %parallel_loop3A_784 : memref<1x1x768xf32, #tpu.memory_space<vmem>> -> memref<768xf32, #tpu.memory_space<vmem>>
        %parallel_loop3A_786 = arith.constant 608 : index
        %parallel_loop3A_787 = tpu.vector_load %parallel_loop3A_785[%parallel_loop3A_786] {strides = array<i32>} : memref<768xf32, #tpu.memory_space<vmem>>, vector<16xf32>,
        %parallel_loop3A_788 = vector.shape_cast %parallel_loop3A_787 : vector<16xf32> to vector<16xf32>
        %parallel_loop3A_789 = arith.constant 0 : i32
        %parallel_loop3A_790 = tpu.memref_slice %arg5[%rem3A_271, %parallel_loop3A_287, %parallel_loop3A_789] : memref<2x32x768xf32, #tpu.memory_space<vmem>> -> memref<1x1x768xf32, #tpu.memory_space<vmem>>
        %parallel_loop3A_791 = tpu.memref_squeeze %parallel_loop3A_790 : memref<1x1x768xf32, #tpu.memory_space<vmem>> -> memref<768xf32, #tpu.memory_space<vmem>>
        %parallel_loop3A_792 = arith.constant 608 : index
        %parallel_loop3A_793 = tpu.vector_load %parallel_loop3A_791[%parallel_loop3A_792] {strides = array<i32>} : memref<768xf32, #tpu.memory_space<vmem>>, vector<16xf32>,
        %parallel_loop3A_794 = vector.shape_cast %parallel_loop3A_793 : vector<16xf32> to vector<16xf32>
        %parallel_loop3A_795 = vector.shape_cast %parallel_loop3A_788 : vector<16xf32> to vector<16xf32>
        tpu.vector_store %parallel_loop3A_791[%parallel_loop3A_792], %parallel_loop3A_795 {strides = array<i32>} : memref<768xf32, #tpu.memory_space<vmem>>, vector<16xf32>,
        %parallel_loop3A_796 = arith.constant 0 : i32
        %parallel_loop3A_797 = tpu.memref_slice %arg4[%rem3A_271, %parallel_loop3A_288, %parallel_loop3A_796] : memref<2x40x768xf32, #tpu.memory_space<vmem>> -> memref<1x1x768xf32, #tpu.memory_space<vmem>>
        %parallel_loop3A_798 = tpu.memref_squeeze %parallel_loop3A_797 : memref<1x1x768xf32, #tpu.memory_space<vmem>> -> memref<768xf32, #tpu.memory_space<vmem>>
        %parallel_loop3A_799 = arith.constant 624 : index
        %parallel_loop3A_800 = tpu.vector_load %parallel_loop3A_798[%parallel_loop3A_799] {strides = array<i32>} : memref<768xf32, #tpu.memory_space<vmem>>, vector<16xf32>,
        %parallel_loop3A_801 = vector.shape_cast %parallel_loop3A_800 : vector<16xf32> to vector<16xf32>
        %parallel_loop3A_802 = arith.constant 0 : i32
        %parallel_loop3A_803 = tpu.memref_slice %arg5[%rem3A_271, %parallel_loop3A_287, %parallel_loop3A_802] : memref<2x32x768xf32, #tpu.memory_space<vmem>> -> memref<1x1x768xf32, #tpu.memory_space<vmem>>
        %parallel_loop3A_804 = tpu.memref_squeeze %parallel_loop3A_803 : memref<1x1x768xf32, #tpu.memory_space<vmem>> -> memref<768xf32, #tpu.memory_space<vmem>>
        %parallel_loop3A_805 = arith.constant 624 : index
        %parallel_loop3A_806 = tpu.vector_load %parallel_loop3A_804[%parallel_loop3A_805] {strides = array<i32>} : memref<768xf32, #tpu.memory_space<vmem>>, vector<16xf32>,
        %parallel_loop3A_807 = vector.shape_cast %parallel_loop3A_806 : vector<16xf32> to vector<16xf32>
        %parallel_loop3A_808 = vector.shape_cast %parallel_loop3A_801 : vector<16xf32> to vector<16xf32>
        tpu.vector_store %parallel_loop3A_804[%parallel_loop3A_805], %parallel_loop3A_808 {strides = array<i32>} : memref<768xf32, #tpu.memory_space<vmem>>, vector<16xf32>,
        %parallel_loop3A_809 = arith.constant 0 : i32
        %parallel_loop3A_810 = tpu.memref_slice %arg4[%rem3A_271, %parallel_loop3A_288, %parallel_loop3A_809] : memref<2x40x768xf32, #tpu.memory_space<vmem>> -> memref<1x1x768xf32, #tpu.memory_space<vmem>>
        %parallel_loop3A_811 = tpu.memref_squeeze %parallel_loop3A_810 : memref<1x1x768xf32, #tpu.memory_space<vmem>> -> memref<768xf32, #tpu.memory_space<vmem>>
        %parallel_loop3A_812 = arith.constant 640 : index
        %parallel_loop3A_813 = tpu.vector_load %parallel_loop3A_811[%parallel_loop3A_812] {strides = array<i32>} : memref<768xf32, #tpu.memory_space<vmem>>, vector<16xf32>,
        %parallel_loop3A_814 = vector.shape_cast %parallel_loop3A_813 : vector<16xf32> to vector<16xf32>
        %parallel_loop3A_815 = arith.constant 0 : i32
        %parallel_loop3A_816 = tpu.memref_slice %arg5[%rem3A_271, %parallel_loop3A_287, %parallel_loop3A_815] : memref<2x32x768xf32, #tpu.memory_space<vmem>> -> memref<1x1x768xf32, #tpu.memory_space<vmem>>
        %parallel_loop3A_817 = tpu.memref_squeeze %parallel_loop3A_816 : memref<1x1x768xf32, #tpu.memory_space<vmem>> -> memref<768xf32, #tpu.memory_space<vmem>>
        %parallel_loop3A_818 = arith.constant 640 : index
        %parallel_loop3A_819 = tpu.vector_load %parallel_loop3A_817[%parallel_loop3A_818] {strides = array<i32>} : memref<768xf32, #tpu.memory_space<vmem>>, vector<16xf32>,
        %parallel_loop3A_820 = vector.shape_cast %parallel_loop3A_819 : vector<16xf32> to vector<16xf32>
        %parallel_loop3A_821 = vector.shape_cast %parallel_loop3A_814 : vector<16xf32> to vector<16xf32>
        tpu.vector_store %parallel_loop3A_817[%parallel_loop3A_818], %parallel_loop3A_821 {strides = array<i32>} : memref<768xf32, #tpu.memory_space<vmem>>, vector<16xf32>,
        %parallel_loop3A_822 = arith.constant 0 : i32
        %parallel_loop3A_823 = tpu.memref_slice %arg4[%rem3A_271, %parallel_loop3A_288, %parallel_loop3A_822] : memref<2x40x768xf32, #tpu.memory_space<vmem>> -> memref<1x1x768xf32, #tpu.memory_space<vmem>>
        %parallel_loop3A_824 = tpu.memref_squeeze %parallel_loop3A_823 : memref<1x1x768xf32, #tpu.memory_space<vmem>> -> memref<768xf32, #tpu.memory_space<vmem>>
        %parallel_loop3A_825 = arith.constant 656 : index
        %parallel_loop3A_826 = tpu.vector_load %parallel_loop3A_824[%parallel_loop3A_825] {strides = array<i32>} : memref<768xf32, #tpu.memory_space<vmem>>, vector<16xf32>,
        %parallel_loop3A_827 = vector.shape_cast %parallel_loop3A_826 : vector<16xf32> to vector<16xf32>
        %parallel_loop3A_828 = arith.constant 0 : i32
        %parallel_loop3A_829 = tpu.memref_slice %arg5[%rem3A_271, %parallel_loop3A_287, %parallel_loop3A_828] : memref<2x32x768xf32, #tpu.memory_space<vmem>> -> memref<1x1x768xf32, #tpu.memory_space<vmem>>
        %parallel_loop3A_830 = tpu.memref_squeeze %parallel_loop3A_829 : memref<1x1x768xf32, #tpu.memory_space<vmem>> -> memref<768xf32, #tpu.memory_space<vmem>>
        %parallel_loop3A_831 = arith.constant 656 : index
        %parallel_loop3A_832 = tpu.vector_load %parallel_loop3A_830[%parallel_loop3A_831] {strides = array<i32>} : memref<768xf32, #tpu.memory_space<vmem>>, vector<16xf32>,
        %parallel_loop3A_833 = vector.shape_cast %parallel_loop3A_832 : vector<16xf32> to vector<16xf32>
        %parallel_loop3A_834 = vector.shape_cast %parallel_loop3A_827 : vector<16xf32> to vector<16xf32>
        tpu.vector_store %parallel_loop3A_830[%parallel_loop3A_831], %parallel_loop3A_834 {strides = array<i32>} : memref<768xf32, #tpu.memory_space<vmem>>, vector<16xf32>,
        %parallel_loop3A_835 = arith.constant 0 : i32
        %parallel_loop3A_836 = tpu.memref_slice %arg4[%rem3A_271, %parallel_loop3A_288, %parallel_loop3A_835] : memref<2x40x768xf32, #tpu.memory_space<vmem>> -> memref<1x1x768xf32, #tpu.memory_space<vmem>>
        %parallel_loop3A_837 = tpu.memref_squeeze %parallel_loop3A_836 : memref<1x1x768xf32, #tpu.memory_space<vmem>> -> memref<768xf32, #tpu.memory_space<vmem>>
        %parallel_loop3A_838 = arith.constant 672 : index
        %parallel_loop3A_839 = tpu.vector_load %parallel_loop3A_837[%parallel_loop3A_838] {strides = array<i32>} : memref<768xf32, #tpu.memory_space<vmem>>, vector<16xf32>,
        %parallel_loop3A_840 = vector.shape_cast %parallel_loop3A_839 : vector<16xf32> to vector<16xf32>
        %parallel_loop3A_841 = arith.constant 0 : i32
        %parallel_loop3A_842 = tpu.memref_slice %arg5[%rem3A_271, %parallel_loop3A_287, %parallel_loop3A_841] : memref<2x32x768xf32, #tpu.memory_space<vmem>> -> memref<1x1x768xf32, #tpu.memory_space<vmem>>
        %parallel_loop3A_843 = tpu.memref_squeeze %parallel_loop3A_842 : memref<1x1x768xf32, #tpu.memory_space<vmem>> -> memref<768xf32, #tpu.memory_space<vmem>>
        %parallel_loop3A_844 = arith.constant 672 : index
        %parallel_loop3A_845 = tpu.vector_load %parallel_loop3A_843[%parallel_loop3A_844] {strides = array<i32>} : memref<768xf32, #tpu.memory_space<vmem>>, vector<16xf32>,
        %parallel_loop3A_846 = vector.shape_cast %parallel_loop3A_845 : vector<16xf32> to vector<16xf32>
        %parallel_loop3A_847 = vector.shape_cast %parallel_loop3A_840 : vector<16xf32> to vector<16xf32>
        tpu.vector_store %parallel_loop3A_843[%parallel_loop3A_844], %parallel_loop3A_847 {strides = array<i32>} : memref<768xf32, #tpu.memory_space<vmem>>, vector<16xf32>,
        %parallel_loop3A_848 = arith.constant 0 : i32
        %parallel_loop3A_849 = tpu.memref_slice %arg4[%rem3A_271, %parallel_loop3A_288, %parallel_loop3A_848] : memref<2x40x768xf32, #tpu.memory_space<vmem>> -> memref<1x1x768xf32, #tpu.memory_space<vmem>>
        %parallel_loop3A_850 = tpu.memref_squeeze %parallel_loop3A_849 : memref<1x1x768xf32, #tpu.memory_space<vmem>> -> memref<768xf32, #tpu.memory_space<vmem>>
        %parallel_loop3A_851 = arith.constant 688 : index
        %parallel_loop3A_852 = tpu.vector_load %parallel_loop3A_850[%parallel_loop3A_851] {strides = array<i32>} : memref<768xf32, #tpu.memory_space<vmem>>, vector<16xf32>,
        %parallel_loop3A_853 = vector.shape_cast %parallel_loop3A_852 : vector<16xf32> to vector<16xf32>
        %parallel_loop3A_854 = arith.constant 0 : i32
        %parallel_loop3A_855 = tpu.memref_slice %arg5[%rem3A_271, %parallel_loop3A_287, %parallel_loop3A_854] : memref<2x32x768xf32, #tpu.memory_space<vmem>> -> memref<1x1x768xf32, #tpu.memory_space<vmem>>
        %parallel_loop3A_856 = tpu.memref_squeeze %parallel_loop3A_855 : memref<1x1x768xf32, #tpu.memory_space<vmem>> -> memref<768xf32, #tpu.memory_space<vmem>>
        %parallel_loop3A_857 = arith.constant 688 : index
        %parallel_loop3A_858 = tpu.vector_load %parallel_loop3A_856[%parallel_loop3A_857] {strides = array<i32>} : memref<768xf32, #tpu.memory_space<vmem>>, vector<16xf32>,
        %parallel_loop3A_859 = vector.shape_cast %parallel_loop3A_858 : vector<16xf32> to vector<16xf32>
        %parallel_loop3A_860 = vector.shape_cast %parallel_loop3A_853 : vector<16xf32> to vector<16xf32>
        tpu.vector_store %parallel_loop3A_856[%parallel_loop3A_857], %parallel_loop3A_860 {strides = array<i32>} : memref<768xf32, #tpu.memory_space<vmem>>, vector<16xf32>,
        %parallel_loop3A_861 = arith.constant 0 : i32
        %parallel_loop3A_862 = tpu.memref_slice %arg4[%rem3A_271, %parallel_loop3A_288, %parallel_loop3A_861] : memref<2x40x768xf32, #tpu.memory_space<vmem>> -> memref<1x1x768xf32, #tpu.memory_space<vmem>>
        %parallel_loop3A_863 = tpu.memref_squeeze %parallel_loop3A_862 : memref<1x1x768xf32, #tpu.memory_space<vmem>> -> memref<768xf32, #tpu.memory_space<vmem>>
        %parallel_loop3A_864 = arith.constant 704 : index
        %parallel_loop3A_865 = tpu.vector_load %parallel_loop3A_863[%parallel_loop3A_864] {strides = array<i32>} : memref<768xf32, #tpu.memory_space<vmem>>, vector<16xf32>,
        %parallel_loop3A_866 = vector.shape_cast %parallel_loop3A_865 : vector<16xf32> to vector<16xf32>
        %parallel_loop3A_867 = arith.constant 0 : i32
        %parallel_loop3A_868 = tpu.memref_slice %arg5[%rem3A_271, %parallel_loop3A_287, %parallel_loop3A_867] : memref<2x32x768xf32, #tpu.memory_space<vmem>> -> memref<1x1x768xf32, #tpu.memory_space<vmem>>
        %parallel_loop3A_869 = tpu.memref_squeeze %parallel_loop3A_868 : memref<1x1x768xf32, #tpu.memory_space<vmem>> -> memref<768xf32, #tpu.memory_space<vmem>>
        %parallel_loop3A_870 = arith.constant 704 : index
        %parallel_loop3A_871 = tpu.vector_load %parallel_loop3A_869[%parallel_loop3A_870] {strides = array<i32>} : memref<768xf32, #tpu.memory_space<vmem>>, vector<16xf32>,
        %parallel_loop3A_872 = vector.shape_cast %parallel_loop3A_871 : vector<16xf32> to vector<16xf32>
        %parallel_loop3A_873 = vector.shape_cast %parallel_loop3A_866 : vector<16xf32> to vector<16xf32>
        tpu.vector_store %parallel_loop3A_869[%parallel_loop3A_870], %parallel_loop3A_873 {strides = array<i32>} : memref<768xf32, #tpu.memory_space<vmem>>, vector<16xf32>,
        %parallel_loop3A_874 = arith.constant 0 : i32
        %parallel_loop3A_875 = tpu.memref_slice %arg4[%rem3A_271, %parallel_loop3A_288, %parallel_loop3A_874] : memref<2x40x768xf32, #tpu.memory_space<vmem>> -> memref<1x1x768xf32, #tpu.memory_space<vmem>>
        %parallel_loop3A_876 = tpu.memref_squeeze %parallel_loop3A_875 : memref<1x1x768xf32, #tpu.memory_space<vmem>> -> memref<768xf32, #tpu.memory_space<vmem>>
        %parallel_loop3A_877 = arith.constant 720 : index
        %parallel_loop3A_878 = tpu.vector_load %parallel_loop3A_876[%parallel_loop3A_877] {strides = array<i32>} : memref<768xf32, #tpu.memory_space<vmem>>, vector<16xf32>,
        %parallel_loop3A_879 = vector.shape_cast %parallel_loop3A_878 : vector<16xf32> to vector<16xf32>
        %parallel_loop3A_880 = arith.constant 0 : i32
        %parallel_loop3A_881 = tpu.memref_slice %arg5[%rem3A_271, %parallel_loop3A_287, %parallel_loop3A_880] : memref<2x32x768xf32, #tpu.memory_space<vmem>> -> memref<1x1x768xf32, #tpu.memory_space<vmem>>
        %parallel_loop3A_882 = tpu.memref_squeeze %parallel_loop3A_881 : memref<1x1x768xf32, #tpu.memory_space<vmem>> -> memref<768xf32, #tpu.memory_space<vmem>>
        %parallel_loop3A_883 = arith.constant 720 : index
        %parallel_loop3A_884 = tpu.vector_load %parallel_loop3A_882[%parallel_loop3A_883] {strides = array<i32>} : memref<768xf32, #tpu.memory_space<vmem>>, vector<16xf32>,
        %parallel_loop3A_885 = vector.shape_cast %parallel_loop3A_884 : vector<16xf32> to vector<16xf32>
        %parallel_loop3A_886 = vector.shape_cast %parallel_loop3A_879 : vector<16xf32> to vector<16xf32>
        tpu.vector_store %parallel_loop3A_882[%parallel_loop3A_883], %parallel_loop3A_886 {strides = array<i32>} : memref<768xf32, #tpu.memory_space<vmem>>, vector<16xf32>,
        %parallel_loop3A_887 = arith.constant 0 : i32
        %parallel_loop3A_888 = tpu.memref_slice %arg4[%rem3A_271, %parallel_loop3A_288, %parallel_loop3A_887] : memref<2x40x768xf32, #tpu.memory_space<vmem>> -> memref<1x1x768xf32, #tpu.memory_space<vmem>>
        %parallel_loop3A_889 = tpu.memref_squeeze %parallel_loop3A_888 : memref<1x1x768xf32, #tpu.memory_space<vmem>> -> memref<768xf32, #tpu.memory_space<vmem>>
        %parallel_loop3A_890 = arith.constant 736 : index
        %parallel_loop3A_891 = tpu.vector_load %parallel_loop3A_889[%parallel_loop3A_890] {strides = array<i32>} : memref<768xf32, #tpu.memory_space<vmem>>, vector<16xf32>,
        %parallel_loop3A_892 = vector.shape_cast %parallel_loop3A_891 : vector<16xf32> to vector<16xf32>
        %parallel_loop3A_893 = arith.constant 0 : i32
        %parallel_loop3A_894 = tpu.memref_slice %arg5[%rem3A_271, %parallel_loop3A_287, %parallel_loop3A_893] : memref<2x32x768xf32, #tpu.memory_space<vmem>> -> memref<1x1x768xf32, #tpu.memory_space<vmem>>
        %parallel_loop3A_895 = tpu.memref_squeeze %parallel_loop3A_894 : memref<1x1x768xf32, #tpu.memory_space<vmem>> -> memref<768xf32, #tpu.memory_space<vmem>>
        %parallel_loop3A_896 = arith.constant 736 : index
        %parallel_loop3A_897 = tpu.vector_load %parallel_loop3A_895[%parallel_loop3A_896] {strides = array<i32>} : memref<768xf32, #tpu.memory_space<vmem>>, vector<16xf32>,
        %parallel_loop3A_898 = vector.shape_cast %parallel_loop3A_897 : vector<16xf32> to vector<16xf32>
        %parallel_loop3A_899 = vector.shape_cast %parallel_loop3A_892 : vector<16xf32> to vector<16xf32>
        tpu.vector_store %parallel_loop3A_895[%parallel_loop3A_896], %parallel_loop3A_899 {strides = array<i32>} : memref<768xf32, #tpu.memory_space<vmem>>, vector<16xf32>,
        %parallel_loop3A_900 = arith.constant 0 : i32
        %parallel_loop3A_901 = tpu.memref_slice %arg4[%rem3A_271, %parallel_loop3A_288, %parallel_loop3A_900] : memref<2x40x768xf32, #tpu.memory_space<vmem>> -> memref<1x1x768xf32, #tpu.memory_space<vmem>>
        %parallel_loop3A_902 = tpu.memref_squeeze %parallel_loop3A_901 : memref<1x1x768xf32, #tpu.memory_space<vmem>> -> memref<768xf32, #tpu.memory_space<vmem>>
        %parallel_loop3A_903 = arith.constant 752 : index
        %parallel_loop3A_904 = tpu.vector_load %parallel_loop3A_902[%parallel_loop3A_903] {strides = array<i32>} : memref<768xf32, #tpu.memory_space<vmem>>, vector<16xf32>,
        %parallel_loop3A_905 = vector.shape_cast %parallel_loop3A_904 : vector<16xf32> to vector<16xf32>
        %parallel_loop3A_906 = arith.constant 0 : i32
        %parallel_loop3A_907 = tpu.memref_slice %arg5[%rem3A_271, %parallel_loop3A_287, %parallel_loop3A_906] : memref<2x32x768xf32, #tpu.memory_space<vmem>> -> memref<1x1x768xf32, #tpu.memory_space<vmem>>
        %parallel_loop3A_908 = tpu.memref_squeeze %parallel_loop3A_907 : memref<1x1x768xf32, #tpu.memory_space<vmem>> -> memref<768xf32, #tpu.memory_space<vmem>>
        %parallel_loop3A_909 = arith.constant 752 : index
        %parallel_loop3A_910 = tpu.vector_load %parallel_loop3A_908[%parallel_loop3A_909] {strides = array<i32>} : memref<768xf32, #tpu.memory_space<vmem>>, vector<16xf32>,
        %parallel_loop3A_911 = vector.shape_cast %parallel_loop3A_910 : vector<16xf32> to vector<16xf32>
        %parallel_loop3A_912 = vector.shape_cast %parallel_loop3A_905 : vector<16xf32> to vector<16xf32>
        tpu.vector_store %parallel_loop3A_908[%parallel_loop3A_909], %parallel_loop3A_912 {strides = array<i32>} : memref<768xf32, #tpu.memory_space<vmem>>, vector<16xf32>,
      } {sc.loop_unroll_factor = 4 : i64, sc.parallel_access}
      %dma_start3A = arith.constant 0 : i32
      %dma_start3A_274 = arith.constant 0 : i32
      %dma_start3A_275 = tpu.memref_slice %arg5[%rem3A_194, %dma_start3A, %dma_start3A_274] : memref<2x32x768xf32, #tpu.memory_space<vmem>> -> memref<1x32x768xf32, #tpu.memory_space<vmem>>
      %dma_start3A_276 = tpu.memref_squeeze %dma_start3A_275 : memref<1x32x768xf32, #tpu.memory_space<vmem>> -> memref<32x768xf32, #tpu.memory_space<vmem>>
      %dma_start3A_277 = arith.constant 0 : i32
      %dma_start3A_278 = tpu.memref_slice %arg3[%add3A_221, %multiple_of3A_224, %dma_start3A_277] : memref<196x128x768xf32, #tpu.memory_space<hbm>> -> memref<1x32x768xf32, #tpu.memory_space<hbm>>
      %dma_start3A_279 = tpu.memref_squeeze %dma_start3A_278 : memref<1x32x768xf32, #tpu.memory_space<hbm>> -> memref<32x768xf32, #tpu.memory_space<hbm>>
      %dma_start3A_280 = arith.constant 0 : i32
      %dma_start3A_281 = tpu.memref_slice %arg3[%add3A_221, %multiple_of3A_224, %dma_start3A_280] : memref<196x128x768xf32, #tpu.memory_space<hbm>> -> memref<1x32x768xf32, #tpu.memory_space<hbm>>
      %dma_start3A_282 = tpu.memref_squeeze %dma_start3A_281 : memref<1x32x768xf32, #tpu.memory_space<hbm>> -> memref<32x768xf32, #tpu.memory_space<hbm>>
      %dma_start3A_283 = arith.constant 0 : i32
      %dma_start3A_284 = arith.constant 0 : i32
      %dma_start3A_285 = tpu.memref_slice %arg5[%rem3A_194, %dma_start3A_283, %dma_start3A_284] : memref<2x32x768xf32, #tpu.memory_space<vmem>> -> memref<1x32x768xf32, #tpu.memory_space<vmem>>
      %dma_start3A_286 = tpu.memref_squeeze %dma_start3A_285 : memref<1x32x768xf32, #tpu.memory_space<vmem>> -> memref<32x768xf32, #tpu.memory_space<vmem>>
      tpu.enqueue_dma source(%dma_start3A_286 : memref<32x768xf32, #tpu.memory_space<vmem>>) target(%dma_start3A_282 : memref<32x768xf32, #tpu.memory_space<hbm>>) target_semaphore(%arg7 : memref<!tpu.dma_semaphore, #tpu.memory_space<semaphore_mem>>)
    }
    %while3A_131 = arith.constant 1 : i32
    scf.for %while3A_189 = %while3A_129 to %while3A_125 step %while3A_131  : i32 {
      %add3A_190 = arith.addi %select_n3A_44, %while3A_189 : i32
      %rem3A_191 = arith.constant 4 : i32
      %rem3A_192 = arith.remsi %add3A_190, %rem3A_191 : i32
      %rem3A_193 = arith.constant 2 : i32
      %rem3A_194 = arith.remsi %while3A_189, %rem3A_193 : i32
      %mul3A_195 = arith.constant 49 : i32
      %mul3A_196 = arith.muli %mul3A_195, %select_n3A : i32
      %jit3A_197 = arith.constant 4 : i32
      %div3A_198 = arith.divsi %add3A_190, %jit3A_197 : i32
      %sign3A_199 = arith.constant 0 : i32
      %sign3A_200 = arith.cmpi sgt, %add3A_190, %sign3A_199 : i32
      %sign3A_201 = arith.extui %sign3A_200 : i1 to i32
      %sign3A_202 = arith.constant 0 : i32
      %sign3A_203 = arith.cmpi slt, %add3A_190, %sign3A_202 : i32
      %sign3A_204 = arith.extui %sign3A_203 : i1 to i32
      %sign3A_205 = arith.subi %sign3A_201, %sign3A_204 : i32
      %sign3A_206 = arith.constant 0 : i32
      %sign3A_207 = arith.cmpi sgt, %jit3A_197, %sign3A_206 : i32
      %sign3A_208 = arith.extui %sign3A_207 : i1 to i32
      %sign3A_209 = arith.constant 0 : i32
      %sign3A_210 = arith.cmpi slt, %jit3A_197, %sign3A_209 : i32
      %sign3A_211 = arith.extui %sign3A_210 : i1 to i32
      %sign3A_212 = arith.subi %sign3A_208, %sign3A_211 : i32
      %ne3A_213 = arith.cmpi ne, %sign3A_205, %sign3A_212 : i32
      %rem3A_214 = arith.remsi %add3A_190, %jit3A_197 : i32
      %ne3A_215 = arith.constant 0 : i32
      %ne3A_216 = arith.cmpi ne, %rem3A_214, %ne3A_215 : i32
      %and3A_217 = arith.andi %ne3A_213, %ne3A_216 : i1
      %sub3A_218 = arith.constant 1 : i32
      %sub3A_219 = arith.subi %div3A_198, %sub3A_218 : i32
      %select_n3A_220 = arith.select %and3A_217, %sub3A_219, %div3A_198 : i32
      %add3A_221 = arith.addi %mul3A_196, %select_n3A_220 : i32
      %mul3A_222 = arith.constant 32 : i32
      %mul3A_223 = arith.muli %mul3A_222, %rem3A_192 : i32
      %multiple_of3A_224 = tpu.assume_multiple %mul3A_223, 32 : i32
      %mul3A_225 = arith.constant 32 : i32
      %mul3A_226 = arith.muli %mul3A_225, %rem3A_192 : i32
      %add3A_227 = arith.constant 32 : i32
      %add3A_228 = arith.addi %mul3A_226, %add3A_227 : i32
      %rem3A_229 = arith.constant 128 : i32
      %rem3A_230 = arith.remsi %add3A_228, %rem3A_229 : i32
      %multiple_of3A_231 = tpu.assume_multiple %rem3A_230, 8 : i32
      %dma_wait3A_232 = arith.constant 0 : i32
      %dma_wait3A_233 = arith.constant 0 : i32
      %dma_wait3A_234 = tpu.memref_slice %arg4[%rem3A_194, %dma_wait3A_232, %dma_wait3A_233] : memref<2x40x768xf32, #tpu.memory_space<vmem>> -> memref<1x32x768xf32, #tpu.memory_space<vmem>>
      %dma_wait3A_235 = tpu.memref_squeeze %dma_wait3A_234 : memref<1x32x768xf32, #tpu.memory_space<vmem>> -> memref<32x768xf32, #tpu.memory_space<vmem>>
      %dma_wait3A_236 = arith.constant 0 : i32
      %dma_wait3A_237 = tpu.memref_slice %arg2[%add3A_221, %multiple_of3A_224, %dma_wait3A_236] : memref<196x128x768xf32, #tpu.memory_space<hbm>> -> memref<1x32x768xf32, #tpu.memory_space<hbm>>
      %dma_wait3A_238 = tpu.memref_squeeze %dma_wait3A_237 : memref<1x32x768xf32, #tpu.memory_space<hbm>> -> memref<32x768xf32, #tpu.memory_space<hbm>>
      %dma_wait3A_239 = arith.constant 0 : i32
      %dma_wait3A_240 = arith.constant 0 : i32
      %dma_wait3A_241 = tpu.memref_slice %arg4[%rem3A_194, %dma_wait3A_239, %dma_wait3A_240] : memref<2x40x768xf32, #tpu.memory_space<vmem>> -> memref<1x32x768xf32, #tpu.memory_space<vmem>>
      %dma_wait3A_242 = tpu.memref_squeeze %dma_wait3A_241 : memref<1x32x768xf32, #tpu.memory_space<vmem>> -> memref<32x768xf32, #tpu.memory_space<vmem>>
      %dma_wait3A_243 = arith.constant 0 : i32
      %dma_wait3A_244 = tpu.memref_slice %arg2[%add3A_221, %multiple_of3A_224, %dma_wait3A_243] : memref<196x128x768xf32, #tpu.memory_space<hbm>> -> memref<1x32x768xf32, #tpu.memory_space<hbm>>
      %dma_wait3A_245 = tpu.memref_squeeze %dma_wait3A_244 : memref<1x32x768xf32, #tpu.memory_space<hbm>> -> memref<32x768xf32, #tpu.memory_space<hbm>>
      tpu.wait_dma2 semaphore(%arg6 : memref<!tpu.dma_semaphore, #tpu.memory_space<semaphore_mem>>) src(%dma_wait3A_245 : memref<32x768xf32, #tpu.memory_space<hbm>>) dst(%dma_wait3A_242 : memref<32x768xf32, #tpu.memory_space<vmem>>)
      %dma_wait3A_246 = arith.constant 32 : i32
      %dma_wait3A_247 = arith.constant 0 : i32
      %dma_wait3A_248 = tpu.memref_slice %arg4[%rem3A_194, %dma_wait3A_246, %dma_wait3A_247] : memref<2x40x768xf32, #tpu.memory_space<vmem>> -> memref<1x8x768xf32, #tpu.memory_space<vmem>>
      %dma_wait3A_249 = tpu.memref_squeeze %dma_wait3A_248 : memref<1x8x768xf32, #tpu.memory_space<vmem>> -> memref<8x768xf32, #tpu.memory_space<vmem>>
      %dma_wait3A_250 = arith.constant 0 : i32
      %dma_wait3A_251 = tpu.memref_slice %arg2[%add3A_221, %multiple_of3A_231, %dma_wait3A_250] : memref<196x128x768xf32, #tpu.memory_space<hbm>> -> memref<1x8x768xf32, #tpu.memory_space<hbm>>
      %dma_wait3A_252 = tpu.memref_squeeze %dma_wait3A_251 : memref<1x8x768xf32, #tpu.memory_space<hbm>> -> memref<8x768xf32, #tpu.memory_space<hbm>>
      %dma_wait3A_253 = arith.constant 32 : i32
      %dma_wait3A_254 = arith.constant 0 : i32
      %dma_wait3A_255 = tpu.memref_slice %arg4[%rem3A_194, %dma_wait3A_253, %dma_wait3A_254] : memref<2x40x768xf32, #tpu.memory_space<vmem>> -> memref<1x8x768xf32, #tpu.memory_space<vmem>>
      %dma_wait3A_256 = tpu.memref_squeeze %dma_wait3A_255 : memref<1x8x768xf32, #tpu.memory_space<vmem>> -> memref<8x768xf32, #tpu.memory_space<vmem>>
      %dma_wait3A_257 = arith.constant 0 : i32
      %dma_wait3A_258 = tpu.memref_slice %arg2[%add3A_221, %multiple_of3A_231, %dma_wait3A_257] : memref<196x128x768xf32, #tpu.memory_space<hbm>> -> memref<1x8x768xf32, #tpu.memory_space<hbm>>
      %dma_wait3A_259 = tpu.memref_squeeze %dma_wait3A_258 : memref<1x8x768xf32, #tpu.memory_space<hbm>> -> memref<8x768xf32, #tpu.memory_space<hbm>>
      tpu.wait_dma2 semaphore(%arg6 : memref<!tpu.dma_semaphore, #tpu.memory_space<semaphore_mem>>) src(%dma_wait3A_259 : memref<8x768xf32, #tpu.memory_space<hbm>>) dst(%dma_wait3A_256 : memref<8x768xf32, #tpu.memory_space<vmem>>)
      %ge3A = arith.constant 1 : i32
      %ge3A_260 = arith.cmpi sge, %while3A_189, %ge3A : i32
      %convert_element_type3A_261 = arith.extui %ge3A_260 : i1 to i32
      %cond3A_262 = arith.constant 0 : i32
      %cond3A_263 = arith.cmpi ne, %convert_element_type3A_261, %cond3A_262 : i32
      scf.if %cond3A_263 {
        %dma_wait3A_287 = arith.constant 0 : i32
        %dma_wait3A_288 = arith.constant 0 : i32
        %dma_wait3A_289 = tpu.memref_slice %arg5[%rem3A_194, %dma_wait3A_287, %dma_wait3A_288] : memref<2x32x768xf32, #tpu.memory_space<vmem>> -> memref<1x32x768xf32, #tpu.memory_space<vmem>>
        %dma_wait3A_290 = tpu.memref_squeeze %dma_wait3A_289 : memref<1x32x768xf32, #tpu.memory_space<vmem>> -> memref<32x768xf32, #tpu.memory_space<vmem>>
        %dma_wait3A_291 = arith.constant 0 : i32
        %dma_wait3A_292 = tpu.memref_slice %arg3[%add3A_221, %multiple_of3A_224, %dma_wait3A_291] : memref<196x128x768xf32, #tpu.memory_space<hbm>> -> memref<1x32x768xf32, #tpu.memory_space<hbm>>
        %dma_wait3A_293 = tpu.memref_squeeze %dma_wait3A_292 : memref<1x32x768xf32, #tpu.memory_space<hbm>> -> memref<32x768xf32, #tpu.memory_space<hbm>>
        %dma_wait3A_294 = arith.constant 0 : i32
        %dma_wait3A_295 = tpu.memref_slice %arg3[%add3A_221, %multiple_of3A_224, %dma_wait3A_294] : memref<196x128x768xf32, #tpu.memory_space<hbm>> -> memref<1x32x768xf32, #tpu.memory_space<hbm>>
        %dma_wait3A_296 = tpu.memref_squeeze %dma_wait3A_295 : memref<1x32x768xf32, #tpu.memory_space<hbm>> -> memref<32x768xf32, #tpu.memory_space<hbm>>
        %dma_wait3A_297 = arith.constant 0 : i32
        %dma_wait3A_298 = arith.constant 0 : i32
        %dma_wait3A_299 = tpu.memref_slice %arg5[%rem3A_194, %dma_wait3A_297, %dma_wait3A_298] : memref<2x32x768xf32, #tpu.memory_space<vmem>> -> memref<1x32x768xf32, #tpu.memory_space<vmem>>
        %dma_wait3A_300 = tpu.memref_squeeze %dma_wait3A_299 : memref<1x32x768xf32, #tpu.memory_space<vmem>> -> memref<32x768xf32, #tpu.memory_space<vmem>>
        tpu.wait_dma2 semaphore(%arg7 : memref<!tpu.dma_semaphore, #tpu.memory_space<semaphore_mem>>) src(%dma_wait3A_300 : memref<32x768xf32, #tpu.memory_space<vmem>>) dst(%dma_wait3A_296 : memref<32x768xf32, #tpu.memory_space<hbm>>)
      } else {
      }
      %add3A_264 = arith.constant 1 : i32
      %add3A_265 = arith.addi %while3A_189, %add3A_264 : i32
      %lt3A_266 = arith.cmpi slt, %add3A_265, %sub3A_73 : i32
      %convert_element_type3A_267 = arith.extui %lt3A_266 : i1 to i32
      %cond3A_268 = arith.constant 0 : i32
      %cond3A_269 = arith.cmpi ne, %convert_element_type3A_267, %cond3A_268 : i32
      scf.if %cond3A_269 {
        %add3A_287 = arith.constant 1 : i32
        %add3A_288 = arith.addi %while3A_189, %add3A_287 : i32
        %add3A_289 = arith.addi %select_n3A_44, %add3A_288 : i32
        %rem3A_290 = arith.constant 4 : i32
        %rem3A_291 = arith.remsi %add3A_289, %rem3A_290 : i32
        %rem3A_292 = arith.constant 2 : i32
        %rem3A_293 = arith.remsi %add3A_288, %rem3A_292 : i32
        %mul3A_294 = arith.constant 49 : i32
        %mul3A_295 = arith.muli %mul3A_294, %select_n3A : i32
        %jit3A_296 = arith.constant 4 : i32
        %div3A_297 = arith.divsi %add3A_289, %jit3A_296 : i32
        %sign3A_298 = arith.constant 0 : i32
        %sign3A_299 = arith.cmpi sgt, %add3A_289, %sign3A_298 : i32
        %sign3A_300 = arith.extui %sign3A_299 : i1 to i32
        %sign3A_301 = arith.constant 0 : i32
        %sign3A_302 = arith.cmpi slt, %add3A_289, %sign3A_301 : i32
        %sign3A_303 = arith.extui %sign3A_302 : i1 to i32
        %sign3A_304 = arith.subi %sign3A_300, %sign3A_303 : i32
        %sign3A_305 = arith.constant 0 : i32
        %sign3A_306 = arith.cmpi sgt, %jit3A_296, %sign3A_305 : i32
        %sign3A_307 = arith.extui %sign3A_306 : i1 to i32
        %sign3A_308 = arith.constant 0 : i32
        %sign3A_309 = arith.cmpi slt, %jit3A_296, %sign3A_308 : i32
        %sign3A_310 = arith.extui %sign3A_309 : i1 to i32
        %sign3A_311 = arith.subi %sign3A_307, %sign3A_310 : i32
        %ne3A_312 = arith.cmpi ne, %sign3A_304, %sign3A_311 : i32
        %rem3A_313 = arith.remsi %add3A_289, %jit3A_296 : i32
        %ne3A_314 = arith.constant 0 : i32
        %ne3A_315 = arith.cmpi ne, %rem3A_313, %ne3A_314 : i32
        %and3A_316 = arith.andi %ne3A_312, %ne3A_315 : i1
        %sub3A_317 = arith.constant 1 : i32
        %sub3A_318 = arith.subi %div3A_297, %sub3A_317 : i32
        %select_n3A_319 = arith.select %and3A_316, %sub3A_318, %div3A_297 : i32
        %add3A_320 = arith.addi %mul3A_295, %select_n3A_319 : i32
        %mul3A_321 = arith.constant 32 : i32
        %mul3A_322 = arith.muli %mul3A_321, %rem3A_291 : i32
        %multiple_of3A_323 = tpu.assume_multiple %mul3A_322, 32 : i32
        %mul3A_324 = arith.constant 32 : i32
        %mul3A_325 = arith.muli %mul3A_324, %rem3A_291 : i32
        %add3A_326 = arith.constant 32 : i32
        %add3A_327 = arith.addi %mul3A_325, %add3A_326 : i32
        %rem3A_328 = arith.constant 128 : i32
        %rem3A_329 = arith.remsi %add3A_327, %rem3A_328 : i32
        %multiple_of3A_330 = tpu.assume_multiple %rem3A_329, 8 : i32
        %lt3A_331 = arith.constant 3 : i32
        %lt3A_332 = arith.cmpi slt, %rem3A_291, %lt3A_331 : i32
        %convert_element_type3A_333 = arith.extui %lt3A_332 : i1 to i32
        %cond3A_334 = arith.constant 0 : i32
        %cond3A_335 = arith.cmpi ne, %convert_element_type3A_333, %cond3A_334 : i32
        scf.if %cond3A_335 {
          %dma_start3A_341 = arith.constant 0 : i32
          %dma_start3A_342 = arith.constant 0 : i32
          %dma_start3A_343 = tpu.memref_slice %arg4[%rem3A_293, %dma_start3A_341, %dma_start3A_342] : memref<2x40x768xf32, #tpu.memory_space<vmem>> -> memref<1x40x768xf32, #tpu.memory_space<vmem>>
          %dma_start3A_344 = tpu.memref_squeeze %dma_start3A_343 : memref<1x40x768xf32, #tpu.memory_space<vmem>> -> memref<40x768xf32, #tpu.memory_space<vmem>>
          %dma_start3A_345 = arith.constant 0 : i32
          %dma_start3A_346 = tpu.memref_slice %arg2[%add3A_320, %multiple_of3A_323, %dma_start3A_345] : memref<196x128x768xf32, #tpu.memory_space<hbm>> -> memref<1x40x768xf32, #tpu.memory_space<hbm>>
          %dma_start3A_347 = tpu.memref_squeeze %dma_start3A_346 : memref<1x40x768xf32, #tpu.memory_space<hbm>> -> memref<40x768xf32, #tpu.memory_space<hbm>>
          %dma_start3A_348 = arith.constant 0 : i32
          %dma_start3A_349 = arith.constant 0 : i32
          %dma_start3A_350 = tpu.memref_slice %arg4[%rem3A_293, %dma_start3A_348, %dma_start3A_349] : memref<2x40x768xf32, #tpu.memory_space<vmem>> -> memref<1x40x768xf32, #tpu.memory_space<vmem>>
          %dma_start3A_351 = tpu.memref_squeeze %dma_start3A_350 : memref<1x40x768xf32, #tpu.memory_space<vmem>> -> memref<40x768xf32, #tpu.memory_space<vmem>>
          %dma_start3A_352 = arith.constant 0 : i32
          %dma_start3A_353 = tpu.memref_slice %arg2[%add3A_320, %multiple_of3A_323, %dma_start3A_352] : memref<196x128x768xf32, #tpu.memory_space<hbm>> -> memref<1x40x768xf32, #tpu.memory_space<hbm>>
          %dma_start3A_354 = tpu.memref_squeeze %dma_start3A_353 : memref<1x40x768xf32, #tpu.memory_space<hbm>> -> memref<40x768xf32, #tpu.memory_space<hbm>>
          tpu.enqueue_dma source(%dma_start3A_354 : memref<40x768xf32, #tpu.memory_space<hbm>>) target(%dma_start3A_351 : memref<40x768xf32, #tpu.memory_space<vmem>>) target_semaphore(%arg6 : memref<!tpu.dma_semaphore, #tpu.memory_space<semaphore_mem>>)
        } else {
        }
        %eq3A_336 = arith.constant 3 : i32
        %eq3A_337 = arith.cmpi eq, %rem3A_291, %eq3A_336 : i32
        %convert_element_type3A_338 = arith.extui %eq3A_337 : i1 to i32
        %cond3A_339 = arith.constant 0 : i32
        %cond3A_340 = arith.cmpi ne, %convert_element_type3A_338, %cond3A_339 : i32
        scf.if %cond3A_340 {
          %dma_start3A_341 = arith.constant 0 : i32
          %dma_start3A_342 = arith.constant 0 : i32
          %dma_start3A_343 = tpu.memref_slice %arg4[%rem3A_293, %dma_start3A_341, %dma_start3A_342] : memref<2x40x768xf32, #tpu.memory_space<vmem>> -> memref<1x32x768xf32, #tpu.memory_space<vmem>>
          %dma_start3A_344 = tpu.memref_squeeze %dma_start3A_343 : memref<1x32x768xf32, #tpu.memory_space<vmem>> -> memref<32x768xf32, #tpu.memory_space<vmem>>
          %dma_start3A_345 = arith.constant 0 : i32
          %dma_start3A_346 = tpu.memref_slice %arg2[%add3A_320, %multiple_of3A_323, %dma_start3A_345] : memref<196x128x768xf32, #tpu.memory_space<hbm>> -> memref<1x32x768xf32, #tpu.memory_space<hbm>>
          %dma_start3A_347 = tpu.memref_squeeze %dma_start3A_346 : memref<1x32x768xf32, #tpu.memory_space<hbm>> -> memref<32x768xf32, #tpu.memory_space<hbm>>
          %dma_start3A_348 = arith.constant 0 : i32
          %dma_start3A_349 = arith.constant 0 : i32
          %dma_start3A_350 = tpu.memref_slice %arg4[%rem3A_293, %dma_start3A_348, %dma_start3A_349] : memref<2x40x768xf32, #tpu.memory_space<vmem>> -> memref<1x32x768xf32, #tpu.memory_space<vmem>>
          %dma_start3A_351 = tpu.memref_squeeze %dma_start3A_350 : memref<1x32x768xf32, #tpu.memory_space<vmem>> -> memref<32x768xf32, #tpu.memory_space<vmem>>
          %dma_start3A_352 = arith.constant 0 : i32
          %dma_start3A_353 = tpu.memref_slice %arg2[%add3A_320, %multiple_of3A_323, %dma_start3A_352] : memref<196x128x768xf32, #tpu.memory_space<hbm>> -> memref<1x32x768xf32, #tpu.memory_space<hbm>>
          %dma_start3A_354 = tpu.memref_squeeze %dma_start3A_353 : memref<1x32x768xf32, #tpu.memory_space<hbm>> -> memref<32x768xf32, #tpu.memory_space<hbm>>
          tpu.enqueue_dma source(%dma_start3A_354 : memref<32x768xf32, #tpu.memory_space<hbm>>) target(%dma_start3A_351 : memref<32x768xf32, #tpu.memory_space<vmem>>) target_semaphore(%arg6 : memref<!tpu.dma_semaphore, #tpu.memory_space<semaphore_mem>>)
          %dma_start3A_355 = arith.constant 32 : i32
          %dma_start3A_356 = arith.constant 0 : i32
          %dma_start3A_357 = tpu.memref_slice %arg4[%rem3A_293, %dma_start3A_355, %dma_start3A_356] : memref<2x40x768xf32, #tpu.memory_space<vmem>> -> memref<1x8x768xf32, #tpu.memory_space<vmem>>
          %dma_start3A_358 = tpu.memref_squeeze %dma_start3A_357 : memref<1x8x768xf32, #tpu.memory_space<vmem>> -> memref<8x768xf32, #tpu.memory_space<vmem>>
          %dma_start3A_359 = arith.constant 0 : i32
          %dma_start3A_360 = tpu.memref_slice %arg2[%add3A_320, %multiple_of3A_330, %dma_start3A_359] : memref<196x128x768xf32, #tpu.memory_space<hbm>> -> memref<1x8x768xf32, #tpu.memory_space<hbm>>
          %dma_start3A_361 = tpu.memref_squeeze %dma_start3A_360 : memref<1x8x768xf32, #tpu.memory_space<hbm>> -> memref<8x768xf32, #tpu.memory_space<hbm>>
          %dma_start3A_362 = arith.constant 32 : i32
          %dma_start3A_363 = arith.constant 0 : i32
          %dma_start3A_364 = tpu.memref_slice %arg4[%rem3A_293, %dma_start3A_362, %dma_start3A_363] : memref<2x40x768xf32, #tpu.memory_space<vmem>> -> memref<1x8x768xf32, #tpu.memory_space<vmem>>
          %dma_start3A_365 = tpu.memref_squeeze %dma_start3A_364 : memref<1x8x768xf32, #tpu.memory_space<vmem>> -> memref<8x768xf32, #tpu.memory_space<vmem>>
          %dma_start3A_366 = arith.constant 0 : i32
          %dma_start3A_367 = tpu.memref_slice %arg2[%add3A_320, %multiple_of3A_330, %dma_start3A_366] : memref<196x128x768xf32, #tpu.memory_space<hbm>> -> memref<1x8x768xf32, #tpu.memory_space<hbm>>
          %dma_start3A_368 = tpu.memref_squeeze %dma_start3A_367 : memref<1x8x768xf32, #tpu.memory_space<hbm>> -> memref<8x768xf32, #tpu.memory_space<hbm>>
          tpu.enqueue_dma source(%dma_start3A_368 : memref<8x768xf32, #tpu.memory_space<hbm>>) target(%dma_start3A_365 : memref<8x768xf32, #tpu.memory_space<vmem>>) target_semaphore(%arg6 : memref<!tpu.dma_semaphore, #tpu.memory_space<semaphore_mem>>)
        } else {
        }
      } else {
      }
      %rem3A_270 = arith.constant 2 : i32
      %rem3A_271 = arith.remsi %while3A_189, %rem3A_270 : i32
      %parallel_loop3A = arith.constant 0 : i32
      %parallel_loop3A_272 = arith.constant 32 : i32
      %parallel_loop3A_273 = arith.constant 1 : i32
      scf.for %parallel_loop3A_287 = %parallel_loop3A to %parallel_loop3A_272 step %parallel_loop3A_273  : i32 {
        %parallel_loop3A_288 = arith.addi %parallel_loop3A_287, %select_n3A : i32
        %parallel_loop3A_289 = arith.constant 0 : i32
        %parallel_loop3A_290 = tpu.memref_slice %arg4[%rem3A_271, %parallel_loop3A_288, %parallel_loop3A_289] : memref<2x40x768xf32, #tpu.memory_space<vmem>> -> memref<1x1x768xf32, #tpu.memory_space<vmem>>
        %parallel_loop3A_291 = tpu.memref_squeeze %parallel_loop3A_290 : memref<1x1x768xf32, #tpu.memory_space<vmem>> -> memref<768xf32, #tpu.memory_space<vmem>>
        %parallel_loop3A_292 = arith.constant 0 : index
        %parallel_loop3A_293 = tpu.vector_load %parallel_loop3A_291[%parallel_loop3A_292] {strides = array<i32>} : memref<768xf32, #tpu.memory_space<vmem>>, vector<16xf32>,
        %parallel_loop3A_294 = vector.shape_cast %parallel_loop3A_293 : vector<16xf32> to vector<16xf32>
        %parallel_loop3A_295 = arith.constant 0 : i32
        %parallel_loop3A_296 = tpu.memref_slice %arg5[%rem3A_271, %parallel_loop3A_287, %parallel_loop3A_295] : memref<2x32x768xf32, #tpu.memory_space<vmem>> -> memref<1x1x768xf32, #tpu.memory_space<vmem>>
        %parallel_loop3A_297 = tpu.memref_squeeze %parallel_loop3A_296 : memref<1x1x768xf32, #tpu.memory_space<vmem>> -> memref<768xf32, #tpu.memory_space<vmem>>
        %parallel_loop3A_298 = arith.constant 0 : index
        %parallel_loop3A_299 = tpu.vector_load %parallel_loop3A_297[%parallel_loop3A_298] {strides = array<i32>} : memref<768xf32, #tpu.memory_space<vmem>>, vector<16xf32>,
        %parallel_loop3A_300 = vector.shape_cast %parallel_loop3A_299 : vector<16xf32> to vector<16xf32>
        %parallel_loop3A_301 = vector.shape_cast %parallel_loop3A_294 : vector<16xf32> to vector<16xf32>
        tpu.vector_store %parallel_loop3A_297[%parallel_loop3A_298], %parallel_loop3A_301 {strides = array<i32>} : memref<768xf32, #tpu.memory_space<vmem>>, vector<16xf32>,
        %parallel_loop3A_302 = arith.constant 0 : i32
        %parallel_loop3A_303 = tpu.memref_slice %arg4[%rem3A_271, %parallel_loop3A_288, %parallel_loop3A_302] : memref<2x40x768xf32, #tpu.memory_space<vmem>> -> memref<1x1x768xf32, #tpu.memory_space<vmem>>
        %parallel_loop3A_304 = tpu.memref_squeeze %parallel_loop3A_303 : memref<1x1x768xf32, #tpu.memory_space<vmem>> -> memref<768xf32, #tpu.memory_space<vmem>>
        %parallel_loop3A_305 = arith.constant 16 : index
        %parallel_loop3A_306 = tpu.vector_load %parallel_loop3A_304[%parallel_loop3A_305] {strides = array<i32>} : memref<768xf32, #tpu.memory_space<vmem>>, vector<16xf32>,
        %parallel_loop3A_307 = vector.shape_cast %parallel_loop3A_306 : vector<16xf32> to vector<16xf32>
        %parallel_loop3A_308 = arith.constant 0 : i32
        %parallel_loop3A_309 = tpu.memref_slice %arg5[%rem3A_271, %parallel_loop3A_287, %parallel_loop3A_308] : memref<2x32x768xf32, #tpu.memory_space<vmem>> -> memref<1x1x768xf32, #tpu.memory_space<vmem>>
        %parallel_loop3A_310 = tpu.memref_squeeze %parallel_loop3A_309 : memref<1x1x768xf32, #tpu.memory_space<vmem>> -> memref<768xf32, #tpu.memory_space<vmem>>
        %parallel_loop3A_311 = arith.constant 16 : index
        %parallel_loop3A_312 = tpu.vector_load %parallel_loop3A_310[%parallel_loop3A_311] {strides = array<i32>} : memref<768xf32, #tpu.memory_space<vmem>>, vector<16xf32>,
        %parallel_loop3A_313 = vector.shape_cast %parallel_loop3A_312 : vector<16xf32> to vector<16xf32>
        %parallel_loop3A_314 = vector.shape_cast %parallel_loop3A_307 : vector<16xf32> to vector<16xf32>
        tpu.vector_store %parallel_loop3A_310[%parallel_loop3A_311], %parallel_loop3A_314 {strides = array<i32>} : memref<768xf32, #tpu.memory_space<vmem>>, vector<16xf32>,
        %parallel_loop3A_315 = arith.constant 0 : i32
        %parallel_loop3A_316 = tpu.memref_slice %arg4[%rem3A_271, %parallel_loop3A_288, %parallel_loop3A_315] : memref<2x40x768xf32, #tpu.memory_space<vmem>> -> memref<1x1x768xf32, #tpu.memory_space<vmem>>
        %parallel_loop3A_317 = tpu.memref_squeeze %parallel_loop3A_316 : memref<1x1x768xf32, #tpu.memory_space<vmem>> -> memref<768xf32, #tpu.memory_space<vmem>>
        %parallel_loop3A_318 = arith.constant 32 : index
        %parallel_loop3A_319 = tpu.vector_load %parallel_loop3A_317[%parallel_loop3A_318] {strides = array<i32>} : memref<768xf32, #tpu.memory_space<vmem>>, vector<16xf32>,
        %parallel_loop3A_320 = vector.shape_cast %parallel_loop3A_319 : vector<16xf32> to vector<16xf32>
        %parallel_loop3A_321 = arith.constant 0 : i32
        %parallel_loop3A_322 = tpu.memref_slice %arg5[%rem3A_271, %parallel_loop3A_287, %parallel_loop3A_321] : memref<2x32x768xf32, #tpu.memory_space<vmem>> -> memref<1x1x768xf32, #tpu.memory_space<vmem>>
        %parallel_loop3A_323 = tpu.memref_squeeze %parallel_loop3A_322 : memref<1x1x768xf32, #tpu.memory_space<vmem>> -> memref<768xf32, #tpu.memory_space<vmem>>
        %parallel_loop3A_324 = arith.constant 32 : index
        %parallel_loop3A_325 = tpu.vector_load %parallel_loop3A_323[%parallel_loop3A_324] {strides = array<i32>} : memref<768xf32, #tpu.memory_space<vmem>>, vector<16xf32>,
        %parallel_loop3A_326 = vector.shape_cast %parallel_loop3A_325 : vector<16xf32> to vector<16xf32>
        %parallel_loop3A_327 = vector.shape_cast %parallel_loop3A_320 : vector<16xf32> to vector<16xf32>
        tpu.vector_store %parallel_loop3A_323[%parallel_loop3A_324], %parallel_loop3A_327 {strides = array<i32>} : memref<768xf32, #tpu.memory_space<vmem>>, vector<16xf32>,
        %parallel_loop3A_328 = arith.constant 0 : i32
        %parallel_loop3A_329 = tpu.memref_slice %arg4[%rem3A_271, %parallel_loop3A_288, %parallel_loop3A_328] : memref<2x40x768xf32, #tpu.memory_space<vmem>> -> memref<1x1x768xf32, #tpu.memory_space<vmem>>
        %parallel_loop3A_330 = tpu.memref_squeeze %parallel_loop3A_329 : memref<1x1x768xf32, #tpu.memory_space<vmem>> -> memref<768xf32, #tpu.memory_space<vmem>>
        %parallel_loop3A_331 = arith.constant 48 : index
        %parallel_loop3A_332 = tpu.vector_load %parallel_loop3A_330[%parallel_loop3A_331] {strides = array<i32>} : memref<768xf32, #tpu.memory_space<vmem>>, vector<16xf32>,
        %parallel_loop3A_333 = vector.shape_cast %parallel_loop3A_332 : vector<16xf32> to vector<16xf32>
        %parallel_loop3A_334 = arith.constant 0 : i32
        %parallel_loop3A_335 = tpu.memref_slice %arg5[%rem3A_271, %parallel_loop3A_287, %parallel_loop3A_334] : memref<2x32x768xf32, #tpu.memory_space<vmem>> -> memref<1x1x768xf32, #tpu.memory_space<vmem>>
        %parallel_loop3A_336 = tpu.memref_squeeze %parallel_loop3A_335 : memref<1x1x768xf32, #tpu.memory_space<vmem>> -> memref<768xf32, #tpu.memory_space<vmem>>
        %parallel_loop3A_337 = arith.constant 48 : index
        %parallel_loop3A_338 = tpu.vector_load %parallel_loop3A_336[%parallel_loop3A_337] {strides = array<i32>} : memref<768xf32, #tpu.memory_space<vmem>>, vector<16xf32>,
        %parallel_loop3A_339 = vector.shape_cast %parallel_loop3A_338 : vector<16xf32> to vector<16xf32>
        %parallel_loop3A_340 = vector.shape_cast %parallel_loop3A_333 : vector<16xf32> to vector<16xf32>
        tpu.vector_store %parallel_loop3A_336[%parallel_loop3A_337], %parallel_loop3A_340 {strides = array<i32>} : memref<768xf32, #tpu.memory_space<vmem>>, vector<16xf32>,
        %parallel_loop3A_341 = arith.constant 0 : i32
        %parallel_loop3A_342 = tpu.memref_slice %arg4[%rem3A_271, %parallel_loop3A_288, %parallel_loop3A_341] : memref<2x40x768xf32, #tpu.memory_space<vmem>> -> memref<1x1x768xf32, #tpu.memory_space<vmem>>
        %parallel_loop3A_343 = tpu.memref_squeeze %parallel_loop3A_342 : memref<1x1x768xf32, #tpu.memory_space<vmem>> -> memref<768xf32, #tpu.memory_space<vmem>>
        %parallel_loop3A_344 = arith.constant 64 : index
        %parallel_loop3A_345 = tpu.vector_load %parallel_loop3A_343[%parallel_loop3A_344] {strides = array<i32>} : memref<768xf32, #tpu.memory_space<vmem>>, vector<16xf32>,
        %parallel_loop3A_346 = vector.shape_cast %parallel_loop3A_345 : vector<16xf32> to vector<16xf32>
        %parallel_loop3A_347 = arith.constant 0 : i32
        %parallel_loop3A_348 = tpu.memref_slice %arg5[%rem3A_271, %parallel_loop3A_287, %parallel_loop3A_347] : memref<2x32x768xf32, #tpu.memory_space<vmem>> -> memref<1x1x768xf32, #tpu.memory_space<vmem>>
        %parallel_loop3A_349 = tpu.memref_squeeze %parallel_loop3A_348 : memref<1x1x768xf32, #tpu.memory_space<vmem>> -> memref<768xf32, #tpu.memory_space<vmem>>
        %parallel_loop3A_350 = arith.constant 64 : index
        %parallel_loop3A_351 = tpu.vector_load %parallel_loop3A_349[%parallel_loop3A_350] {strides = array<i32>} : memref<768xf32, #tpu.memory_space<vmem>>, vector<16xf32>,
        %parallel_loop3A_352 = vector.shape_cast %parallel_loop3A_351 : vector<16xf32> to vector<16xf32>
        %parallel_loop3A_353 = vector.shape_cast %parallel_loop3A_346 : vector<16xf32> to vector<16xf32>
        tpu.vector_store %parallel_loop3A_349[%parallel_loop3A_350], %parallel_loop3A_353 {strides = array<i32>} : memref<768xf32, #tpu.memory_space<vmem>>, vector<16xf32>,
        %parallel_loop3A_354 = arith.constant 0 : i32
        %parallel_loop3A_355 = tpu.memref_slice %arg4[%rem3A_271, %parallel_loop3A_288, %parallel_loop3A_354] : memref<2x40x768xf32, #tpu.memory_space<vmem>> -> memref<1x1x768xf32, #tpu.memory_space<vmem>>
        %parallel_loop3A_356 = tpu.memref_squeeze %parallel_loop3A_355 : memref<1x1x768xf32, #tpu.memory_space<vmem>> -> memref<768xf32, #tpu.memory_space<vmem>>
        %parallel_loop3A_357 = arith.constant 80 : index
        %parallel_loop3A_358 = tpu.vector_load %parallel_loop3A_356[%parallel_loop3A_357] {strides = array<i32>} : memref<768xf32, #tpu.memory_space<vmem>>, vector<16xf32>,
        %parallel_loop3A_359 = vector.shape_cast %parallel_loop3A_358 : vector<16xf32> to vector<16xf32>
        %parallel_loop3A_360 = arith.constant 0 : i32
        %parallel_loop3A_361 = tpu.memref_slice %arg5[%rem3A_271, %parallel_loop3A_287, %parallel_loop3A_360] : memref<2x32x768xf32, #tpu.memory_space<vmem>> -> memref<1x1x768xf32, #tpu.memory_space<vmem>>
        %parallel_loop3A_362 = tpu.memref_squeeze %parallel_loop3A_361 : memref<1x1x768xf32, #tpu.memory_space<vmem>> -> memref<768xf32, #tpu.memory_space<vmem>>
        %parallel_loop3A_363 = arith.constant 80 : index
        %parallel_loop3A_364 = tpu.vector_load %parallel_loop3A_362[%parallel_loop3A_363] {strides = array<i32>} : memref<768xf32, #tpu.memory_space<vmem>>, vector<16xf32>,
        %parallel_loop3A_365 = vector.shape_cast %parallel_loop3A_364 : vector<16xf32> to vector<16xf32>
        %parallel_loop3A_366 = vector.shape_cast %parallel_loop3A_359 : vector<16xf32> to vector<16xf32>
        tpu.vector_store %parallel_loop3A_362[%parallel_loop3A_363], %parallel_loop3A_366 {strides = array<i32>} : memref<768xf32, #tpu.memory_space<vmem>>, vector<16xf32>,
        %parallel_loop3A_367 = arith.constant 0 : i32
        %parallel_loop3A_368 = tpu.memref_slice %arg4[%rem3A_271, %parallel_loop3A_288, %parallel_loop3A_367] : memref<2x40x768xf32, #tpu.memory_space<vmem>> -> memref<1x1x768xf32, #tpu.memory_space<vmem>>
        %parallel_loop3A_369 = tpu.memref_squeeze %parallel_loop3A_368 : memref<1x1x768xf32, #tpu.memory_space<vmem>> -> memref<768xf32, #tpu.memory_space<vmem>>
        %parallel_loop3A_370 = arith.constant 96 : index
        %parallel_loop3A_371 = tpu.vector_load %parallel_loop3A_369[%parallel_loop3A_370] {strides = array<i32>} : memref<768xf32, #tpu.memory_space<vmem>>, vector<16xf32>,
        %parallel_loop3A_372 = vector.shape_cast %parallel_loop3A_371 : vector<16xf32> to vector<16xf32>
        %parallel_loop3A_373 = arith.constant 0 : i32
        %parallel_loop3A_374 = tpu.memref_slice %arg5[%rem3A_271, %parallel_loop3A_287, %parallel_loop3A_373] : memref<2x32x768xf32, #tpu.memory_space<vmem>> -> memref<1x1x768xf32, #tpu.memory_space<vmem>>
        %parallel_loop3A_375 = tpu.memref_squeeze %parallel_loop3A_374 : memref<1x1x768xf32, #tpu.memory_space<vmem>> -> memref<768xf32, #tpu.memory_space<vmem>>
        %parallel_loop3A_376 = arith.constant 96 : index
        %parallel_loop3A_377 = tpu.vector_load %parallel_loop3A_375[%parallel_loop3A_376] {strides = array<i32>} : memref<768xf32, #tpu.memory_space<vmem>>, vector<16xf32>,
        %parallel_loop3A_378 = vector.shape_cast %parallel_loop3A_377 : vector<16xf32> to vector<16xf32>
        %parallel_loop3A_379 = vector.shape_cast %parallel_loop3A_372 : vector<16xf32> to vector<16xf32>
        tpu.vector_store %parallel_loop3A_375[%parallel_loop3A_376], %parallel_loop3A_379 {strides = array<i32>} : memref<768xf32, #tpu.memory_space<vmem>>, vector<16xf32>,
        %parallel_loop3A_380 = arith.constant 0 : i32
        %parallel_loop3A_381 = tpu.memref_slice %arg4[%rem3A_271, %parallel_loop3A_288, %parallel_loop3A_380] : memref<2x40x768xf32, #tpu.memory_space<vmem>> -> memref<1x1x768xf32, #tpu.memory_space<vmem>>
        %parallel_loop3A_382 = tpu.memref_squeeze %parallel_loop3A_381 : memref<1x1x768xf32, #tpu.memory_space<vmem>> -> memref<768xf32, #tpu.memory_space<vmem>>
        %parallel_loop3A_383 = arith.constant 112 : index
        %parallel_loop3A_384 = tpu.vector_load %parallel_loop3A_382[%parallel_loop3A_383] {strides = array<i32>} : memref<768xf32, #tpu.memory_space<vmem>>, vector<16xf32>,
        %parallel_loop3A_385 = vector.shape_cast %parallel_loop3A_384 : vector<16xf32> to vector<16xf32>
        %parallel_loop3A_386 = arith.constant 0 : i32
        %parallel_loop3A_387 = tpu.memref_slice %arg5[%rem3A_271, %parallel_loop3A_287, %parallel_loop3A_386] : memref<2x32x768xf32, #tpu.memory_space<vmem>> -> memref<1x1x768xf32, #tpu.memory_space<vmem>>
        %parallel_loop3A_388 = tpu.memref_squeeze %parallel_loop3A_387 : memref<1x1x768xf32, #tpu.memory_space<vmem>> -> memref<768xf32, #tpu.memory_space<vmem>>
        %parallel_loop3A_389 = arith.constant 112 : index
        %parallel_loop3A_390 = tpu.vector_load %parallel_loop3A_388[%parallel_loop3A_389] {strides = array<i32>} : memref<768xf32, #tpu.memory_space<vmem>>, vector<16xf32>,
        %parallel_loop3A_391 = vector.shape_cast %parallel_loop3A_390 : vector<16xf32> to vector<16xf32>
        %parallel_loop3A_392 = vector.shape_cast %parallel_loop3A_385 : vector<16xf32> to vector<16xf32>
        tpu.vector_store %parallel_loop3A_388[%parallel_loop3A_389], %parallel_loop3A_392 {strides = array<i32>} : memref<768xf32, #tpu.memory_space<vmem>>, vector<16xf32>,
        %parallel_loop3A_393 = arith.constant 0 : i32
        %parallel_loop3A_394 = tpu.memref_slice %arg4[%rem3A_271, %parallel_loop3A_288, %parallel_loop3A_393] : memref<2x40x768xf32, #tpu.memory_space<vmem>> -> memref<1x1x768xf32, #tpu.memory_space<vmem>>
        %parallel_loop3A_395 = tpu.memref_squeeze %parallel_loop3A_394 : memref<1x1x768xf32, #tpu.memory_space<vmem>> -> memref<768xf32, #tpu.memory_space<vmem>>
        %parallel_loop3A_396 = arith.constant 128 : index
        %parallel_loop3A_397 = tpu.vector_load %parallel_loop3A_395[%parallel_loop3A_396] {strides = array<i32>} : memref<768xf32, #tpu.memory_space<vmem>>, vector<16xf32>,
        %parallel_loop3A_398 = vector.shape_cast %parallel_loop3A_397 : vector<16xf32> to vector<16xf32>
        %parallel_loop3A_399 = arith.constant 0 : i32
        %parallel_loop3A_400 = tpu.memref_slice %arg5[%rem3A_271, %parallel_loop3A_287, %parallel_loop3A_399] : memref<2x32x768xf32, #tpu.memory_space<vmem>> -> memref<1x1x768xf32, #tpu.memory_space<vmem>>
        %parallel_loop3A_401 = tpu.memref_squeeze %parallel_loop3A_400 : memref<1x1x768xf32, #tpu.memory_space<vmem>> -> memref<768xf32, #tpu.memory_space<vmem>>
        %parallel_loop3A_402 = arith.constant 128 : index
        %parallel_loop3A_403 = tpu.vector_load %parallel_loop3A_401[%parallel_loop3A_402] {strides = array<i32>} : memref<768xf32, #tpu.memory_space<vmem>>, vector<16xf32>,
        %parallel_loop3A_404 = vector.shape_cast %parallel_loop3A_403 : vector<16xf32> to vector<16xf32>
        %parallel_loop3A_405 = vector.shape_cast %parallel_loop3A_398 : vector<16xf32> to vector<16xf32>
        tpu.vector_store %parallel_loop3A_401[%parallel_loop3A_402], %parallel_loop3A_405 {strides = array<i32>} : memref<768xf32, #tpu.memory_space<vmem>>, vector<16xf32>,
        %parallel_loop3A_406 = arith.constant 0 : i32
        %parallel_loop3A_407 = tpu.memref_slice %arg4[%rem3A_271, %parallel_loop3A_288, %parallel_loop3A_406] : memref<2x40x768xf32, #tpu.memory_space<vmem>> -> memref<1x1x768xf32, #tpu.memory_space<vmem>>
        %parallel_loop3A_408 = tpu.memref_squeeze %parallel_loop3A_407 : memref<1x1x768xf32, #tpu.memory_space<vmem>> -> memref<768xf32, #tpu.memory_space<vmem>>
        %parallel_loop3A_409 = arith.constant 144 : index
        %parallel_loop3A_410 = tpu.vector_load %parallel_loop3A_408[%parallel_loop3A_409] {strides = array<i32>} : memref<768xf32, #tpu.memory_space<vmem>>, vector<16xf32>,
        %parallel_loop3A_411 = vector.shape_cast %parallel_loop3A_410 : vector<16xf32> to vector<16xf32>
        %parallel_loop3A_412 = arith.constant 0 : i32
        %parallel_loop3A_413 = tpu.memref_slice %arg5[%rem3A_271, %parallel_loop3A_287, %parallel_loop3A_412] : memref<2x32x768xf32, #tpu.memory_space<vmem>> -> memref<1x1x768xf32, #tpu.memory_space<vmem>>
        %parallel_loop3A_414 = tpu.memref_squeeze %parallel_loop3A_413 : memref<1x1x768xf32, #tpu.memory_space<vmem>> -> memref<768xf32, #tpu.memory_space<vmem>>
        %parallel_loop3A_415 = arith.constant 144 : index
        %parallel_loop3A_416 = tpu.vector_load %parallel_loop3A_414[%parallel_loop3A_415] {strides = array<i32>} : memref<768xf32, #tpu.memory_space<vmem>>, vector<16xf32>,
        %parallel_loop3A_417 = vector.shape_cast %parallel_loop3A_416 : vector<16xf32> to vector<16xf32>
        %parallel_loop3A_418 = vector.shape_cast %parallel_loop3A_411 : vector<16xf32> to vector<16xf32>
        tpu.vector_store %parallel_loop3A_414[%parallel_loop3A_415], %parallel_loop3A_418 {strides = array<i32>} : memref<768xf32, #tpu.memory_space<vmem>>, vector<16xf32>,
        %parallel_loop3A_419 = arith.constant 0 : i32
        %parallel_loop3A_420 = tpu.memref_slice %arg4[%rem3A_271, %parallel_loop3A_288, %parallel_loop3A_419] : memref<2x40x768xf32, #tpu.memory_space<vmem>> -> memref<1x1x768xf32, #tpu.memory_space<vmem>>
        %parallel_loop3A_421 = tpu.memref_squeeze %parallel_loop3A_420 : memref<1x1x768xf32, #tpu.memory_space<vmem>> -> memref<768xf32, #tpu.memory_space<vmem>>
        %parallel_loop3A_422 = arith.constant 160 : index
        %parallel_loop3A_423 = tpu.vector_load %parallel_loop3A_421[%parallel_loop3A_422] {strides = array<i32>} : memref<768xf32, #tpu.memory_space<vmem>>, vector<16xf32>,
        %parallel_loop3A_424 = vector.shape_cast %parallel_loop3A_423 : vector<16xf32> to vector<16xf32>
        %parallel_loop3A_425 = arith.constant 0 : i32
        %parallel_loop3A_426 = tpu.memref_slice %arg5[%rem3A_271, %parallel_loop3A_287, %parallel_loop3A_425] : memref<2x32x768xf32, #tpu.memory_space<vmem>> -> memref<1x1x768xf32, #tpu.memory_space<vmem>>
        %parallel_loop3A_427 = tpu.memref_squeeze %parallel_loop3A_426 : memref<1x1x768xf32, #tpu.memory_space<vmem>> -> memref<768xf32, #tpu.memory_space<vmem>>
        %parallel_loop3A_428 = arith.constant 160 : index
        %parallel_loop3A_429 = tpu.vector_load %parallel_loop3A_427[%parallel_loop3A_428] {strides = array<i32>} : memref<768xf32, #tpu.memory_space<vmem>>, vector<16xf32>,
        %parallel_loop3A_430 = vector.shape_cast %parallel_loop3A_429 : vector<16xf32> to vector<16xf32>
        %parallel_loop3A_431 = vector.shape_cast %parallel_loop3A_424 : vector<16xf32> to vector<16xf32>
        tpu.vector_store %parallel_loop3A_427[%parallel_loop3A_428], %parallel_loop3A_431 {strides = array<i32>} : memref<768xf32, #tpu.memory_space<vmem>>, vector<16xf32>,
        %parallel_loop3A_432 = arith.constant 0 : i32
        %parallel_loop3A_433 = tpu.memref_slice %arg4[%rem3A_271, %parallel_loop3A_288, %parallel_loop3A_432] : memref<2x40x768xf32, #tpu.memory_space<vmem>> -> memref<1x1x768xf32, #tpu.memory_space<vmem>>
        %parallel_loop3A_434 = tpu.memref_squeeze %parallel_loop3A_433 : memref<1x1x768xf32, #tpu.memory_space<vmem>> -> memref<768xf32, #tpu.memory_space<vmem>>
        %parallel_loop3A_435 = arith.constant 176 : index
        %parallel_loop3A_436 = tpu.vector_load %parallel_loop3A_434[%parallel_loop3A_435] {strides = array<i32>} : memref<768xf32, #tpu.memory_space<vmem>>, vector<16xf32>,
        %parallel_loop3A_437 = vector.shape_cast %parallel_loop3A_436 : vector<16xf32> to vector<16xf32>
        %parallel_loop3A_438 = arith.constant 0 : i32
        %parallel_loop3A_439 = tpu.memref_slice %arg5[%rem3A_271, %parallel_loop3A_287, %parallel_loop3A_438] : memref<2x32x768xf32, #tpu.memory_space<vmem>> -> memref<1x1x768xf32, #tpu.memory_space<vmem>>
        %parallel_loop3A_440 = tpu.memref_squeeze %parallel_loop3A_439 : memref<1x1x768xf32, #tpu.memory_space<vmem>> -> memref<768xf32, #tpu.memory_space<vmem>>
        %parallel_loop3A_441 = arith.constant 176 : index
        %parallel_loop3A_442 = tpu.vector_load %parallel_loop3A_440[%parallel_loop3A_441] {strides = array<i32>} : memref<768xf32, #tpu.memory_space<vmem>>, vector<16xf32>,
        %parallel_loop3A_443 = vector.shape_cast %parallel_loop3A_442 : vector<16xf32> to vector<16xf32>
        %parallel_loop3A_444 = vector.shape_cast %parallel_loop3A_437 : vector<16xf32> to vector<16xf32>
        tpu.vector_store %parallel_loop3A_440[%parallel_loop3A_441], %parallel_loop3A_444 {strides = array<i32>} : memref<768xf32, #tpu.memory_space<vmem>>, vector<16xf32>,
        %parallel_loop3A_445 = arith.constant 0 : i32
        %parallel_loop3A_446 = tpu.memref_slice %arg4[%rem3A_271, %parallel_loop3A_288, %parallel_loop3A_445] : memref<2x40x768xf32, #tpu.memory_space<vmem>> -> memref<1x1x768xf32, #tpu.memory_space<vmem>>
        %parallel_loop3A_447 = tpu.memref_squeeze %parallel_loop3A_446 : memref<1x1x768xf32, #tpu.memory_space<vmem>> -> memref<768xf32, #tpu.memory_space<vmem>>
        %parallel_loop3A_448 = arith.constant 192 : index
        %parallel_loop3A_449 = tpu.vector_load %parallel_loop3A_447[%parallel_loop3A_448] {strides = array<i32>} : memref<768xf32, #tpu.memory_space<vmem>>, vector<16xf32>,
        %parallel_loop3A_450 = vector.shape_cast %parallel_loop3A_449 : vector<16xf32> to vector<16xf32>
        %parallel_loop3A_451 = arith.constant 0 : i32
        %parallel_loop3A_452 = tpu.memref_slice %arg5[%rem3A_271, %parallel_loop3A_287, %parallel_loop3A_451] : memref<2x32x768xf32, #tpu.memory_space<vmem>> -> memref<1x1x768xf32, #tpu.memory_space<vmem>>
        %parallel_loop3A_453 = tpu.memref_squeeze %parallel_loop3A_452 : memref<1x1x768xf32, #tpu.memory_space<vmem>> -> memref<768xf32, #tpu.memory_space<vmem>>
        %parallel_loop3A_454 = arith.constant 192 : index
        %parallel_loop3A_455 = tpu.vector_load %parallel_loop3A_453[%parallel_loop3A_454] {strides = array<i32>} : memref<768xf32, #tpu.memory_space<vmem>>, vector<16xf32>,
        %parallel_loop3A_456 = vector.shape_cast %parallel_loop3A_455 : vector<16xf32> to vector<16xf32>
        %parallel_loop3A_457 = vector.shape_cast %parallel_loop3A_450 : vector<16xf32> to vector<16xf32>
        tpu.vector_store %parallel_loop3A_453[%parallel_loop3A_454], %parallel_loop3A_457 {strides = array<i32>} : memref<768xf32, #tpu.memory_space<vmem>>, vector<16xf32>,
        %parallel_loop3A_458 = arith.constant 0 : i32
        %parallel_loop3A_459 = tpu.memref_slice %arg4[%rem3A_271, %parallel_loop3A_288, %parallel_loop3A_458] : memref<2x40x768xf32, #tpu.memory_space<vmem>> -> memref<1x1x768xf32, #tpu.memory_space<vmem>>
        %parallel_loop3A_460 = tpu.memref_squeeze %parallel_loop3A_459 : memref<1x1x768xf32, #tpu.memory_space<vmem>> -> memref<768xf32, #tpu.memory_space<vmem>>
        %parallel_loop3A_461 = arith.constant 208 : index
        %parallel_loop3A_462 = tpu.vector_load %parallel_loop3A_460[%parallel_loop3A_461] {strides = array<i32>} : memref<768xf32, #tpu.memory_space<vmem>>, vector<16xf32>,
        %parallel_loop3A_463 = vector.shape_cast %parallel_loop3A_462 : vector<16xf32> to vector<16xf32>
        %parallel_loop3A_464 = arith.constant 0 : i32
        %parallel_loop3A_465 = tpu.memref_slice %arg5[%rem3A_271, %parallel_loop3A_287, %parallel_loop3A_464] : memref<2x32x768xf32, #tpu.memory_space<vmem>> -> memref<1x1x768xf32, #tpu.memory_space<vmem>>
        %parallel_loop3A_466 = tpu.memref_squeeze %parallel_loop3A_465 : memref<1x1x768xf32, #tpu.memory_space<vmem>> -> memref<768xf32, #tpu.memory_space<vmem>>
        %parallel_loop3A_467 = arith.constant 208 : index
        %parallel_loop3A_468 = tpu.vector_load %parallel_loop3A_466[%parallel_loop3A_467] {strides = array<i32>} : memref<768xf32, #tpu.memory_space<vmem>>, vector<16xf32>,
        %parallel_loop3A_469 = vector.shape_cast %parallel_loop3A_468 : vector<16xf32> to vector<16xf32>
        %parallel_loop3A_470 = vector.shape_cast %parallel_loop3A_463 : vector<16xf32> to vector<16xf32>
        tpu.vector_store %parallel_loop3A_466[%parallel_loop3A_467], %parallel_loop3A_470 {strides = array<i32>} : memref<768xf32, #tpu.memory_space<vmem>>, vector<16xf32>,
        %parallel_loop3A_471 = arith.constant 0 : i32
        %parallel_loop3A_472 = tpu.memref_slice %arg4[%rem3A_271, %parallel_loop3A_288, %parallel_loop3A_471] : memref<2x40x768xf32, #tpu.memory_space<vmem>> -> memref<1x1x768xf32, #tpu.memory_space<vmem>>
        %parallel_loop3A_473 = tpu.memref_squeeze %parallel_loop3A_472 : memref<1x1x768xf32, #tpu.memory_space<vmem>> -> memref<768xf32, #tpu.memory_space<vmem>>
        %parallel_loop3A_474 = arith.constant 224 : index
        %parallel_loop3A_475 = tpu.vector_load %parallel_loop3A_473[%parallel_loop3A_474] {strides = array<i32>} : memref<768xf32, #tpu.memory_space<vmem>>, vector<16xf32>,
        %parallel_loop3A_476 = vector.shape_cast %parallel_loop3A_475 : vector<16xf32> to vector<16xf32>
        %parallel_loop3A_477 = arith.constant 0 : i32
        %parallel_loop3A_478 = tpu.memref_slice %arg5[%rem3A_271, %parallel_loop3A_287, %parallel_loop3A_477] : memref<2x32x768xf32, #tpu.memory_space<vmem>> -> memref<1x1x768xf32, #tpu.memory_space<vmem>>
        %parallel_loop3A_479 = tpu.memref_squeeze %parallel_loop3A_478 : memref<1x1x768xf32, #tpu.memory_space<vmem>> -> memref<768xf32, #tpu.memory_space<vmem>>
        %parallel_loop3A_480 = arith.constant 224 : index
        %parallel_loop3A_481 = tpu.vector_load %parallel_loop3A_479[%parallel_loop3A_480] {strides = array<i32>} : memref<768xf32, #tpu.memory_space<vmem>>, vector<16xf32>,
        %parallel_loop3A_482 = vector.shape_cast %parallel_loop3A_481 : vector<16xf32> to vector<16xf32>
        %parallel_loop3A_483 = vector.shape_cast %parallel_loop3A_476 : vector<16xf32> to vector<16xf32>
        tpu.vector_store %parallel_loop3A_479[%parallel_loop3A_480], %parallel_loop3A_483 {strides = array<i32>} : memref<768xf32, #tpu.memory_space<vmem>>, vector<16xf32>,
        %parallel_loop3A_484 = arith.constant 0 : i32
        %parallel_loop3A_485 = tpu.memref_slice %arg4[%rem3A_271, %parallel_loop3A_288, %parallel_loop3A_484] : memref<2x40x768xf32, #tpu.memory_space<vmem>> -> memref<1x1x768xf32, #tpu.memory_space<vmem>>
        %parallel_loop3A_486 = tpu.memref_squeeze %parallel_loop3A_485 : memref<1x1x768xf32, #tpu.memory_space<vmem>> -> memref<768xf32, #tpu.memory_space<vmem>>
        %parallel_loop3A_487 = arith.constant 240 : index
        %parallel_loop3A_488 = tpu.vector_load %parallel_loop3A_486[%parallel_loop3A_487] {strides = array<i32>} : memref<768xf32, #tpu.memory_space<vmem>>, vector<16xf32>,
        %parallel_loop3A_489 = vector.shape_cast %parallel_loop3A_488 : vector<16xf32> to vector<16xf32>
        %parallel_loop3A_490 = arith.constant 0 : i32
        %parallel_loop3A_491 = tpu.memref_slice %arg5[%rem3A_271, %parallel_loop3A_287, %parallel_loop3A_490] : memref<2x32x768xf32, #tpu.memory_space<vmem>> -> memref<1x1x768xf32, #tpu.memory_space<vmem>>
        %parallel_loop3A_492 = tpu.memref_squeeze %parallel_loop3A_491 : memref<1x1x768xf32, #tpu.memory_space<vmem>> -> memref<768xf32, #tpu.memory_space<vmem>>
        %parallel_loop3A_493 = arith.constant 240 : index
        %parallel_loop3A_494 = tpu.vector_load %parallel_loop3A_492[%parallel_loop3A_493] {strides = array<i32>} : memref<768xf32, #tpu.memory_space<vmem>>, vector<16xf32>,
        %parallel_loop3A_495 = vector.shape_cast %parallel_loop3A_494 : vector<16xf32> to vector<16xf32>
        %parallel_loop3A_496 = vector.shape_cast %parallel_loop3A_489 : vector<16xf32> to vector<16xf32>
        tpu.vector_store %parallel_loop3A_492[%parallel_loop3A_493], %parallel_loop3A_496 {strides = array<i32>} : memref<768xf32, #tpu.memory_space<vmem>>, vector<16xf32>,
        %parallel_loop3A_497 = arith.constant 0 : i32
        %parallel_loop3A_498 = tpu.memref_slice %arg4[%rem3A_271, %parallel_loop3A_288, %parallel_loop3A_497] : memref<2x40x768xf32, #tpu.memory_space<vmem>> -> memref<1x1x768xf32, #tpu.memory_space<vmem>>
        %parallel_loop3A_499 = tpu.memref_squeeze %parallel_loop3A_498 : memref<1x1x768xf32, #tpu.memory_space<vmem>> -> memref<768xf32, #tpu.memory_space<vmem>>
        %parallel_loop3A_500 = arith.constant 256 : index
        %parallel_loop3A_501 = tpu.vector_load %parallel_loop3A_499[%parallel_loop3A_500] {strides = array<i32>} : memref<768xf32, #tpu.memory_space<vmem>>, vector<16xf32>,
        %parallel_loop3A_502 = vector.shape_cast %parallel_loop3A_501 : vector<16xf32> to vector<16xf32>
        %parallel_loop3A_503 = arith.constant 0 : i32
        %parallel_loop3A_504 = tpu.memref_slice %arg5[%rem3A_271, %parallel_loop3A_287, %parallel_loop3A_503] : memref<2x32x768xf32, #tpu.memory_space<vmem>> -> memref<1x1x768xf32, #tpu.memory_space<vmem>>
        %parallel_loop3A_505 = tpu.memref_squeeze %parallel_loop3A_504 : memref<1x1x768xf32, #tpu.memory_space<vmem>> -> memref<768xf32, #tpu.memory_space<vmem>>
        %parallel_loop3A_506 = arith.constant 256 : index
        %parallel_loop3A_507 = tpu.vector_load %parallel_loop3A_505[%parallel_loop3A_506] {strides = array<i32>} : memref<768xf32, #tpu.memory_space<vmem>>, vector<16xf32>,
        %parallel_loop3A_508 = vector.shape_cast %parallel_loop3A_507 : vector<16xf32> to vector<16xf32>
        %parallel_loop3A_509 = vector.shape_cast %parallel_loop3A_502 : vector<16xf32> to vector<16xf32>
        tpu.vector_store %parallel_loop3A_505[%parallel_loop3A_506], %parallel_loop3A_509 {strides = array<i32>} : memref<768xf32, #tpu.memory_space<vmem>>, vector<16xf32>,
        %parallel_loop3A_510 = arith.constant 0 : i32
        %parallel_loop3A_511 = tpu.memref_slice %arg4[%rem3A_271, %parallel_loop3A_288, %parallel_loop3A_510] : memref<2x40x768xf32, #tpu.memory_space<vmem>> -> memref<1x1x768xf32, #tpu.memory_space<vmem>>
        %parallel_loop3A_512 = tpu.memref_squeeze %parallel_loop3A_511 : memref<1x1x768xf32, #tpu.memory_space<vmem>> -> memref<768xf32, #tpu.memory_space<vmem>>
        %parallel_loop3A_513 = arith.constant 272 : index
        %parallel_loop3A_514 = tpu.vector_load %parallel_loop3A_512[%parallel_loop3A_513] {strides = array<i32>} : memref<768xf32, #tpu.memory_space<vmem>>, vector<16xf32>,
        %parallel_loop3A_515 = vector.shape_cast %parallel_loop3A_514 : vector<16xf32> to vector<16xf32>
        %parallel_loop3A_516 = arith.constant 0 : i32
        %parallel_loop3A_517 = tpu.memref_slice %arg5[%rem3A_271, %parallel_loop3A_287, %parallel_loop3A_516] : memref<2x32x768xf32, #tpu.memory_space<vmem>> -> memref<1x1x768xf32, #tpu.memory_space<vmem>>
        %parallel_loop3A_518 = tpu.memref_squeeze %parallel_loop3A_517 : memref<1x1x768xf32, #tpu.memory_space<vmem>> -> memref<768xf32, #tpu.memory_space<vmem>>
        %parallel_loop3A_519 = arith.constant 272 : index
        %parallel_loop3A_520 = tpu.vector_load %parallel_loop3A_518[%parallel_loop3A_519] {strides = array<i32>} : memref<768xf32, #tpu.memory_space<vmem>>, vector<16xf32>,
        %parallel_loop3A_521 = vector.shape_cast %parallel_loop3A_520 : vector<16xf32> to vector<16xf32>
        %parallel_loop3A_522 = vector.shape_cast %parallel_loop3A_515 : vector<16xf32> to vector<16xf32>
        tpu.vector_store %parallel_loop3A_518[%parallel_loop3A_519], %parallel_loop3A_522 {strides = array<i32>} : memref<768xf32, #tpu.memory_space<vmem>>, vector<16xf32>,
        %parallel_loop3A_523 = arith.constant 0 : i32
        %parallel_loop3A_524 = tpu.memref_slice %arg4[%rem3A_271, %parallel_loop3A_288, %parallel_loop3A_523] : memref<2x40x768xf32, #tpu.memory_space<vmem>> -> memref<1x1x768xf32, #tpu.memory_space<vmem>>
        %parallel_loop3A_525 = tpu.memref_squeeze %parallel_loop3A_524 : memref<1x1x768xf32, #tpu.memory_space<vmem>> -> memref<768xf32, #tpu.memory_space<vmem>>
        %parallel_loop3A_526 = arith.constant 288 : index
        %parallel_loop3A_527 = tpu.vector_load %parallel_loop3A_525[%parallel_loop3A_526] {strides = array<i32>} : memref<768xf32, #tpu.memory_space<vmem>>, vector<16xf32>,
        %parallel_loop3A_528 = vector.shape_cast %parallel_loop3A_527 : vector<16xf32> to vector<16xf32>
        %parallel_loop3A_529 = arith.constant 0 : i32
        %parallel_loop3A_530 = tpu.memref_slice %arg5[%rem3A_271, %parallel_loop3A_287, %parallel_loop3A_529] : memref<2x32x768xf32, #tpu.memory_space<vmem>> -> memref<1x1x768xf32, #tpu.memory_space<vmem>>
        %parallel_loop3A_531 = tpu.memref_squeeze %parallel_loop3A_530 : memref<1x1x768xf32, #tpu.memory_space<vmem>> -> memref<768xf32, #tpu.memory_space<vmem>>
        %parallel_loop3A_532 = arith.constant 288 : index
        %parallel_loop3A_533 = tpu.vector_load %parallel_loop3A_531[%parallel_loop3A_532] {strides = array<i32>} : memref<768xf32, #tpu.memory_space<vmem>>, vector<16xf32>,
        %parallel_loop3A_534 = vector.shape_cast %parallel_loop3A_533 : vector<16xf32> to vector<16xf32>
        %parallel_loop3A_535 = vector.shape_cast %parallel_loop3A_528 : vector<16xf32> to vector<16xf32>
        tpu.vector_store %parallel_loop3A_531[%parallel_loop3A_532], %parallel_loop3A_535 {strides = array<i32>} : memref<768xf32, #tpu.memory_space<vmem>>, vector<16xf32>,
        %parallel_loop3A_536 = arith.constant 0 : i32
        %parallel_loop3A_537 = tpu.memref_slice %arg4[%rem3A_271, %parallel_loop3A_288, %parallel_loop3A_536] : memref<2x40x768xf32, #tpu.memory_space<vmem>> -> memref<1x1x768xf32, #tpu.memory_space<vmem>>
        %parallel_loop3A_538 = tpu.memref_squeeze %parallel_loop3A_537 : memref<1x1x768xf32, #tpu.memory_space<vmem>> -> memref<768xf32, #tpu.memory_space<vmem>>
        %parallel_loop3A_539 = arith.constant 304 : index
        %parallel_loop3A_540 = tpu.vector_load %parallel_loop3A_538[%parallel_loop3A_539] {strides = array<i32>} : memref<768xf32, #tpu.memory_space<vmem>>, vector<16xf32>,
        %parallel_loop3A_541 = vector.shape_cast %parallel_loop3A_540 : vector<16xf32> to vector<16xf32>
        %parallel_loop3A_542 = arith.constant 0 : i32
        %parallel_loop3A_543 = tpu.memref_slice %arg5[%rem3A_271, %parallel_loop3A_287, %parallel_loop3A_542] : memref<2x32x768xf32, #tpu.memory_space<vmem>> -> memref<1x1x768xf32, #tpu.memory_space<vmem>>
        %parallel_loop3A_544 = tpu.memref_squeeze %parallel_loop3A_543 : memref<1x1x768xf32, #tpu.memory_space<vmem>> -> memref<768xf32, #tpu.memory_space<vmem>>
        %parallel_loop3A_545 = arith.constant 304 : index
        %parallel_loop3A_546 = tpu.vector_load %parallel_loop3A_544[%parallel_loop3A_545] {strides = array<i32>} : memref<768xf32, #tpu.memory_space<vmem>>, vector<16xf32>,
        %parallel_loop3A_547 = vector.shape_cast %parallel_loop3A_546 : vector<16xf32> to vector<16xf32>
        %parallel_loop3A_548 = vector.shape_cast %parallel_loop3A_541 : vector<16xf32> to vector<16xf32>
        tpu.vector_store %parallel_loop3A_544[%parallel_loop3A_545], %parallel_loop3A_548 {strides = array<i32>} : memref<768xf32, #tpu.memory_space<vmem>>, vector<16xf32>,
        %parallel_loop3A_549 = arith.constant 0 : i32
        %parallel_loop3A_550 = tpu.memref_slice %arg4[%rem3A_271, %parallel_loop3A_288, %parallel_loop3A_549] : memref<2x40x768xf32, #tpu.memory_space<vmem>> -> memref<1x1x768xf32, #tpu.memory_space<vmem>>
        %parallel_loop3A_551 = tpu.memref_squeeze %parallel_loop3A_550 : memref<1x1x768xf32, #tpu.memory_space<vmem>> -> memref<768xf32, #tpu.memory_space<vmem>>
        %parallel_loop3A_552 = arith.constant 320 : index
        %parallel_loop3A_553 = tpu.vector_load %parallel_loop3A_551[%parallel_loop3A_552] {strides = array<i32>} : memref<768xf32, #tpu.memory_space<vmem>>, vector<16xf32>,
        %parallel_loop3A_554 = vector.shape_cast %parallel_loop3A_553 : vector<16xf32> to vector<16xf32>
        %parallel_loop3A_555 = arith.constant 0 : i32
        %parallel_loop3A_556 = tpu.memref_slice %arg5[%rem3A_271, %parallel_loop3A_287, %parallel_loop3A_555] : memref<2x32x768xf32, #tpu.memory_space<vmem>> -> memref<1x1x768xf32, #tpu.memory_space<vmem>>
        %parallel_loop3A_557 = tpu.memref_squeeze %parallel_loop3A_556 : memref<1x1x768xf32, #tpu.memory_space<vmem>> -> memref<768xf32, #tpu.memory_space<vmem>>
        %parallel_loop3A_558 = arith.constant 320 : index
        %parallel_loop3A_559 = tpu.vector_load %parallel_loop3A_557[%parallel_loop3A_558] {strides = array<i32>} : memref<768xf32, #tpu.memory_space<vmem>>, vector<16xf32>,
        %parallel_loop3A_560 = vector.shape_cast %parallel_loop3A_559 : vector<16xf32> to vector<16xf32>
        %parallel_loop3A_561 = vector.shape_cast %parallel_loop3A_554 : vector<16xf32> to vector<16xf32>
        tpu.vector_store %parallel_loop3A_557[%parallel_loop3A_558], %parallel_loop3A_561 {strides = array<i32>} : memref<768xf32, #tpu.memory_space<vmem>>, vector<16xf32>,
        %parallel_loop3A_562 = arith.constant 0 : i32
        %parallel_loop3A_563 = tpu.memref_slice %arg4[%rem3A_271, %parallel_loop3A_288, %parallel_loop3A_562] : memref<2x40x768xf32, #tpu.memory_space<vmem>> -> memref<1x1x768xf32, #tpu.memory_space<vmem>>
        %parallel_loop3A_564 = tpu.memref_squeeze %parallel_loop3A_563 : memref<1x1x768xf32, #tpu.memory_space<vmem>> -> memref<768xf32, #tpu.memory_space<vmem>>
        %parallel_loop3A_565 = arith.constant 336 : index
        %parallel_loop3A_566 = tpu.vector_load %parallel_loop3A_564[%parallel_loop3A_565] {strides = array<i32>} : memref<768xf32, #tpu.memory_space<vmem>>, vector<16xf32>,
        %parallel_loop3A_567 = vector.shape_cast %parallel_loop3A_566 : vector<16xf32> to vector<16xf32>
        %parallel_loop3A_568 = arith.constant 0 : i32
        %parallel_loop3A_569 = tpu.memref_slice %arg5[%rem3A_271, %parallel_loop3A_287, %parallel_loop3A_568] : memref<2x32x768xf32, #tpu.memory_space<vmem>> -> memref<1x1x768xf32, #tpu.memory_space<vmem>>
        %parallel_loop3A_570 = tpu.memref_squeeze %parallel_loop3A_569 : memref<1x1x768xf32, #tpu.memory_space<vmem>> -> memref<768xf32, #tpu.memory_space<vmem>>
        %parallel_loop3A_571 = arith.constant 336 : index
        %parallel_loop3A_572 = tpu.vector_load %parallel_loop3A_570[%parallel_loop3A_571] {strides = array<i32>} : memref<768xf32, #tpu.memory_space<vmem>>, vector<16xf32>,
        %parallel_loop3A_573 = vector.shape_cast %parallel_loop3A_572 : vector<16xf32> to vector<16xf32>
        %parallel_loop3A_574 = vector.shape_cast %parallel_loop3A_567 : vector<16xf32> to vector<16xf32>
        tpu.vector_store %parallel_loop3A_570[%parallel_loop3A_571], %parallel_loop3A_574 {strides = array<i32>} : memref<768xf32, #tpu.memory_space<vmem>>, vector<16xf32>,
        %parallel_loop3A_575 = arith.constant 0 : i32
        %parallel_loop3A_576 = tpu.memref_slice %arg4[%rem3A_271, %parallel_loop3A_288, %parallel_loop3A_575] : memref<2x40x768xf32, #tpu.memory_space<vmem>> -> memref<1x1x768xf32, #tpu.memory_space<vmem>>
        %parallel_loop3A_577 = tpu.memref_squeeze %parallel_loop3A_576 : memref<1x1x768xf32, #tpu.memory_space<vmem>> -> memref<768xf32, #tpu.memory_space<vmem>>
        %parallel_loop3A_578 = arith.constant 352 : index
        %parallel_loop3A_579 = tpu.vector_load %parallel_loop3A_577[%parallel_loop3A_578] {strides = array<i32>} : memref<768xf32, #tpu.memory_space<vmem>>, vector<16xf32>,
        %parallel_loop3A_580 = vector.shape_cast %parallel_loop3A_579 : vector<16xf32> to vector<16xf32>
        %parallel_loop3A_581 = arith.constant 0 : i32
        %parallel_loop3A_582 = tpu.memref_slice %arg5[%rem3A_271, %parallel_loop3A_287, %parallel_loop3A_581] : memref<2x32x768xf32, #tpu.memory_space<vmem>> -> memref<1x1x768xf32, #tpu.memory_space<vmem>>
        %parallel_loop3A_583 = tpu.memref_squeeze %parallel_loop3A_582 : memref<1x1x768xf32, #tpu.memory_space<vmem>> -> memref<768xf32, #tpu.memory_space<vmem>>
        %parallel_loop3A_584 = arith.constant 352 : index
        %parallel_loop3A_585 = tpu.vector_load %parallel_loop3A_583[%parallel_loop3A_584] {strides = array<i32>} : memref<768xf32, #tpu.memory_space<vmem>>, vector<16xf32>,
        %parallel_loop3A_586 = vector.shape_cast %parallel_loop3A_585 : vector<16xf32> to vector<16xf32>
        %parallel_loop3A_587 = vector.shape_cast %parallel_loop3A_580 : vector<16xf32> to vector<16xf32>
        tpu.vector_store %parallel_loop3A_583[%parallel_loop3A_584], %parallel_loop3A_587 {strides = array<i32>} : memref<768xf32, #tpu.memory_space<vmem>>, vector<16xf32>,
        %parallel_loop3A_588 = arith.constant 0 : i32
        %parallel_loop3A_589 = tpu.memref_slice %arg4[%rem3A_271, %parallel_loop3A_288, %parallel_loop3A_588] : memref<2x40x768xf32, #tpu.memory_space<vmem>> -> memref<1x1x768xf32, #tpu.memory_space<vmem>>
        %parallel_loop3A_590 = tpu.memref_squeeze %parallel_loop3A_589 : memref<1x1x768xf32, #tpu.memory_space<vmem>> -> memref<768xf32, #tpu.memory_space<vmem>>
        %parallel_loop3A_591 = arith.constant 368 : index
        %parallel_loop3A_592 = tpu.vector_load %parallel_loop3A_590[%parallel_loop3A_591] {strides = array<i32>} : memref<768xf32, #tpu.memory_space<vmem>>, vector<16xf32>,
        %parallel_loop3A_593 = vector.shape_cast %parallel_loop3A_592 : vector<16xf32> to vector<16xf32>
        %parallel_loop3A_594 = arith.constant 0 : i32
        %parallel_loop3A_595 = tpu.memref_slice %arg5[%rem3A_271, %parallel_loop3A_287, %parallel_loop3A_594] : memref<2x32x768xf32, #tpu.memory_space<vmem>> -> memref<1x1x768xf32, #tpu.memory_space<vmem>>
        %parallel_loop3A_596 = tpu.memref_squeeze %parallel_loop3A_595 : memref<1x1x768xf32, #tpu.memory_space<vmem>> -> memref<768xf32, #tpu.memory_space<vmem>>
        %parallel_loop3A_597 = arith.constant 368 : index
        %parallel_loop3A_598 = tpu.vector_load %parallel_loop3A_596[%parallel_loop3A_597] {strides = array<i32>} : memref<768xf32, #tpu.memory_space<vmem>>, vector<16xf32>,
        %parallel_loop3A_599 = vector.shape_cast %parallel_loop3A_598 : vector<16xf32> to vector<16xf32>
        %parallel_loop3A_600 = vector.shape_cast %parallel_loop3A_593 : vector<16xf32> to vector<16xf32>
        tpu.vector_store %parallel_loop3A_596[%parallel_loop3A_597], %parallel_loop3A_600 {strides = array<i32>} : memref<768xf32, #tpu.memory_space<vmem>>, vector<16xf32>,
        %parallel_loop3A_601 = arith.constant 0 : i32
        %parallel_loop3A_602 = tpu.memref_slice %arg4[%rem3A_271, %parallel_loop3A_288, %parallel_loop3A_601] : memref<2x40x768xf32, #tpu.memory_space<vmem>> -> memref<1x1x768xf32, #tpu.memory_space<vmem>>
        %parallel_loop3A_603 = tpu.memref_squeeze %parallel_loop3A_602 : memref<1x1x768xf32, #tpu.memory_space<vmem>> -> memref<768xf32, #tpu.memory_space<vmem>>
        %parallel_loop3A_604 = arith.constant 384 : index
        %parallel_loop3A_605 = tpu.vector_load %parallel_loop3A_603[%parallel_loop3A_604] {strides = array<i32>} : memref<768xf32, #tpu.memory_space<vmem>>, vector<16xf32>,
        %parallel_loop3A_606 = vector.shape_cast %parallel_loop3A_605 : vector<16xf32> to vector<16xf32>
        %parallel_loop3A_607 = arith.constant 0 : i32
        %parallel_loop3A_608 = tpu.memref_slice %arg5[%rem3A_271, %parallel_loop3A_287, %parallel_loop3A_607] : memref<2x32x768xf32, #tpu.memory_space<vmem>> -> memref<1x1x768xf32, #tpu.memory_space<vmem>>
        %parallel_loop3A_609 = tpu.memref_squeeze %parallel_loop3A_608 : memref<1x1x768xf32, #tpu.memory_space<vmem>> -> memref<768xf32, #tpu.memory_space<vmem>>
        %parallel_loop3A_610 = arith.constant 384 : index
        %parallel_loop3A_611 = tpu.vector_load %parallel_loop3A_609[%parallel_loop3A_610] {strides = array<i32>} : memref<768xf32, #tpu.memory_space<vmem>>, vector<16xf32>,
        %parallel_loop3A_612 = vector.shape_cast %parallel_loop3A_611 : vector<16xf32> to vector<16xf32>
        %parallel_loop3A_613 = vector.shape_cast %parallel_loop3A_606 : vector<16xf32> to vector<16xf32>
        tpu.vector_store %parallel_loop3A_609[%parallel_loop3A_610], %parallel_loop3A_613 {strides = array<i32>} : memref<768xf32, #tpu.memory_space<vmem>>, vector<16xf32>,
        %parallel_loop3A_614 = arith.constant 0 : i32
        %parallel_loop3A_615 = tpu.memref_slice %arg4[%rem3A_271, %parallel_loop3A_288, %parallel_loop3A_614] : memref<2x40x768xf32, #tpu.memory_space<vmem>> -> memref<1x1x768xf32, #tpu.memory_space<vmem>>
        %parallel_loop3A_616 = tpu.memref_squeeze %parallel_loop3A_615 : memref<1x1x768xf32, #tpu.memory_space<vmem>> -> memref<768xf32, #tpu.memory_space<vmem>>
        %parallel_loop3A_617 = arith.constant 400 : index
        %parallel_loop3A_618 = tpu.vector_load %parallel_loop3A_616[%parallel_loop3A_617] {strides = array<i32>} : memref<768xf32, #tpu.memory_space<vmem>>, vector<16xf32>,
        %parallel_loop3A_619 = vector.shape_cast %parallel_loop3A_618 : vector<16xf32> to vector<16xf32>
        %parallel_loop3A_620 = arith.constant 0 : i32
        %parallel_loop3A_621 = tpu.memref_slice %arg5[%rem3A_271, %parallel_loop3A_287, %parallel_loop3A_620] : memref<2x32x768xf32, #tpu.memory_space<vmem>> -> memref<1x1x768xf32, #tpu.memory_space<vmem>>
        %parallel_loop3A_622 = tpu.memref_squeeze %parallel_loop3A_621 : memref<1x1x768xf32, #tpu.memory_space<vmem>> -> memref<768xf32, #tpu.memory_space<vmem>>
        %parallel_loop3A_623 = arith.constant 400 : index
        %parallel_loop3A_624 = tpu.vector_load %parallel_loop3A_622[%parallel_loop3A_623] {strides = array<i32>} : memref<768xf32, #tpu.memory_space<vmem>>, vector<16xf32>,
        %parallel_loop3A_625 = vector.shape_cast %parallel_loop3A_624 : vector<16xf32> to vector<16xf32>
        %parallel_loop3A_626 = vector.shape_cast %parallel_loop3A_619 : vector<16xf32> to vector<16xf32>
        tpu.vector_store %parallel_loop3A_622[%parallel_loop3A_623], %parallel_loop3A_626 {strides = array<i32>} : memref<768xf32, #tpu.memory_space<vmem>>, vector<16xf32>,
        %parallel_loop3A_627 = arith.constant 0 : i32
        %parallel_loop3A_628 = tpu.memref_slice %arg4[%rem3A_271, %parallel_loop3A_288, %parallel_loop3A_627] : memref<2x40x768xf32, #tpu.memory_space<vmem>> -> memref<1x1x768xf32, #tpu.memory_space<vmem>>
        %parallel_loop3A_629 = tpu.memref_squeeze %parallel_loop3A_628 : memref<1x1x768xf32, #tpu.memory_space<vmem>> -> memref<768xf32, #tpu.memory_space<vmem>>
        %parallel_loop3A_630 = arith.constant 416 : index
        %parallel_loop3A_631 = tpu.vector_load %parallel_loop3A_629[%parallel_loop3A_630] {strides = array<i32>} : memref<768xf32, #tpu.memory_space<vmem>>, vector<16xf32>,
        %parallel_loop3A_632 = vector.shape_cast %parallel_loop3A_631 : vector<16xf32> to vector<16xf32>
        %parallel_loop3A_633 = arith.constant 0 : i32
        %parallel_loop3A_634 = tpu.memref_slice %arg5[%rem3A_271, %parallel_loop3A_287, %parallel_loop3A_633] : memref<2x32x768xf32, #tpu.memory_space<vmem>> -> memref<1x1x768xf32, #tpu.memory_space<vmem>>
        %parallel_loop3A_635 = tpu.memref_squeeze %parallel_loop3A_634 : memref<1x1x768xf32, #tpu.memory_space<vmem>> -> memref<768xf32, #tpu.memory_space<vmem>>
        %parallel_loop3A_636 = arith.constant 416 : index
        %parallel_loop3A_637 = tpu.vector_load %parallel_loop3A_635[%parallel_loop3A_636] {strides = array<i32>} : memref<768xf32, #tpu.memory_space<vmem>>, vector<16xf32>,
        %parallel_loop3A_638 = vector.shape_cast %parallel_loop3A_637 : vector<16xf32> to vector<16xf32>
        %parallel_loop3A_639 = vector.shape_cast %parallel_loop3A_632 : vector<16xf32> to vector<16xf32>
        tpu.vector_store %parallel_loop3A_635[%parallel_loop3A_636], %parallel_loop3A_639 {strides = array<i32>} : memref<768xf32, #tpu.memory_space<vmem>>, vector<16xf32>,
        %parallel_loop3A_640 = arith.constant 0 : i32
        %parallel_loop3A_641 = tpu.memref_slice %arg4[%rem3A_271, %parallel_loop3A_288, %parallel_loop3A_640] : memref<2x40x768xf32, #tpu.memory_space<vmem>> -> memref<1x1x768xf32, #tpu.memory_space<vmem>>
        %parallel_loop3A_642 = tpu.memref_squeeze %parallel_loop3A_641 : memref<1x1x768xf32, #tpu.memory_space<vmem>> -> memref<768xf32, #tpu.memory_space<vmem>>
        %parallel_loop3A_643 = arith.constant 432 : index
        %parallel_loop3A_644 = tpu.vector_load %parallel_loop3A_642[%parallel_loop3A_643] {strides = array<i32>} : memref<768xf32, #tpu.memory_space<vmem>>, vector<16xf32>,
        %parallel_loop3A_645 = vector.shape_cast %parallel_loop3A_644 : vector<16xf32> to vector<16xf32>
        %parallel_loop3A_646 = arith.constant 0 : i32
        %parallel_loop3A_647 = tpu.memref_slice %arg5[%rem3A_271, %parallel_loop3A_287, %parallel_loop3A_646] : memref<2x32x768xf32, #tpu.memory_space<vmem>> -> memref<1x1x768xf32, #tpu.memory_space<vmem>>
        %parallel_loop3A_648 = tpu.memref_squeeze %parallel_loop3A_647 : memref<1x1x768xf32, #tpu.memory_space<vmem>> -> memref<768xf32, #tpu.memory_space<vmem>>
        %parallel_loop3A_649 = arith.constant 432 : index
        %parallel_loop3A_650 = tpu.vector_load %parallel_loop3A_648[%parallel_loop3A_649] {strides = array<i32>} : memref<768xf32, #tpu.memory_space<vmem>>, vector<16xf32>,
        %parallel_loop3A_651 = vector.shape_cast %parallel_loop3A_650 : vector<16xf32> to vector<16xf32>
        %parallel_loop3A_652 = vector.shape_cast %parallel_loop3A_645 : vector<16xf32> to vector<16xf32>
        tpu.vector_store %parallel_loop3A_648[%parallel_loop3A_649], %parallel_loop3A_652 {strides = array<i32>} : memref<768xf32, #tpu.memory_space<vmem>>, vector<16xf32>,
        %parallel_loop3A_653 = arith.constant 0 : i32
        %parallel_loop3A_654 = tpu.memref_slice %arg4[%rem3A_271, %parallel_loop3A_288, %parallel_loop3A_653] : memref<2x40x768xf32, #tpu.memory_space<vmem>> -> memref<1x1x768xf32, #tpu.memory_space<vmem>>
        %parallel_loop3A_655 = tpu.memref_squeeze %parallel_loop3A_654 : memref<1x1x768xf32, #tpu.memory_space<vmem>> -> memref<768xf32, #tpu.memory_space<vmem>>
        %parallel_loop3A_656 = arith.constant 448 : index
        %parallel_loop3A_657 = tpu.vector_load %parallel_loop3A_655[%parallel_loop3A_656] {strides = array<i32>} : memref<768xf32, #tpu.memory_space<vmem>>, vector<16xf32>,
        %parallel_loop3A_658 = vector.shape_cast %parallel_loop3A_657 : vector<16xf32> to vector<16xf32>
        %parallel_loop3A_659 = arith.constant 0 : i32
        %parallel_loop3A_660 = tpu.memref_slice %arg5[%rem3A_271, %parallel_loop3A_287, %parallel_loop3A_659] : memref<2x32x768xf32, #tpu.memory_space<vmem>> -> memref<1x1x768xf32, #tpu.memory_space<vmem>>
        %parallel_loop3A_661 = tpu.memref_squeeze %parallel_loop3A_660 : memref<1x1x768xf32, #tpu.memory_space<vmem>> -> memref<768xf32, #tpu.memory_space<vmem>>
        %parallel_loop3A_662 = arith.constant 448 : index
        %parallel_loop3A_663 = tpu.vector_load %parallel_loop3A_661[%parallel_loop3A_662] {strides = array<i32>} : memref<768xf32, #tpu.memory_space<vmem>>, vector<16xf32>,
        %parallel_loop3A_664 = vector.shape_cast %parallel_loop3A_663 : vector<16xf32> to vector<16xf32>
        %parallel_loop3A_665 = vector.shape_cast %parallel_loop3A_658 : vector<16xf32> to vector<16xf32>
        tpu.vector_store %parallel_loop3A_661[%parallel_loop3A_662], %parallel_loop3A_665 {strides = array<i32>} : memref<768xf32, #tpu.memory_space<vmem>>, vector<16xf32>,
        %parallel_loop3A_666 = arith.constant 0 : i32
        %parallel_loop3A_667 = tpu.memref_slice %arg4[%rem3A_271, %parallel_loop3A_288, %parallel_loop3A_666] : memref<2x40x768xf32, #tpu.memory_space<vmem>> -> memref<1x1x768xf32, #tpu.memory_space<vmem>>
        %parallel_loop3A_668 = tpu.memref_squeeze %parallel_loop3A_667 : memref<1x1x768xf32, #tpu.memory_space<vmem>> -> memref<768xf32, #tpu.memory_space<vmem>>
        %parallel_loop3A_669 = arith.constant 464 : index
        %parallel_loop3A_670 = tpu.vector_load %parallel_loop3A_668[%parallel_loop3A_669] {strides = array<i32>} : memref<768xf32, #tpu.memory_space<vmem>>, vector<16xf32>,
        %parallel_loop3A_671 = vector.shape_cast %parallel_loop3A_670 : vector<16xf32> to vector<16xf32>
        %parallel_loop3A_672 = arith.constant 0 : i32
        %parallel_loop3A_673 = tpu.memref_slice %arg5[%rem3A_271, %parallel_loop3A_287, %parallel_loop3A_672] : memref<2x32x768xf32, #tpu.memory_space<vmem>> -> memref<1x1x768xf32, #tpu.memory_space<vmem>>
        %parallel_loop3A_674 = tpu.memref_squeeze %parallel_loop3A_673 : memref<1x1x768xf32, #tpu.memory_space<vmem>> -> memref<768xf32, #tpu.memory_space<vmem>>
        %parallel_loop3A_675 = arith.constant 464 : index
        %parallel_loop3A_676 = tpu.vector_load %parallel_loop3A_674[%parallel_loop3A_675] {strides = array<i32>} : memref<768xf32, #tpu.memory_space<vmem>>, vector<16xf32>,
        %parallel_loop3A_677 = vector.shape_cast %parallel_loop3A_676 : vector<16xf32> to vector<16xf32>
        %parallel_loop3A_678 = vector.shape_cast %parallel_loop3A_671 : vector<16xf32> to vector<16xf32>
        tpu.vector_store %parallel_loop3A_674[%parallel_loop3A_675], %parallel_loop3A_678 {strides = array<i32>} : memref<768xf32, #tpu.memory_space<vmem>>, vector<16xf32>,
        %parallel_loop3A_679 = arith.constant 0 : i32
        %parallel_loop3A_680 = tpu.memref_slice %arg4[%rem3A_271, %parallel_loop3A_288, %parallel_loop3A_679] : memref<2x40x768xf32, #tpu.memory_space<vmem>> -> memref<1x1x768xf32, #tpu.memory_space<vmem>>
        %parallel_loop3A_681 = tpu.memref_squeeze %parallel_loop3A_680 : memref<1x1x768xf32, #tpu.memory_space<vmem>> -> memref<768xf32, #tpu.memory_space<vmem>>
        %parallel_loop3A_682 = arith.constant 480 : index
        %parallel_loop3A_683 = tpu.vector_load %parallel_loop3A_681[%parallel_loop3A_682] {strides = array<i32>} : memref<768xf32, #tpu.memory_space<vmem>>, vector<16xf32>,
        %parallel_loop3A_684 = vector.shape_cast %parallel_loop3A_683 : vector<16xf32> to vector<16xf32>
        %parallel_loop3A_685 = arith.constant 0 : i32
        %parallel_loop3A_686 = tpu.memref_slice %arg5[%rem3A_271, %parallel_loop3A_287, %parallel_loop3A_685] : memref<2x32x768xf32, #tpu.memory_space<vmem>> -> memref<1x1x768xf32, #tpu.memory_space<vmem>>
        %parallel_loop3A_687 = tpu.memref_squeeze %parallel_loop3A_686 : memref<1x1x768xf32, #tpu.memory_space<vmem>> -> memref<768xf32, #tpu.memory_space<vmem>>
        %parallel_loop3A_688 = arith.constant 480 : index
        %parallel_loop3A_689 = tpu.vector_load %parallel_loop3A_687[%parallel_loop3A_688] {strides = array<i32>} : memref<768xf32, #tpu.memory_space<vmem>>, vector<16xf32>,
        %parallel_loop3A_690 = vector.shape_cast %parallel_loop3A_689 : vector<16xf32> to vector<16xf32>
        %parallel_loop3A_691 = vector.shape_cast %parallel_loop3A_684 : vector<16xf32> to vector<16xf32>
        tpu.vector_store %parallel_loop3A_687[%parallel_loop3A_688], %parallel_loop3A_691 {strides = array<i32>} : memref<768xf32, #tpu.memory_space<vmem>>, vector<16xf32>,
        %parallel_loop3A_692 = arith.constant 0 : i32
        %parallel_loop3A_693 = tpu.memref_slice %arg4[%rem3A_271, %parallel_loop3A_288, %parallel_loop3A_692] : memref<2x40x768xf32, #tpu.memory_space<vmem>> -> memref<1x1x768xf32, #tpu.memory_space<vmem>>
        %parallel_loop3A_694 = tpu.memref_squeeze %parallel_loop3A_693 : memref<1x1x768xf32, #tpu.memory_space<vmem>> -> memref<768xf32, #tpu.memory_space<vmem>>
        %parallel_loop3A_695 = arith.constant 496 : index
        %parallel_loop3A_696 = tpu.vector_load %parallel_loop3A_694[%parallel_loop3A_695] {strides = array<i32>} : memref<768xf32, #tpu.memory_space<vmem>>, vector<16xf32>,
        %parallel_loop3A_697 = vector.shape_cast %parallel_loop3A_696 : vector<16xf32> to vector<16xf32>
        %parallel_loop3A_698 = arith.constant 0 : i32
        %parallel_loop3A_699 = tpu.memref_slice %arg5[%rem3A_271, %parallel_loop3A_287, %parallel_loop3A_698] : memref<2x32x768xf32, #tpu.memory_space<vmem>> -> memref<1x1x768xf32, #tpu.memory_space<vmem>>
        %parallel_loop3A_700 = tpu.memref_squeeze %parallel_loop3A_699 : memref<1x1x768xf32, #tpu.memory_space<vmem>> -> memref<768xf32, #tpu.memory_space<vmem>>
        %parallel_loop3A_701 = arith.constant 496 : index
        %parallel_loop3A_702 = tpu.vector_load %parallel_loop3A_700[%parallel_loop3A_701] {strides = array<i32>} : memref<768xf32, #tpu.memory_space<vmem>>, vector<16xf32>,
        %parallel_loop3A_703 = vector.shape_cast %parallel_loop3A_702 : vector<16xf32> to vector<16xf32>
        %parallel_loop3A_704 = vector.shape_cast %parallel_loop3A_697 : vector<16xf32> to vector<16xf32>
        tpu.vector_store %parallel_loop3A_700[%parallel_loop3A_701], %parallel_loop3A_704 {strides = array<i32>} : memref<768xf32, #tpu.memory_space<vmem>>, vector<16xf32>,
        %parallel_loop3A_705 = arith.constant 0 : i32
        %parallel_loop3A_706 = tpu.memref_slice %arg4[%rem3A_271, %parallel_loop3A_288, %parallel_loop3A_705] : memref<2x40x768xf32, #tpu.memory_space<vmem>> -> memref<1x1x768xf32, #tpu.memory_space<vmem>>
        %parallel_loop3A_707 = tpu.memref_squeeze %parallel_loop3A_706 : memref<1x1x768xf32, #tpu.memory_space<vmem>> -> memref<768xf32, #tpu.memory_space<vmem>>
        %parallel_loop3A_708 = arith.constant 512 : index
        %parallel_loop3A_709 = tpu.vector_load %parallel_loop3A_707[%parallel_loop3A_708] {strides = array<i32>} : memref<768xf32, #tpu.memory_space<vmem>>, vector<16xf32>,
        %parallel_loop3A_710 = vector.shape_cast %parallel_loop3A_709 : vector<16xf32> to vector<16xf32>
        %parallel_loop3A_711 = arith.constant 0 : i32
        %parallel_loop3A_712 = tpu.memref_slice %arg5[%rem3A_271, %parallel_loop3A_287, %parallel_loop3A_711] : memref<2x32x768xf32, #tpu.memory_space<vmem>> -> memref<1x1x768xf32, #tpu.memory_space<vmem>>
        %parallel_loop3A_713 = tpu.memref_squeeze %parallel_loop3A_712 : memref<1x1x768xf32, #tpu.memory_space<vmem>> -> memref<768xf32, #tpu.memory_space<vmem>>
        %parallel_loop3A_714 = arith.constant 512 : index
        %parallel_loop3A_715 = tpu.vector_load %parallel_loop3A_713[%parallel_loop3A_714] {strides = array<i32>} : memref<768xf32, #tpu.memory_space<vmem>>, vector<16xf32>,
        %parallel_loop3A_716 = vector.shape_cast %parallel_loop3A_715 : vector<16xf32> to vector<16xf32>
        %parallel_loop3A_717 = vector.shape_cast %parallel_loop3A_710 : vector<16xf32> to vector<16xf32>
        tpu.vector_store %parallel_loop3A_713[%parallel_loop3A_714], %parallel_loop3A_717 {strides = array<i32>} : memref<768xf32, #tpu.memory_space<vmem>>, vector<16xf32>,
        %parallel_loop3A_718 = arith.constant 0 : i32
        %parallel_loop3A_719 = tpu.memref_slice %arg4[%rem3A_271, %parallel_loop3A_288, %parallel_loop3A_718] : memref<2x40x768xf32, #tpu.memory_space<vmem>> -> memref<1x1x768xf32, #tpu.memory_space<vmem>>
        %parallel_loop3A_720 = tpu.memref_squeeze %parallel_loop3A_719 : memref<1x1x768xf32, #tpu.memory_space<vmem>> -> memref<768xf32, #tpu.memory_space<vmem>>
        %parallel_loop3A_721 = arith.constant 528 : index
        %parallel_loop3A_722 = tpu.vector_load %parallel_loop3A_720[%parallel_loop3A_721] {strides = array<i32>} : memref<768xf32, #tpu.memory_space<vmem>>, vector<16xf32>,
        %parallel_loop3A_723 = vector.shape_cast %parallel_loop3A_722 : vector<16xf32> to vector<16xf32>
        %parallel_loop3A_724 = arith.constant 0 : i32
        %parallel_loop3A_725 = tpu.memref_slice %arg5[%rem3A_271, %parallel_loop3A_287, %parallel_loop3A_724] : memref<2x32x768xf32, #tpu.memory_space<vmem>> -> memref<1x1x768xf32, #tpu.memory_space<vmem>>
        %parallel_loop3A_726 = tpu.memref_squeeze %parallel_loop3A_725 : memref<1x1x768xf32, #tpu.memory_space<vmem>> -> memref<768xf32, #tpu.memory_space<vmem>>
        %parallel_loop3A_727 = arith.constant 528 : index
        %parallel_loop3A_728 = tpu.vector_load %parallel_loop3A_726[%parallel_loop3A_727] {strides = array<i32>} : memref<768xf32, #tpu.memory_space<vmem>>, vector<16xf32>,
        %parallel_loop3A_729 = vector.shape_cast %parallel_loop3A_728 : vector<16xf32> to vector<16xf32>
        %parallel_loop3A_730 = vector.shape_cast %parallel_loop3A_723 : vector<16xf32> to vector<16xf32>
        tpu.vector_store %parallel_loop3A_726[%parallel_loop3A_727], %parallel_loop3A_730 {strides = array<i32>} : memref<768xf32, #tpu.memory_space<vmem>>, vector<16xf32>,
        %parallel_loop3A_731 = arith.constant 0 : i32
        %parallel_loop3A_732 = tpu.memref_slice %arg4[%rem3A_271, %parallel_loop3A_288, %parallel_loop3A_731] : memref<2x40x768xf32, #tpu.memory_space<vmem>> -> memref<1x1x768xf32, #tpu.memory_space<vmem>>
        %parallel_loop3A_733 = tpu.memref_squeeze %parallel_loop3A_732 : memref<1x1x768xf32, #tpu.memory_space<vmem>> -> memref<768xf32, #tpu.memory_space<vmem>>
        %parallel_loop3A_734 = arith.constant 544 : index
        %parallel_loop3A_735 = tpu.vector_load %parallel_loop3A_733[%parallel_loop3A_734] {strides = array<i32>} : memref<768xf32, #tpu.memory_space<vmem>>, vector<16xf32>,
        %parallel_loop3A_736 = vector.shape_cast %parallel_loop3A_735 : vector<16xf32> to vector<16xf32>
        %parallel_loop3A_737 = arith.constant 0 : i32
        %parallel_loop3A_738 = tpu.memref_slice %arg5[%rem3A_271, %parallel_loop3A_287, %parallel_loop3A_737] : memref<2x32x768xf32, #tpu.memory_space<vmem>> -> memref<1x1x768xf32, #tpu.memory_space<vmem>>
        %parallel_loop3A_739 = tpu.memref_squeeze %parallel_loop3A_738 : memref<1x1x768xf32, #tpu.memory_space<vmem>> -> memref<768xf32, #tpu.memory_space<vmem>>
        %parallel_loop3A_740 = arith.constant 544 : index
        %parallel_loop3A_741 = tpu.vector_load %parallel_loop3A_739[%parallel_loop3A_740] {strides = array<i32>} : memref<768xf32, #tpu.memory_space<vmem>>, vector<16xf32>,
        %parallel_loop3A_742 = vector.shape_cast %parallel_loop3A_741 : vector<16xf32> to vector<16xf32>
        %parallel_loop3A_743 = vector.shape_cast %parallel_loop3A_736 : vector<16xf32> to vector<16xf32>
        tpu.vector_store %parallel_loop3A_739[%parallel_loop3A_740], %parallel_loop3A_743 {strides = array<i32>} : memref<768xf32, #tpu.memory_space<vmem>>, vector<16xf32>,
        %parallel_loop3A_744 = arith.constant 0 : i32
        %parallel_loop3A_745 = tpu.memref_slice %arg4[%rem3A_271, %parallel_loop3A_288, %parallel_loop3A_744] : memref<2x40x768xf32, #tpu.memory_space<vmem>> -> memref<1x1x768xf32, #tpu.memory_space<vmem>>
        %parallel_loop3A_746 = tpu.memref_squeeze %parallel_loop3A_745 : memref<1x1x768xf32, #tpu.memory_space<vmem>> -> memref<768xf32, #tpu.memory_space<vmem>>
        %parallel_loop3A_747 = arith.constant 560 : index
        %parallel_loop3A_748 = tpu.vector_load %parallel_loop3A_746[%parallel_loop3A_747] {strides = array<i32>} : memref<768xf32, #tpu.memory_space<vmem>>, vector<16xf32>,
        %parallel_loop3A_749 = vector.shape_cast %parallel_loop3A_748 : vector<16xf32> to vector<16xf32>
        %parallel_loop3A_750 = arith.constant 0 : i32
        %parallel_loop3A_751 = tpu.memref_slice %arg5[%rem3A_271, %parallel_loop3A_287, %parallel_loop3A_750] : memref<2x32x768xf32, #tpu.memory_space<vmem>> -> memref<1x1x768xf32, #tpu.memory_space<vmem>>
        %parallel_loop3A_752 = tpu.memref_squeeze %parallel_loop3A_751 : memref<1x1x768xf32, #tpu.memory_space<vmem>> -> memref<768xf32, #tpu.memory_space<vmem>>
        %parallel_loop3A_753 = arith.constant 560 : index
        %parallel_loop3A_754 = tpu.vector_load %parallel_loop3A_752[%parallel_loop3A_753] {strides = array<i32>} : memref<768xf32, #tpu.memory_space<vmem>>, vector<16xf32>,
        %parallel_loop3A_755 = vector.shape_cast %parallel_loop3A_754 : vector<16xf32> to vector<16xf32>
        %parallel_loop3A_756 = vector.shape_cast %parallel_loop3A_749 : vector<16xf32> to vector<16xf32>
        tpu.vector_store %parallel_loop3A_752[%parallel_loop3A_753], %parallel_loop3A_756 {strides = array<i32>} : memref<768xf32, #tpu.memory_space<vmem>>, vector<16xf32>,
        %parallel_loop3A_757 = arith.constant 0 : i32
        %parallel_loop3A_758 = tpu.memref_slice %arg4[%rem3A_271, %parallel_loop3A_288, %parallel_loop3A_757] : memref<2x40x768xf32, #tpu.memory_space<vmem>> -> memref<1x1x768xf32, #tpu.memory_space<vmem>>
        %parallel_loop3A_759 = tpu.memref_squeeze %parallel_loop3A_758 : memref<1x1x768xf32, #tpu.memory_space<vmem>> -> memref<768xf32, #tpu.memory_space<vmem>>
        %parallel_loop3A_760 = arith.constant 576 : index
        %parallel_loop3A_761 = tpu.vector_load %parallel_loop3A_759[%parallel_loop3A_760] {strides = array<i32>} : memref<768xf32, #tpu.memory_space<vmem>>, vector<16xf32>,
        %parallel_loop3A_762 = vector.shape_cast %parallel_loop3A_761 : vector<16xf32> to vector<16xf32>
        %parallel_loop3A_763 = arith.constant 0 : i32
        %parallel_loop3A_764 = tpu.memref_slice %arg5[%rem3A_271, %parallel_loop3A_287, %parallel_loop3A_763] : memref<2x32x768xf32, #tpu.memory_space<vmem>> -> memref<1x1x768xf32, #tpu.memory_space<vmem>>
        %parallel_loop3A_765 = tpu.memref_squeeze %parallel_loop3A_764 : memref<1x1x768xf32, #tpu.memory_space<vmem>> -> memref<768xf32, #tpu.memory_space<vmem>>
        %parallel_loop3A_766 = arith.constant 576 : index
        %parallel_loop3A_767 = tpu.vector_load %parallel_loop3A_765[%parallel_loop3A_766] {strides = array<i32>} : memref<768xf32, #tpu.memory_space<vmem>>, vector<16xf32>,
        %parallel_loop3A_768 = vector.shape_cast %parallel_loop3A_767 : vector<16xf32> to vector<16xf32>
        %parallel_loop3A_769 = vector.shape_cast %parallel_loop3A_762 : vector<16xf32> to vector<16xf32>
        tpu.vector_store %parallel_loop3A_765[%parallel_loop3A_766], %parallel_loop3A_769 {strides = array<i32>} : memref<768xf32, #tpu.memory_space<vmem>>, vector<16xf32>,
        %parallel_loop3A_770 = arith.constant 0 : i32
        %parallel_loop3A_771 = tpu.memref_slice %arg4[%rem3A_271, %parallel_loop3A_288, %parallel_loop3A_770] : memref<2x40x768xf32, #tpu.memory_space<vmem>> -> memref<1x1x768xf32, #tpu.memory_space<vmem>>
        %parallel_loop3A_772 = tpu.memref_squeeze %parallel_loop3A_771 : memref<1x1x768xf32, #tpu.memory_space<vmem>> -> memref<768xf32, #tpu.memory_space<vmem>>
        %parallel_loop3A_773 = arith.constant 592 : index
        %parallel_loop3A_774 = tpu.vector_load %parallel_loop3A_772[%parallel_loop3A_773] {strides = array<i32>} : memref<768xf32, #tpu.memory_space<vmem>>, vector<16xf32>,
        %parallel_loop3A_775 = vector.shape_cast %parallel_loop3A_774 : vector<16xf32> to vector<16xf32>
        %parallel_loop3A_776 = arith.constant 0 : i32
        %parallel_loop3A_777 = tpu.memref_slice %arg5[%rem3A_271, %parallel_loop3A_287, %parallel_loop3A_776] : memref<2x32x768xf32, #tpu.memory_space<vmem>> -> memref<1x1x768xf32, #tpu.memory_space<vmem>>
        %parallel_loop3A_778 = tpu.memref_squeeze %parallel_loop3A_777 : memref<1x1x768xf32, #tpu.memory_space<vmem>> -> memref<768xf32, #tpu.memory_space<vmem>>
        %parallel_loop3A_779 = arith.constant 592 : index
        %parallel_loop3A_780 = tpu.vector_load %parallel_loop3A_778[%parallel_loop3A_779] {strides = array<i32>} : memref<768xf32, #tpu.memory_space<vmem>>, vector<16xf32>,
        %parallel_loop3A_781 = vector.shape_cast %parallel_loop3A_780 : vector<16xf32> to vector<16xf32>
        %parallel_loop3A_782 = vector.shape_cast %parallel_loop3A_775 : vector<16xf32> to vector<16xf32>
        tpu.vector_store %parallel_loop3A_778[%parallel_loop3A_779], %parallel_loop3A_782 {strides = array<i32>} : memref<768xf32, #tpu.memory_space<vmem>>, vector<16xf32>,
        %parallel_loop3A_783 = arith.constant 0 : i32
        %parallel_loop3A_784 = tpu.memref_slice %arg4[%rem3A_271, %parallel_loop3A_288, %parallel_loop3A_783] : memref<2x40x768xf32, #tpu.memory_space<vmem>> -> memref<1x1x768xf32, #tpu.memory_space<vmem>>
        %parallel_loop3A_785 = tpu.memref_squeeze %parallel_loop3A_784 : memref<1x1x768xf32, #tpu.memory_space<vmem>> -> memref<768xf32, #tpu.memory_space<vmem>>
        %parallel_loop3A_786 = arith.constant 608 : index
        %parallel_loop3A_787 = tpu.vector_load %parallel_loop3A_785[%parallel_loop3A_786] {strides = array<i32>} : memref<768xf32, #tpu.memory_space<vmem>>, vector<16xf32>,
        %parallel_loop3A_788 = vector.shape_cast %parallel_loop3A_787 : vector<16xf32> to vector<16xf32>
        %parallel_loop3A_789 = arith.constant 0 : i32
        %parallel_loop3A_790 = tpu.memref_slice %arg5[%rem3A_271, %parallel_loop3A_287, %parallel_loop3A_789] : memref<2x32x768xf32, #tpu.memory_space<vmem>> -> memref<1x1x768xf32, #tpu.memory_space<vmem>>
        %parallel_loop3A_791 = tpu.memref_squeeze %parallel_loop3A_790 : memref<1x1x768xf32, #tpu.memory_space<vmem>> -> memref<768xf32, #tpu.memory_space<vmem>>
        %parallel_loop3A_792 = arith.constant 608 : index
        %parallel_loop3A_793 = tpu.vector_load %parallel_loop3A_791[%parallel_loop3A_792] {strides = array<i32>} : memref<768xf32, #tpu.memory_space<vmem>>, vector<16xf32>,
        %parallel_loop3A_794 = vector.shape_cast %parallel_loop3A_793 : vector<16xf32> to vector<16xf32>
        %parallel_loop3A_795 = vector.shape_cast %parallel_loop3A_788 : vector<16xf32> to vector<16xf32>
        tpu.vector_store %parallel_loop3A_791[%parallel_loop3A_792], %parallel_loop3A_795 {strides = array<i32>} : memref<768xf32, #tpu.memory_space<vmem>>, vector<16xf32>,
        %parallel_loop3A_796 = arith.constant 0 : i32
        %parallel_loop3A_797 = tpu.memref_slice %arg4[%rem3A_271, %parallel_loop3A_288, %parallel_loop3A_796] : memref<2x40x768xf32, #tpu.memory_space<vmem>> -> memref<1x1x768xf32, #tpu.memory_space<vmem>>
        %parallel_loop3A_798 = tpu.memref_squeeze %parallel_loop3A_797 : memref<1x1x768xf32, #tpu.memory_space<vmem>> -> memref<768xf32, #tpu.memory_space<vmem>>
        %parallel_loop3A_799 = arith.constant 624 : index
        %parallel_loop3A_800 = tpu.vector_load %parallel_loop3A_798[%parallel_loop3A_799] {strides = array<i32>} : memref<768xf32, #tpu.memory_space<vmem>>, vector<16xf32>,
        %parallel_loop3A_801 = vector.shape_cast %parallel_loop3A_800 : vector<16xf32> to vector<16xf32>
        %parallel_loop3A_802 = arith.constant 0 : i32
        %parallel_loop3A_803 = tpu.memref_slice %arg5[%rem3A_271, %parallel_loop3A_287, %parallel_loop3A_802] : memref<2x32x768xf32, #tpu.memory_space<vmem>> -> memref<1x1x768xf32, #tpu.memory_space<vmem>>
        %parallel_loop3A_804 = tpu.memref_squeeze %parallel_loop3A_803 : memref<1x1x768xf32, #tpu.memory_space<vmem>> -> memref<768xf32, #tpu.memory_space<vmem>>
        %parallel_loop3A_805 = arith.constant 624 : index
        %parallel_loop3A_806 = tpu.vector_load %parallel_loop3A_804[%parallel_loop3A_805] {strides = array<i32>} : memref<768xf32, #tpu.memory_space<vmem>>, vector<16xf32>,
        %parallel_loop3A_807 = vector.shape_cast %parallel_loop3A_806 : vector<16xf32> to vector<16xf32>
        %parallel_loop3A_808 = vector.shape_cast %parallel_loop3A_801 : vector<16xf32> to vector<16xf32>
        tpu.vector_store %parallel_loop3A_804[%parallel_loop3A_805], %parallel_loop3A_808 {strides = array<i32>} : memref<768xf32, #tpu.memory_space<vmem>>, vector<16xf32>,
        %parallel_loop3A_809 = arith.constant 0 : i32
        %parallel_loop3A_810 = tpu.memref_slice %arg4[%rem3A_271, %parallel_loop3A_288, %parallel_loop3A_809] : memref<2x40x768xf32, #tpu.memory_space<vmem>> -> memref<1x1x768xf32, #tpu.memory_space<vmem>>
        %parallel_loop3A_811 = tpu.memref_squeeze %parallel_loop3A_810 : memref<1x1x768xf32, #tpu.memory_space<vmem>> -> memref<768xf32, #tpu.memory_space<vmem>>
        %parallel_loop3A_812 = arith.constant 640 : index
        %parallel_loop3A_813 = tpu.vector_load %parallel_loop3A_811[%parallel_loop3A_812] {strides = array<i32>} : memref<768xf32, #tpu.memory_space<vmem>>, vector<16xf32>,
        %parallel_loop3A_814 = vector.shape_cast %parallel_loop3A_813 : vector<16xf32> to vector<16xf32>
        %parallel_loop3A_815 = arith.constant 0 : i32
        %parallel_loop3A_816 = tpu.memref_slice %arg5[%rem3A_271, %parallel_loop3A_287, %parallel_loop3A_815] : memref<2x32x768xf32, #tpu.memory_space<vmem>> -> memref<1x1x768xf32, #tpu.memory_space<vmem>>
        %parallel_loop3A_817 = tpu.memref_squeeze %parallel_loop3A_816 : memref<1x1x768xf32, #tpu.memory_space<vmem>> -> memref<768xf32, #tpu.memory_space<vmem>>
        %parallel_loop3A_818 = arith.constant 640 : index
        %parallel_loop3A_819 = tpu.vector_load %parallel_loop3A_817[%parallel_loop3A_818] {strides = array<i32>} : memref<768xf32, #tpu.memory_space<vmem>>, vector<16xf32>,
        %parallel_loop3A_820 = vector.shape_cast %parallel_loop3A_819 : vector<16xf32> to vector<16xf32>
        %parallel_loop3A_821 = vector.shape_cast %parallel_loop3A_814 : vector<16xf32> to vector<16xf32>
        tpu.vector_store %parallel_loop3A_817[%parallel_loop3A_818], %parallel_loop3A_821 {strides = array<i32>} : memref<768xf32, #tpu.memory_space<vmem>>, vector<16xf32>,
        %parallel_loop3A_822 = arith.constant 0 : i32
        %parallel_loop3A_823 = tpu.memref_slice %arg4[%rem3A_271, %parallel_loop3A_288, %parallel_loop3A_822] : memref<2x40x768xf32, #tpu.memory_space<vmem>> -> memref<1x1x768xf32, #tpu.memory_space<vmem>>
        %parallel_loop3A_824 = tpu.memref_squeeze %parallel_loop3A_823 : memref<1x1x768xf32, #tpu.memory_space<vmem>> -> memref<768xf32, #tpu.memory_space<vmem>>
        %parallel_loop3A_825 = arith.constant 656 : index
        %parallel_loop3A_826 = tpu.vector_load %parallel_loop3A_824[%parallel_loop3A_825] {strides = array<i32>} : memref<768xf32, #tpu.memory_space<vmem>>, vector<16xf32>,
        %parallel_loop3A_827 = vector.shape_cast %parallel_loop3A_826 : vector<16xf32> to vector<16xf32>
        %parallel_loop3A_828 = arith.constant 0 : i32
        %parallel_loop3A_829 = tpu.memref_slice %arg5[%rem3A_271, %parallel_loop3A_287, %parallel_loop3A_828] : memref<2x32x768xf32, #tpu.memory_space<vmem>> -> memref<1x1x768xf32, #tpu.memory_space<vmem>>
        %parallel_loop3A_830 = tpu.memref_squeeze %parallel_loop3A_829 : memref<1x1x768xf32, #tpu.memory_space<vmem>> -> memref<768xf32, #tpu.memory_space<vmem>>
        %parallel_loop3A_831 = arith.constant 656 : index
        %parallel_loop3A_832 = tpu.vector_load %parallel_loop3A_830[%parallel_loop3A_831] {strides = array<i32>} : memref<768xf32, #tpu.memory_space<vmem>>, vector<16xf32>,
        %parallel_loop3A_833 = vector.shape_cast %parallel_loop3A_832 : vector<16xf32> to vector<16xf32>
        %parallel_loop3A_834 = vector.shape_cast %parallel_loop3A_827 : vector<16xf32> to vector<16xf32>
        tpu.vector_store %parallel_loop3A_830[%parallel_loop3A_831], %parallel_loop3A_834 {strides = array<i32>} : memref<768xf32, #tpu.memory_space<vmem>>, vector<16xf32>,
        %parallel_loop3A_835 = arith.constant 0 : i32
        %parallel_loop3A_836 = tpu.memref_slice %arg4[%rem3A_271, %parallel_loop3A_288, %parallel_loop3A_835] : memref<2x40x768xf32, #tpu.memory_space<vmem>> -> memref<1x1x768xf32, #tpu.memory_space<vmem>>
        %parallel_loop3A_837 = tpu.memref_squeeze %parallel_loop3A_836 : memref<1x1x768xf32, #tpu.memory_space<vmem>> -> memref<768xf32, #tpu.memory_space<vmem>>
        %parallel_loop3A_838 = arith.constant 672 : index
        %parallel_loop3A_839 = tpu.vector_load %parallel_loop3A_837[%parallel_loop3A_838] {strides = array<i32>} : memref<768xf32, #tpu.memory_space<vmem>>, vector<16xf32>,
        %parallel_loop3A_840 = vector.shape_cast %parallel_loop3A_839 : vector<16xf32> to vector<16xf32>
        %parallel_loop3A_841 = arith.constant 0 : i32
        %parallel_loop3A_842 = tpu.memref_slice %arg5[%rem3A_271, %parallel_loop3A_287, %parallel_loop3A_841] : memref<2x32x768xf32, #tpu.memory_space<vmem>> -> memref<1x1x768xf32, #tpu.memory_space<vmem>>
        %parallel_loop3A_843 = tpu.memref_squeeze %parallel_loop3A_842 : memref<1x1x768xf32, #tpu.memory_space<vmem>> -> memref<768xf32, #tpu.memory_space<vmem>>
        %parallel_loop3A_844 = arith.constant 672 : index
        %parallel_loop3A_845 = tpu.vector_load %parallel_loop3A_843[%parallel_loop3A_844] {strides = array<i32>} : memref<768xf32, #tpu.memory_space<vmem>>, vector<16xf32>,
        %parallel_loop3A_846 = vector.shape_cast %parallel_loop3A_845 : vector<16xf32> to vector<16xf32>
        %parallel_loop3A_847 = vector.shape_cast %parallel_loop3A_840 : vector<16xf32> to vector<16xf32>
        tpu.vector_store %parallel_loop3A_843[%parallel_loop3A_844], %parallel_loop3A_847 {strides = array<i32>} : memref<768xf32, #tpu.memory_space<vmem>>, vector<16xf32>,
        %parallel_loop3A_848 = arith.constant 0 : i32
        %parallel_loop3A_849 = tpu.memref_slice %arg4[%rem3A_271, %parallel_loop3A_288, %parallel_loop3A_848] : memref<2x40x768xf32, #tpu.memory_space<vmem>> -> memref<1x1x768xf32, #tpu.memory_space<vmem>>
        %parallel_loop3A_850 = tpu.memref_squeeze %parallel_loop3A_849 : memref<1x1x768xf32, #tpu.memory_space<vmem>> -> memref<768xf32, #tpu.memory_space<vmem>>
        %parallel_loop3A_851 = arith.constant 688 : index
        %parallel_loop3A_852 = tpu.vector_load %parallel_loop3A_850[%parallel_loop3A_851] {strides = array<i32>} : memref<768xf32, #tpu.memory_space<vmem>>, vector<16xf32>,
        %parallel_loop3A_853 = vector.shape_cast %parallel_loop3A_852 : vector<16xf32> to vector<16xf32>
        %parallel_loop3A_854 = arith.constant 0 : i32
        %parallel_loop3A_855 = tpu.memref_slice %arg5[%rem3A_271, %parallel_loop3A_287, %parallel_loop3A_854] : memref<2x32x768xf32, #tpu.memory_space<vmem>> -> memref<1x1x768xf32, #tpu.memory_space<vmem>>
        %parallel_loop3A_856 = tpu.memref_squeeze %parallel_loop3A_855 : memref<1x1x768xf32, #tpu.memory_space<vmem>> -> memref<768xf32, #tpu.memory_space<vmem>>
        %parallel_loop3A_857 = arith.constant 688 : index
        %parallel_loop3A_858 = tpu.vector_load %parallel_loop3A_856[%parallel_loop3A_857] {strides = array<i32>} : memref<768xf32, #tpu.memory_space<vmem>>, vector<16xf32>,
        %parallel_loop3A_859 = vector.shape_cast %parallel_loop3A_858 : vector<16xf32> to vector<16xf32>
        %parallel_loop3A_860 = vector.shape_cast %parallel_loop3A_853 : vector<16xf32> to vector<16xf32>
        tpu.vector_store %parallel_loop3A_856[%parallel_loop3A_857], %parallel_loop3A_860 {strides = array<i32>} : memref<768xf32, #tpu.memory_space<vmem>>, vector<16xf32>,
        %parallel_loop3A_861 = arith.constant 0 : i32
        %parallel_loop3A_862 = tpu.memref_slice %arg4[%rem3A_271, %parallel_loop3A_288, %parallel_loop3A_861] : memref<2x40x768xf32, #tpu.memory_space<vmem>> -> memref<1x1x768xf32, #tpu.memory_space<vmem>>
        %parallel_loop3A_863 = tpu.memref_squeeze %parallel_loop3A_862 : memref<1x1x768xf32, #tpu.memory_space<vmem>> -> memref<768xf32, #tpu.memory_space<vmem>>
        %parallel_loop3A_864 = arith.constant 704 : index
        %parallel_loop3A_865 = tpu.vector_load %parallel_loop3A_863[%parallel_loop3A_864] {strides = array<i32>} : memref<768xf32, #tpu.memory_space<vmem>>, vector<16xf32>,
        %parallel_loop3A_866 = vector.shape_cast %parallel_loop3A_865 : vector<16xf32> to vector<16xf32>
        %parallel_loop3A_867 = arith.constant 0 : i32
        %parallel_loop3A_868 = tpu.memref_slice %arg5[%rem3A_271, %parallel_loop3A_287, %parallel_loop3A_867] : memref<2x32x768xf32, #tpu.memory_space<vmem>> -> memref<1x1x768xf32, #tpu.memory_space<vmem>>
        %parallel_loop3A_869 = tpu.memref_squeeze %parallel_loop3A_868 : memref<1x1x768xf32, #tpu.memory_space<vmem>> -> memref<768xf32, #tpu.memory_space<vmem>>
        %parallel_loop3A_870 = arith.constant 704 : index
        %parallel_loop3A_871 = tpu.vector_load %parallel_loop3A_869[%parallel_loop3A_870] {strides = array<i32>} : memref<768xf32, #tpu.memory_space<vmem>>, vector<16xf32>,
        %parallel_loop3A_872 = vector.shape_cast %parallel_loop3A_871 : vector<16xf32> to vector<16xf32>
        %parallel_loop3A_873 = vector.shape_cast %parallel_loop3A_866 : vector<16xf32> to vector<16xf32>
        tpu.vector_store %parallel_loop3A_869[%parallel_loop3A_870], %parallel_loop3A_873 {strides = array<i32>} : memref<768xf32, #tpu.memory_space<vmem>>, vector<16xf32>,
        %parallel_loop3A_874 = arith.constant 0 : i32
        %parallel_loop3A_875 = tpu.memref_slice %arg4[%rem3A_271, %parallel_loop3A_288, %parallel_loop3A_874] : memref<2x40x768xf32, #tpu.memory_space<vmem>> -> memref<1x1x768xf32, #tpu.memory_space<vmem>>
        %parallel_loop3A_876 = tpu.memref_squeeze %parallel_loop3A_875 : memref<1x1x768xf32, #tpu.memory_space<vmem>> -> memref<768xf32, #tpu.memory_space<vmem>>
        %parallel_loop3A_877 = arith.constant 720 : index
        %parallel_loop3A_878 = tpu.vector_load %parallel_loop3A_876[%parallel_loop3A_877] {strides = array<i32>} : memref<768xf32, #tpu.memory_space<vmem>>, vector<16xf32>,
        %parallel_loop3A_879 = vector.shape_cast %parallel_loop3A_878 : vector<16xf32> to vector<16xf32>
        %parallel_loop3A_880 = arith.constant 0 : i32
        %parallel_loop3A_881 = tpu.memref_slice %arg5[%rem3A_271, %parallel_loop3A_287, %parallel_loop3A_880] : memref<2x32x768xf32, #tpu.memory_space<vmem>> -> memref<1x1x768xf32, #tpu.memory_space<vmem>>
        %parallel_loop3A_882 = tpu.memref_squeeze %parallel_loop3A_881 : memref<1x1x768xf32, #tpu.memory_space<vmem>> -> memref<768xf32, #tpu.memory_space<vmem>>
        %parallel_loop3A_883 = arith.constant 720 : index
        %parallel_loop3A_884 = tpu.vector_load %parallel_loop3A_882[%parallel_loop3A_883] {strides = array<i32>} : memref<768xf32, #tpu.memory_space<vmem>>, vector<16xf32>,
        %parallel_loop3A_885 = vector.shape_cast %parallel_loop3A_884 : vector<16xf32> to vector<16xf32>
        %parallel_loop3A_886 = vector.shape_cast %parallel_loop3A_879 : vector<16xf32> to vector<16xf32>
        tpu.vector_store %parallel_loop3A_882[%parallel_loop3A_883], %parallel_loop3A_886 {strides = array<i32>} : memref<768xf32, #tpu.memory_space<vmem>>, vector<16xf32>,
        %parallel_loop3A_887 = arith.constant 0 : i32
        %parallel_loop3A_888 = tpu.memref_slice %arg4[%rem3A_271, %parallel_loop3A_288, %parallel_loop3A_887] : memref<2x40x768xf32, #tpu.memory_space<vmem>> -> memref<1x1x768xf32, #tpu.memory_space<vmem>>
        %parallel_loop3A_889 = tpu.memref_squeeze %parallel_loop3A_888 : memref<1x1x768xf32, #tpu.memory_space<vmem>> -> memref<768xf32, #tpu.memory_space<vmem>>
        %parallel_loop3A_890 = arith.constant 736 : index
        %parallel_loop3A_891 = tpu.vector_load %parallel_loop3A_889[%parallel_loop3A_890] {strides = array<i32>} : memref<768xf32, #tpu.memory_space<vmem>>, vector<16xf32>,
        %parallel_loop3A_892 = vector.shape_cast %parallel_loop3A_891 : vector<16xf32> to vector<16xf32>
        %parallel_loop3A_893 = arith.constant 0 : i32
        %parallel_loop3A_894 = tpu.memref_slice %arg5[%rem3A_271, %parallel_loop3A_287, %parallel_loop3A_893] : memref<2x32x768xf32, #tpu.memory_space<vmem>> -> memref<1x1x768xf32, #tpu.memory_space<vmem>>
        %parallel_loop3A_895 = tpu.memref_squeeze %parallel_loop3A_894 : memref<1x1x768xf32, #tpu.memory_space<vmem>> -> memref<768xf32, #tpu.memory_space<vmem>>
        %parallel_loop3A_896 = arith.constant 736 : index
        %parallel_loop3A_897 = tpu.vector_load %parallel_loop3A_895[%parallel_loop3A_896] {strides = array<i32>} : memref<768xf32, #tpu.memory_space<vmem>>, vector<16xf32>,
        %parallel_loop3A_898 = vector.shape_cast %parallel_loop3A_897 : vector<16xf32> to vector<16xf32>
        %parallel_loop3A_899 = vector.shape_cast %parallel_loop3A_892 : vector<16xf32> to vector<16xf32>
        tpu.vector_store %parallel_loop3A_895[%parallel_loop3A_896], %parallel_loop3A_899 {strides = array<i32>} : memref<768xf32, #tpu.memory_space<vmem>>, vector<16xf32>,
        %parallel_loop3A_900 = arith.constant 0 : i32
        %parallel_loop3A_901 = tpu.memref_slice %arg4[%rem3A_271, %parallel_loop3A_288, %parallel_loop3A_900] : memref<2x40x768xf32, #tpu.memory_space<vmem>> -> memref<1x1x768xf32, #tpu.memory_space<vmem>>
        %parallel_loop3A_902 = tpu.memref_squeeze %parallel_loop3A_901 : memref<1x1x768xf32, #tpu.memory_space<vmem>> -> memref<768xf32, #tpu.memory_space<vmem>>
        %parallel_loop3A_903 = arith.constant 752 : index
        %parallel_loop3A_904 = tpu.vector_load %parallel_loop3A_902[%parallel_loop3A_903] {strides = array<i32>} : memref<768xf32, #tpu.memory_space<vmem>>, vector<16xf32>,
        %parallel_loop3A_905 = vector.shape_cast %parallel_loop3A_904 : vector<16xf32> to vector<16xf32>
        %parallel_loop3A_906 = arith.constant 0 : i32
        %parallel_loop3A_907 = tpu.memref_slice %arg5[%rem3A_271, %parallel_loop3A_287, %parallel_loop3A_906] : memref<2x32x768xf32, #tpu.memory_space<vmem>> -> memref<1x1x768xf32, #tpu.memory_space<vmem>>
        %parallel_loop3A_908 = tpu.memref_squeeze %parallel_loop3A_907 : memref<1x1x768xf32, #tpu.memory_space<vmem>> -> memref<768xf32, #tpu.memory_space<vmem>>
        %parallel_loop3A_909 = arith.constant 752 : index
        %parallel_loop3A_910 = tpu.vector_load %parallel_loop3A_908[%parallel_loop3A_909] {strides = array<i32>} : memref<768xf32, #tpu.memory_space<vmem>>, vector<16xf32>,
        %parallel_loop3A_911 = vector.shape_cast %parallel_loop3A_910 : vector<16xf32> to vector<16xf32>
        %parallel_loop3A_912 = vector.shape_cast %parallel_loop3A_905 : vector<16xf32> to vector<16xf32>
        tpu.vector_store %parallel_loop3A_908[%parallel_loop3A_909], %parallel_loop3A_912 {strides = array<i32>} : memref<768xf32, #tpu.memory_space<vmem>>, vector<16xf32>,
      } {sc.loop_unroll_factor = 4 : i64, sc.parallel_access}
      %dma_start3A = arith.constant 0 : i32
      %dma_start3A_274 = arith.constant 0 : i32
      %dma_start3A_275 = tpu.memref_slice %arg5[%rem3A_194, %dma_start3A, %dma_start3A_274] : memref<2x32x768xf32, #tpu.memory_space<vmem>> -> memref<1x32x768xf32, #tpu.memory_space<vmem>>
      %dma_start3A_276 = tpu.memref_squeeze %dma_start3A_275 : memref<1x32x768xf32, #tpu.memory_space<vmem>> -> memref<32x768xf32, #tpu.memory_space<vmem>>
      %dma_start3A_277 = arith.constant 0 : i32
      %dma_start3A_278 = tpu.memref_slice %arg3[%add3A_221, %multiple_of3A_224, %dma_start3A_277] : memref<196x128x768xf32, #tpu.memory_space<hbm>> -> memref<1x32x768xf32, #tpu.memory_space<hbm>>
      %dma_start3A_279 = tpu.memref_squeeze %dma_start3A_278 : memref<1x32x768xf32, #tpu.memory_space<hbm>> -> memref<32x768xf32, #tpu.memory_space<hbm>>
      %dma_start3A_280 = arith.constant 0 : i32
      %dma_start3A_281 = tpu.memref_slice %arg3[%add3A_221, %multiple_of3A_224, %dma_start3A_280] : memref<196x128x768xf32, #tpu.memory_space<hbm>> -> memref<1x32x768xf32, #tpu.memory_space<hbm>>
      %dma_start3A_282 = tpu.memref_squeeze %dma_start3A_281 : memref<1x32x768xf32, #tpu.memory_space<hbm>> -> memref<32x768xf32, #tpu.memory_space<hbm>>
      %dma_start3A_283 = arith.constant 0 : i32
      %dma_start3A_284 = arith.constant 0 : i32
      %dma_start3A_285 = tpu.memref_slice %arg5[%rem3A_194, %dma_start3A_283, %dma_start3A_284] : memref<2x32x768xf32, #tpu.memory_space<vmem>> -> memref<1x32x768xf32, #tpu.memory_space<vmem>>
      %dma_start3A_286 = tpu.memref_squeeze %dma_start3A_285 : memref<1x32x768xf32, #tpu.memory_space<vmem>> -> memref<32x768xf32, #tpu.memory_space<vmem>>
      tpu.enqueue_dma source(%dma_start3A_286 : memref<32x768xf32, #tpu.memory_space<vmem>>) target(%dma_start3A_282 : memref<32x768xf32, #tpu.memory_space<hbm>>) target_semaphore(%arg7 : memref<!tpu.dma_semaphore, #tpu.memory_space<semaphore_mem>>)
    }
    %sub3A_132 = arith.constant 1 : i32
    %sub3A_133 = arith.subi %sub3A_73, %sub3A_132 : i32
    %add3A_134 = arith.addi %select_n3A_44, %sub3A_133 : i32
    %rem3A_135 = arith.constant 4 : i32
    %rem3A_136 = arith.remsi %add3A_134, %rem3A_135 : i32
    %rem3A_137 = arith.constant 2 : i32
    %rem3A_138 = arith.remsi %sub3A_133, %rem3A_137 : i32
    %mul3A_139 = arith.constant 49 : i32
    %mul3A_140 = arith.muli %mul3A_139, %select_n3A : i32
    %jit3A_141 = arith.constant 4 : i32
    %div3A_142 = arith.divsi %add3A_134, %jit3A_141 : i32
    %sign3A_143 = arith.constant 0 : i32
    %sign3A_144 = arith.cmpi sgt, %add3A_134, %sign3A_143 : i32
    %sign3A_145 = arith.extui %sign3A_144 : i1 to i32
    %sign3A_146 = arith.constant 0 : i32
    %sign3A_147 = arith.cmpi slt, %add3A_134, %sign3A_146 : i32
    %sign3A_148 = arith.extui %sign3A_147 : i1 to i32
    %sign3A_149 = arith.subi %sign3A_145, %sign3A_148 : i32
    %sign3A_150 = arith.constant 0 : i32
    %sign3A_151 = arith.cmpi sgt, %jit3A_141, %sign3A_150 : i32
    %sign3A_152 = arith.extui %sign3A_151 : i1 to i32
    %sign3A_153 = arith.constant 0 : i32
    %sign3A_154 = arith.cmpi slt, %jit3A_141, %sign3A_153 : i32
    %sign3A_155 = arith.extui %sign3A_154 : i1 to i32
    %sign3A_156 = arith.subi %sign3A_152, %sign3A_155 : i32
    %ne3A_157 = arith.cmpi ne, %sign3A_149, %sign3A_156 : i32
    %rem3A_158 = arith.remsi %add3A_134, %jit3A_141 : i32
    %ne3A_159 = arith.constant 0 : i32
    %ne3A_160 = arith.cmpi ne, %rem3A_158, %ne3A_159 : i32
    %and3A_161 = arith.andi %ne3A_157, %ne3A_160 : i1
    %sub3A_162 = arith.constant 1 : i32
    %sub3A_163 = arith.subi %div3A_142, %sub3A_162 : i32
    %select_n3A_164 = arith.select %and3A_161, %sub3A_163, %div3A_142 : i32
    %add3A_165 = arith.addi %mul3A_140, %select_n3A_164 : i32
    %mul3A_166 = arith.constant 32 : i32
    %mul3A_167 = arith.muli %mul3A_166, %rem3A_136 : i32
    %multiple_of3A_168 = tpu.assume_multiple %mul3A_167, 32 : i32
    %mul3A_169 = arith.constant 32 : i32
    %mul3A_170 = arith.muli %mul3A_169, %rem3A_136 : i32
    %add3A_171 = arith.constant 32 : i32
    %add3A_172 = arith.addi %mul3A_170, %add3A_171 : i32
    %rem3A_173 = arith.constant 128 : i32
    %rem3A_174 = arith.remsi %add3A_172, %rem3A_173 : i32
    %multiple_of3A_175 = tpu.assume_multiple %rem3A_174, 8 : i32
    %dma_wait3A = arith.constant 0 : i32
    %dma_wait3A_176 = arith.constant 0 : i32
    %dma_wait3A_177 = tpu.memref_slice %arg5[%rem3A_138, %dma_wait3A, %dma_wait3A_176] : memref<2x32x768xf32, #tpu.memory_space<vmem>> -> memref<1x32x768xf32, #tpu.memory_space<vmem>>
    %dma_wait3A_178 = tpu.memref_squeeze %dma_wait3A_177 : memref<1x32x768xf32, #tpu.memory_space<vmem>> -> memref<32x768xf32, #tpu.memory_space<vmem>>
    %dma_wait3A_179 = arith.constant 0 : i32
    %dma_wait3A_180 = tpu.memref_slice %arg3[%add3A_165, %multiple_of3A_168, %dma_wait3A_179] : memref<196x128x768xf32, #tpu.memory_space<hbm>> -> memref<1x32x768xf32, #tpu.memory_space<hbm>>
    %dma_wait3A_181 = tpu.memref_squeeze %dma_wait3A_180 : memref<1x32x768xf32, #tpu.memory_space<hbm>> -> memref<32x768xf32, #tpu.memory_space<hbm>>
    %dma_wait3A_182 = arith.constant 0 : i32
    %dma_wait3A_183 = tpu.memref_slice %arg3[%add3A_165, %multiple_of3A_168, %dma_wait3A_182] : memref<196x128x768xf32, #tpu.memory_space<hbm>> -> memref<1x32x768xf32, #tpu.memory_space<hbm>>
    %dma_wait3A_184 = tpu.memref_squeeze %dma_wait3A_183 : memref<1x32x768xf32, #tpu.memory_space<hbm>> -> memref<32x768xf32, #tpu.memory_space<hbm>>
    %dma_wait3A_185 = arith.constant 0 : i32
    %dma_wait3A_186 = arith.constant 0 : i32
    %dma_wait3A_187 = tpu.memref_slice %arg5[%rem3A_138, %dma_wait3A_185, %dma_wait3A_186] : memref<2x32x768xf32, #tpu.memory_space<vmem>> -> memref<1x32x768xf32, #tpu.memory_space<vmem>>
    %dma_wait3A_188 = tpu.memref_squeeze %dma_wait3A_187 : memref<1x32x768xf32, #tpu.memory_space<vmem>> -> memref<32x768xf32, #tpu.memory_space<vmem>>
    tpu.wait_dma2 semaphore(%arg7 : memref<!tpu.dma_semaphore, #tpu.memory_space<semaphore_mem>>) src(%dma_wait3A_188 : memref<32x768xf32, #tpu.memory_space<vmem>>) dst(%dma_wait3A_184 : memref<32x768xf32, #tpu.memory_space<hbm>>)
    return
  }
}

</mosaic_0001>

<sc_bundles>
// kernel: kernel.3.cloned.1.call-start
scs
__scs_entry_jumppad:
0x0: {  	(pc) =	sbr.rel $0x88, $3  }
0x1: {  	(tag) =	ssettag $0x0;
	lr =	simm.s32 $0x1  }
0x2: {  	[smem:$0x3FA0] =	sst lr;
	_ =	strace $0xD0000000  }
0x3: {  	_ = 	snop  }
0x4: {  	_ = 	snop  }
0x5: {  	_ = 	snop  }
0x6: {  	_ = 	snop  }
0x7: {  	_ = 	snop  }
__scs_overlays_trampoline_lowered:
0x8: {  	[smem:$0x3FAF] =	sst s0  }
0x9: {  	[smem:$0x3FB0] =	sst s1  }
0xa: {  	[smem:$0x3FB1] =	sst s2  }
0xb: {  	[smem:$0x3FB2] =	sst s3  }
0xc: {  	[smem:$0x3FB3] =	sst s4  }
0xd: {  	[smem:$0x3FB4] =	sst s5  }
0xe: {  	[smem:$0x3FB5] =	sst s6  }
0xf: {  	[smem:$0x3FB6] =	sst s7  }
0x10: {  	[smem:$0x3FB7] =	sst s8  }
0x11: {  	[smem:$0x3FB8] =	sst s9;
	s0 =	simm.s32 @!p0 $0x0  }
0x12: {  	s1 =	sld [smem:$0x3F9E];
	s0 =	simm.s32 @p0 $0x1  }
0x13: {  	[smem:$0x3FB9] =	sst s0;
	s0 =	simm.s32 @!p1 $0x0  }
0x14: {  	s2 =	sld [smem:$0x3F9D];
	s0 =	simm.s32 @p1 $0x1  }
0x15: {  	[smem:$0x3FBA] =	sst s0;
	s0 =	simm.s32 @!p2 $0x0  }
0x16: {  	s3 =	sld [smem:$0x3FDB];
	s0 =	simm.s32 @p2 $0x1  }
0x17: {  	s4 =	simm.s32 $0x1BF5;
	[smem:$0x3FBC] =	sst s0  }
0x18: {  	s0 =	sld [smem:$0x3F9F];
	_ =	swait.ge [sflag:s4], $0x0  }
0x19: {  	s7 =	sld [smem:$0x3FA0]  }
0x1a: {  	s8 =	sadd.s32 $0xFFFFE003, lr  }
0x1b: {  	s9 =	sadd.s32 $0xFFFFFEF7, lr;
	s5 =	simm.s32 $0xFFFFFFFF;
	p2 =	slt.u32 s8, $0xFFFFF086  }
0x1c: {  	p1 =	slt.u32 s9, $0xF7A;
	s5 =	simm.s32 @!p2 $0x0  }
0x1d: {  	s5 =	simm.s32 @p1 $0x1;
	p0 =	seq.s32 s7, s2  }
0x1e: {  	s7 =	smul.u32 @!p0 $0xF7A, s2;
	p2 =	seq.s32 @!p0 s5, $0x0  }
0x1f: {  	s9 =	smul.u32 $0xF7A, s1;
	s8 =	simm.s32 @!p0 $0x1BF5;
	p2 =	por !p2, p0  }
0x20: {  	[sflag:s8] =	ssyncset.s32 @!p0 $0xFFFFF086;
	s6 =	sadd.s32 @!p0 s3, s7;
	s7 =	simm.s32 @!p0 $0x108  }
0x21: {  	s3 =	sadd.s32 s3, s9;
	s6 =	sadd.s32 @!p0 $0x88, s6;
	s7 =	simm.s32 @p2 $0x1082  }
0x22: {  	[simem:s7], [sflag:s8] =	dma.local @!p0 [hbm:s6], $0xF7A  }
0x23: {  	s9 =	sor.u32 $0xD0000000, s2;
	s6 =	simm.s32 $0x108;
	_ =	swait.ge @!p0 [sflag:s8], $0x0  }
0x24: {  	s3 =	sadd.s32 $0x88, s3;
	s6 =	simm.s32 @!p1 $0x1082;
	[sflag:s4] =	ssyncset.s32 $0xFFFFF086  }
0x25: {  	[simem:s6], [sflag:s4] =	dma.local [hbm:s3], $0xF7A  }
0x26: {  	[smem:$0x3FA0] =	sst s1;
	(tag) =	ssettag s2;
	_ =	strace s9  }
0x27: {  	s1 =	sld [smem:$0x3FB0]  }
0x28: {  	s2 =	sld [smem:$0x3FB1]  }
0x29: {  	s4 =	sld [smem:$0x3FB3]  }
0x2a: {  	p0 =	seq.s32 s5, $0x0;
	s5 =	sld [smem:$0x3FB4]  }
0x2b: {  	s6 =	sld [smem:$0x3FB5]  }
0x2c: {  	s7 =	sld [smem:$0x3FB6]  }
0x2d: {  	s3 =	simm.s32 $0x108;
	s8 =	sld [smem:$0x3FB7]  }
0x2e: {  	s3 =	simm.s32 @!p0 $0x1082;
	s9 =	sld [smem:$0x3FB8]  }
0x2f: {  	lr =	sadd.s32 s0, s3;
	s0 =	sld [smem:$0x3FAF]  }
0x30: {  	s3 =	sld [smem:$0x3FB2]  }
0x31: {  	[smem:$0x3FBB] =	sst s10  }
0x32: {  	s10 =	sld [smem:$0x3FB9];
	_ =	sdelay $0x3  }
0x33: {  	p0 =	seq.s32 s10, $0x1;
	s10 =	sld [smem:$0x3FBB];
	_ =	sdelay $0x3  }
0x34: {  	[smem:$0x3FBB] =	sst s10  }
0x35: {  	s10 =	sld [smem:$0x3FBA];
	_ =	sdelay $0x3  }
0x36: {  	p1 =	seq.s32 s10, $0x1;
	s10 =	sld [smem:$0x3FBB];
	_ =	sdelay $0x3  }
0x37: {  	[smem:$0x3FBB] =	sst s10  }
0x38: {  	s10 =	sld [smem:$0x3FBC]  }
0x39: {  	_ = 	snop;
	(pc) =	sbr.ind lr, $3  }
0x3a: {  	_ = 	snop  }
0x3b: {  	_ = 	snop  }
0x3c: {  	p2 =	seq.s32 s10, $0x1;
	s10 =	sld [smem:$0x3FBB]  }
0x3d: {  	_ =	shalt  }
0x3e: {  	_ =	shalt  }
0x3f: {  	_ =	shalt  }
0x40: {  	_ =	shalt  }
0x41: {  	_ =	shalt  }
0x42: {  	_ =	shalt  }
0x43: {  	_ =	shalt  }
0x44: {  	_ =	shalt  }
0x45: {  	_ =	shalt  }
0x46: {  	_ =	shalt  }
0x47: {  	_ =	shalt  }
0x48: {  	_ =	shalt  }
0x49: {  	_ =	shalt  }
0x4a: {  	_ =	shalt  }
0x4b: {  	_ =	shalt  }
0x4c: {  	_ =	shalt  }
0x4d: {  	_ =	shalt  }
0x4e: {  	_ =	shalt  }
0x4f: {  	_ =	shalt  }
0x50: {  	_ =	shalt  }
0x51: {  	_ =	shalt  }
0x52: {  	_ =	shalt  }
0x53: {  	_ =	shalt  }
0x54: {  	_ =	shalt  }
0x55: {  	_ =	shalt  }
0x56: {  	_ =	shalt  }
0x57: {  	_ =	shalt  }
0x58: {  	_ =	shalt  }
0x59: {  	_ =	shalt  }
0x5a: {  	_ =	shalt  }
0x5b: {  	_ =	shalt  }
0x5c: {  	_ =	shalt  }
0x5d: {  	_ =	shalt  }
0x5e: {  	_ =	shalt  }
0x5f: {  	_ =	shalt  }
0x60: {  	_ =	shalt  }
0x61: {  	_ =	shalt  }
0x62: {  	_ =	shalt  }
0x63: {  	_ =	shalt  }
0x64: {  	_ =	shalt  }
0x65: {  	_ =	shalt  }
0x66: {  	_ =	shalt  }
0x67: {  	_ =	shalt  }
0x68: {  	_ =	shalt  }
0x69: {  	_ =	shalt  }
0x6a: {  	_ =	shalt  }
0x6b: {  	_ =	shalt  }
0x6c: {  	_ =	shalt  }
0x6d: {  	_ =	shalt  }
0x6e: {  	_ =	shalt  }
0x6f: {  	_ =	shalt  }
0x70: {  	_ =	shalt  }
0x71: {  	_ =	shalt  }
0x72: {  	_ =	shalt  }
0x73: {  	_ =	shalt  }
0x74: {  	_ =	shalt  }
0x75: {  	_ =	shalt  }
0x76: {  	_ =	shalt  }
0x77: {  	_ =	shalt  }
0x78: {  	_ =	shalt  }
0x79: {  	_ =	shalt  }
0x7a: {  	_ =	shalt  }
0x7b: {  	_ =	shalt  }
0x7c: {  	_ =	shalt  }
0x7d: {  	_ =	shalt  }
0x7e: {  	_ =	shalt  }
0x7f: {  	_ =	shalt  }
0x80: {  	_ =	shalt  }
0x81: {  	_ =	shalt  }
0x82: {  	_ =	shalt  }
0x83: {  	_ =	shalt  }
0x84: {  	_ =	shalt  }
0x85: {  	_ =	shalt  }
0x86: {  	_ =	shalt  }
0x87: {  	_ =	shalt  }
.Lfunc_end0:
.L_simem_size_0:
called_computation_lowered:
.L_overlay_start_0:
0x88: {  	s2 =	sld [smem:$0x3FD9]  }
0x89: {  	s3 =	sld [smem:$0x3FFE];
	_ =	sdelay $0x1  }
0x8a: {  	s1 =	srdreg.scid  }
0x8b: {  	s0 =	sand.u32 $0x1, s1  }
0x8c: {  	s15 =	sshll.u32 s0, $0xA;
	s2 =	sadd.s32 s3, s2  }
0x8d: {  	s2 =	sadd.s32 s2, s15  }
0x8e: {  	[smem:$0x3FC7] =	sst s2  }
0x8f: {  	_ = 	snop  }
0x90: {  	s2 =	sld [smem:$0x3FD0];
	_ =	sdelay $0x2  }
0x91: {  	s4 =	simm.s32 $0xA;
	s5 =	simm.s32 $0x10;
	s16 =	sld [smem:$0x3FC9]  }
0x92: {  	[smem:s5], [sflag:s4] =	dma.local [hbm:s2], $0x1  }
0x93: {  	_ =	swait.eq [sflag:s4], $0x1  }
0x94: {  	[sflag:s4] =	ssyncset.done $0x0  }
0x95: {  	[sflag:s4] =	ssyncadd.s32 $0xFFFFFFFF  }
0x96: {  	s17 =	sld [smem:$0x10];
	(tm) =	ssettm $0x1  }
0x97: {  	s18 =	sld [smem:$0x3FFB];
	_ =	sdelay $0x3  }
0x98: {  	_ =	strace s18  }
0x99: {  	s4 =	sld [smem:$0x3FFC];
	_ =	sdelay $0x3  }
0x9a: {  	_ =	strace s4  }
0x9b: {  	s4 =	sld [smem:$0x3FFD];
	_ =	sdelay $0x3  }
0x9c: {  	_ =	strace s4  }
0x9d: {  	_ =	strace $0x8FFFFFFF  }
0x9e: {  	s19 =	sld [smem:$0x3FDB];
	_ =	sdelay $0x1  }
0x9f: {  	s20 =	simm.s32 $_scs_section_size  }
0xa0: {  	s6 =	simm.s32 $_size__tile_overlayer_lowered;
	s7 =	simm.s32 $_tile_overlayer_lowered  }
0xa1: {  	s23 =	simm.s32 $0x1BFF;
	s22 =	sshll.u32 s7, $0x1;
	s4 =	sadd.s32 s20, s19  }
0xa2: {  	s8 =	simm.s32 $0x0;
	s21 =	sshll.u32 s6, $0x1;
	s6 =	sadd.s32 s22, s4  }
0xa3: {  	[timem:s8], [sflag:s23] =	dma.local [hbm:s6], s21  }
0xa4: {  	_ =	swait.ge [sflag:s23], s21  }
0xa5: {  	s5 =	ssub.s32 $0x0, s21;
	[sflag:s23] =	ssyncset.done $0x0  }
0xa6: {  	[sflag:s23] =	ssyncadd.s32 s5;
	_ =	sdelay $0x1  }
0xa7: {  	s24 =	simm.s32 $0x1B8B  }
0xa8: {  	_ =	swait.ge [sflag:s24], $0x1  }
0xa9: {  	[sflag:s24] =	ssyncset.done $0x0  }
0xaa: {  	s25 =	simm.s32 $0x1B8E;
	[sflag:s24] =	ssyncadd.s32 $0xFFFFFFFF  }
0xab: {  	s26 =	simm.s32 $execute0_lowered;
	[smem:$0x3FD2] =	sst s25  }
0xac: {  	s5 =	sshll.u32 s26, $0x1;
	_ =	strace $0x80000046;
	[dreg:$0x1] =	wrdreg $0xFFFFFFFF  }
0xad: {  	s28 =	simm.s32 $_size_execute0_lowered;
	s4 =	sadd.s32 s4, s5;
	[dreg:$0x0] =	wrdreg $0x0  }
0xae: {  	s5 =	sshll.u32 s28, $0x1;
	[dreg:$0x2] =	wrdreg s4  }
0xaf: {  	[dreg:$0x3] =	wrdreg s5  }
0xb0: {  	[dreg:$0x4] =	wrdreg $0xC0  }
0xb1: {  	_ =	task [dreg:s8], $0x5FFFF  }
0xb2: {  	[dreg:$0x1] =	wrdreg $0xFFFFFFFF  }
0xb3: {  	[dreg:$0x0] =	wrdreg $0x60  }
0xb4: {  	[dreg:$0x2] =	wrdreg s16  }
0xb5: {  	[dreg:$0x3] =	wrdreg s17  }
0xb6: {  	[dreg:$0x4] =	wrdreg $0x9  }
0xb7: {  	_ =	task.clear_ibuf [dreg:s8], $0x5FFFF;
	_ =	strace $0x90000046  }
0xb8: {  	s29 =	simm.s32 $0x9;
	_ =	strace $0x80000048  }
0xb9: {  	_ =	swait.ge [sflag:s29], $0x1  }
0xba: {  	[sflag:s29] =	ssyncadd.s32 $0xFFFFFFFF  }
0xbb: {  	_ =	strace $0x90000048  }
0xbc: {  	_ =	sfence  }
0xbd: {  	s30 =	sld [smem:$0x0];
	_ =	sdelay $0x2  }
0xbe: {  	s31 =	sshll.u32 s1, $0xD;
	s1 =	sshrl.u32 s1, $0x2  }
0xbf: {  	s3 =	sand.u32 $0x4000, s31;
	s1 =	sadd.s32 s1, s30  }
0xc0: {  	s0 =	sor.u32 s3, s0;
	s1 =	sshll.u32 s1, $0x11  }
0xc1: {  	s0 =	sor.u32 s1, s0  }
0xc2: {  	s0 =	sadd.s32 $0x8F2B, s0  }
0xc3: {  	[sflag:s0] =	ssyncadd.remote.s32 $0x1  }
0xc4: {  	_ =	sfence.sel $0xFFFF  }
0xc5: {  	[dreg:$0x0] =	wrdreg $0xFFFFFFFF;
	(pc) =	sbr.abs _section_cstart, $3  }
0xc6: {  	[dreg:$0x1] =	wrdreg $0xFFFFFFFF  }
0xc7: {  	_ =	task.clear_ibuf [dreg:s8], $0x2FFFF;
	_ =	strace $0x9FFFFFFF  }
0xc8: {  	(tm) =	ssettm $0x7FFFFFFF  }
0xc9: {  	_ =	shalt  }
tec
execute0_lowered:
.L_overlay_start_1:
0x0: {  	(tag) =	ssettag $0x1  }
0x1: {  	s2 =	stileid.u32  }
0x2: {  	s0 =	srdreg.scid;
	s3 =	rddreg [dreg:$0x0]  }
0x3: {  	s26 =	simm.s32 $0x0;
	s1 =	sshll.u32 s2, $0x1;
	s2 =	sshrl.u32 s2, $0x2  }
0x4: {  	s0 =	sand.u32 $0x1, s0;
	s1 =	sand.u32 $0x6, s1;
	s4 =	smul.u32 $0x31, s2  }
0x5: {  	[smem:$0x7FF] =	sst s26;
	s1 =	sor.u32 s0, s1  }
0x6: {  	s0 =	ssub.s32 $0x2, s0;
	s1 =	smul.u32 $0xC4, s1;
	[dreg:$0x4] =	wrdreg s4  }
0x7: {  	s31 =	sshll.u32 s2, $0x7;
	s11 =	sshrl.u32 s0, $0x1;
	_ =	strace $0x80000047  }
0x8: {  	s0 =	ssub.s32 s0, s11;
	[dreg:$0x3] =	wrdreg s31;
	s7 =	sshrl.u32 s1, $0x5  }
0x9: {  	s5 =	sshrl.u32 s1, $0x3;
	s1 =	sadd.s32 $0xC4, s1;
	s8 =	sadd.s32 s4, s7  }
0xa: {  	s0 =	smax.u32 s0, $0x1;
	s9 =	sand.u32 $0x3, s5;
	s8 =	smul.u32 $0x18000, s8  }
0xb: {  	s1 =	sshrl.u32 s1, $0x3;
	[dreg:$0x5] =	wrdreg s5;
	s10 =	smul.u32 $0x6000, s9  }
0xc: {  	[dreg:$0xa] =	wrdreg s0;
	s4 =	ssub.s32 s1, s5  }
.Ltmp0:
0xd: {  	s10 =	sadd.s32 s10, s8;
	s28 =	sshrl.u32 s8, $0x3;
	(pc) =	sbr.rel .LBB2_1-.Ltmp0, $4  }
0xe: {  	[dreg:$0x6] =	wrdreg s4;
	s10 =	sshrl.u32 s10, $0x3;
	s30 =	sadd.s32 s3, s28  }
0xf: {  	s13 =	simm.s32 $0x1;
	s29 =	sadd.s32 s3, s10;
	[dreg:$0x8] =	wrdreg s30  }
0x10: {  	p0 =	seq.s32 s9, $0x3;
	s1 =	sadd.s32 $0x2400, s30;
	[dreg:$0x7] =	wrdreg s29  }
0x11: {  	p1 =	slt.s32 s4, $0x1;
	s3 =	simm.s32 $0x0;
	[dreg:$0x9] =	wrdreg s1  }
.LBB2_5:
0x12: {  	s1 =	simm.s32 $0x2  }
0x13: {  	_ =	swait.ge [sflag:s1], $0x6000  }
0x14: {  	s3 =	rddreg [dreg:$0xb]  }
0x15: {  	s0 =	rddreg [dreg:$0xa];
	s3 =	sadd.s32 $0x1, s3  }
0x16: {  	p2 =	sne.s32 s3, s0  }
.Ltmp1:
0x17: {  	_ = 	snop;
	(pc) =	sbr.rel @!p2 .LBB2_6-.Ltmp1, $3  }
0x18: {  	_ =	sdelay $0x1  }
0x19: {  	[sflag:s1] =	ssyncset.done $0x0  }
0x1a: {  	[sflag:s1] =	ssyncadd.s32 $0xFFFFA000  }
.LBB2_1:
0x1b: {  	s0 =	simm.s32 @p0 $0x0;
	s1 =	rddreg [dreg:$0x9]  }
0x1c: {  	[tilespmem:s0], [sflag:$0x1] =	stream.linear.gather @p0 [hbm4b:s1+s0], $0x6000, $0x38;
	[tilespmem:$0x1B000] =	vst v63  }
.Ltmp2:
0x1d: {  	[dreg:$0xb] =	wrdreg s3;
	(pc) =	sbr.rel @p1 .LBB2_5-.Ltmp2, $4  }
0x1e: {  	s3 =	rddreg [dreg:$0x8];
	s1 =	simm.s32 @p0 $0x6000  }
0x1f: {  	[tilespmem:s1], [sflag:$0x1] =	stream.linear.gather @p0 [hbm4b:s3+s0], $0x1800, $0x38;
	[tilespmem:$0x1B000] =	vst v63  }
0x20: {  	s16 =	simm.s32 $0x0;
	s0 =	simm.s32 @!p0 $0x0;
	s1 =	rddreg [dreg:$0x7]  }
0x21: {  	[tilespmem:s0], [sflag:$0x1] =	stream.linear.gather @!p0 [hbm4b:s1+s0], $0x7800, $0x38;
	[tilespmem:$0x1B000] =	vst v63  }
.LBB2_2:
0x22: {  	s1 =	rddreg [dreg:$0x5]  }
0x23: {  	s0 =	sand.u32 $0x1, s16;
	_ =	swait.ge [sflag:s13], $0x6000;
	p3 =	seq.s32 s16, $0x0  }
0x24: {  	s17 =	sadd.s32 s1, s16;
	[sflag:s13] =	ssyncset.done $0x0;
	s16 =	sadd.s32 $0x1, s16  }
0x25: {  	s18 =	sadd.s32 $0xFFFFFFFC, s2;
	[sflag:s13] =	ssyncadd.s32 $0xFFFFA000;
	p2 =	sge.s32 s16, s4  }
0x26: {  	s10 =	simm.s32 @!p3 $0x2;
	_ =	swait.ge [sflag:s13], $0x1800;
	s1 =	sadd.s32 @!p2 s1, s16  }
0x27: {  	s11 =	sand.u32 @!p2 $0x1, s16;
	[sflag:s13] =	ssyncset.done $0x0;
	s9 =	sshrl.u32 @!p2 s1, $0x2  }
0x28: {  	s1 =	sand.u32 @!p2 $0x3, s1;
	s4 =	rddreg [dreg:$0x4];
	[sflag:s13] =	ssyncadd.s32 $0xFFFFE800  }
0x29: {  	s9 =	sadd.s32 @!p2 s4, s9;
	p4 =	seq.s32 @!p2 s1, $0x3;
	_ =	swait.ge @!p3 [sflag:s10], $0x6000  }
0x2a: {  	s9 =	smul.u32 @!p2 $0x18000, s9;
	p5 =	por !p4, p2;
	[sflag:s10] =	ssyncset.done @!p3 $0x0  }
0x2b: {  	p2 =	por p4, p2;
	s12 =	smul.u32 @!p5 $0x1E000, s11;
	[sflag:s10] =	ssyncadd.s32 @!p3 $0xFFFFA000  }
0x2c: {  	s1 =	smul.u32 @!p2 $0x6000, s1;
	s14 =	sshrl.u32 @!p5 s9, $0x3;
	s3 =	rddreg [dreg:$0x0]  }
0x2d: {  	s20 =	sadd.s32 $0x7, s18;
	s15 =	simm.s32 @!p5 $0x0;
	s10 =	sadd.s32 @!p5 s3, s14  }
0x2e: {  	s12 =	sshrl.u32 @!p5 s12, $0x2;
	s1 =	sadd.s32 @!p2 s1, s9;
	s14 =	sadd.s32 @!p5 $0x2400, s10  }
0x2f: {  	[tilespmem:s12], [sflag:$0x1] =	stream.linear.gather @!p5 [hbm4b:s14+s15], $0x6000, $0x38;
	[tilespmem:$0x1B000] =	vst v63  }
0x30: {  	s9 =	smul.u32 @!p2 $0x1E000, s11;
	s1 =	sshrl.u32 @!p2 s1, $0x3;
	s12 =	sadd.s32 @!p5 $0x6000, s12  }
0x31: {  	[tilespmem:s12], [sflag:$0x1] =	stream.linear.gather @!p5 [hbm4b:s10+s15], $0x1800, $0x38;
	[tilespmem:$0x1B000] =	vst v63  }
0x32: {  	s9 =	sshrl.u32 @!p2 s9, $0x2;
	s1 =	sadd.s32 @!p2 s3, s1;
	s10 =	simm.s32 @!p2 $0x0  }
0x33: {  	[tilespmem:s9], [sflag:$0x1] =	stream.linear.gather @!p2 [hbm4b:s1+s10], $0x7800, $0x38;
	[tilespmem:$0x1B000] =	vst v63  }
0x34: {  	s21 =	smul.u32 $0x1E000, s0;
	s10 =	sshrl.u32 s20, $0x3  }
0x35: {  	s19 =	rddreg [dreg:$0x3];
	s10 =	smul.u32 $0x6000, s10  }
0x36: {  	s9 =	sadd.s32 $0x0, s19  }
0x37: {  	s25 =	sshrl.u32 s21, $0x2;
	s22 =	sadd.s32 $0x180, s9;
	s10 =	sshra.s32 s10, $0x2  }
0x38: {  	s11 =	sand.u32 $0x380, s22;
	s10 =	sadd.s32 s10, s25  }
0x39: {  	s23 =	simm.s32 $0x0;
	s0 =	smul.u32 $0x18000, s0;
	s10 =	sadd.s32 s11, s10  }
0x3a: {  	s5 =	simm.s32 $0x180;
	s24 =	sadd.s32 $0x5, s18;
	s12 =	smul.u32 $0x6000, s23;
	v0 =	vld [tilespmem:s10+$0x0]  }
0x3b: {  	s26 =	sshrl.u32 s24, $0x3;
	s0 =	sshrl.u32 s0, $0x2;
	s1 =	sadd.s32 $0x6, s18  }
0x3c: {  	s18 =	sadd.s32 $0xF000, s0;
	s0 =	smul.u32 $0x6000, s26;
	s3 =	sshra.s32 s12, $0x2  }
0x3d: {  	s12 =	sand.u32 $0x380, s5;
	s1 =	sshrl.u32 s1, $0x3;
	s6 =	sadd.s32 s3, s18  }
0x3e: {  	s1 =	smul.u32 $0x6000, s1;
	s12 =	sadd.s32 s12, s6  }
0x3f: {  	s7 =	sadd.s32 $0x80, s9;
	s19 =	sadd.s32 $0x100, s9;
	s0 =	sshra.s32 s0, $0x2;
	[tilespmem:s12+$0x0] =	vst v0  }
0x40: {  	s15 =	sand.u32 $0x380, s7;
	s0 =	sadd.s32 s0, s25;
	s1 =	sshra.s32 s1, $0x2;
	v0 =	vld [tilespmem:s10+$0x10]  }
0x41: {  	s19 =	sand.u32 $0x380, s19;
	s24 =	sadd.s32 s15, s0;
	s1 =	sadd.s32 s1, s25  }
0x42: {  	s8 =	sadd.s32 s3, s25;
	s9 =	sand.u32 $0x380, s9;
	v1 =	vld [tilespmem:s24+$0x0];
	s22 =	sadd.s32 s19, s1  }
0x43: {  	s20 =	sadd.s32 s9, s8;
	v2 =	vld [tilespmem:s22+$0x0]  }
0x44: {  	v3 =	vld [tilespmem:s20+$0x0];
	s11 =	simm.s32 $0x80  }
0x45: {  	s15 =	simm.s32 $0x100;
	s0 =	sand.u32 $0x280, s11;
	[tilespmem:s12+$0x10] =	vst v0  }
0x46: {  	s21 =	sand.u32 $0x300, s15;
	s19 =	simm.s32 $0x0;
	s23 =	sadd.s32 s0, s6;
	v0 =	vld [tilespmem:s10+$0x20]  }
0x47: {  	s21 =	sadd.s32 s21, s6;
	s26 =	sand.u32 $0x200, s19;
	[tilespmem:s23+$0x0] =	vst v1  }
0x48: {  	s19 =	sadd.s32 s26, s6;
	v1 =	vld [tilespmem:s24+$0x10];
	[tilespmem:s21+$0x0] =	vst v2  }
0x49: {  	[tilespmem:s19+$0x0] =	vst v3;
	v2 =	vld [tilespmem:s22+$0x10]  }
0x4a: {  	v3 =	vld [tilespmem:s20+$0x10]  }
0x4b: {  	[tilespmem:s12+$0x20] =	vst v0  }
0x4c: {  	v0 =	vld [tilespmem:s10+$0x30]  }
0x4d: {  	[tilespmem:s23+$0x10] =	vst v1  }
0x4e: {  	v1 =	vld [tilespmem:s24+$0x20];
	[tilespmem:s21+$0x10] =	vst v2  }
0x4f: {  	[tilespmem:s19+$0x10] =	vst v3;
	v2 =	vld [tilespmem:s22+$0x20]  }
0x50: {  	v3 =	vld [tilespmem:s20+$0x20]  }
0x51: {  	[tilespmem:s12+$0x30] =	vst v0  }
0x52: {  	v0 =	vld [tilespmem:s10+$0x40]  }
0x53: {  	[tilespmem:s23+$0x20] =	vst v1  }
0x54: {  	v1 =	vld [tilespmem:s24+$0x30];
	[tilespmem:s21+$0x20] =	vst v2  }
0x55: {  	[tilespmem:s19+$0x20] =	vst v3;
	v2 =	vld [tilespmem:s22+$0x30]  }
0x56: {  	v3 =	vld [tilespmem:s20+$0x30]  }
0x57: {  	[tilespmem:s12+$0x40] =	vst v0  }
0x58: {  	v0 =	vld [tilespmem:s10+$0x50]  }
0x59: {  	[tilespmem:s23+$0x30] =	vst v1  }
0x5a: {  	v1 =	vld [tilespmem:s24+$0x40];
	[tilespmem:s21+$0x30] =	vst v2  }
0x5b: {  	[tilespmem:s19+$0x30] =	vst v3;
	v2 =	vld [tilespmem:s22+$0x40]  }
0x5c: {  	v3 =	vld [tilespmem:s20+$0x40]  }
0x5d: {  	[tilespmem:s12+$0x50] =	vst v0  }
0x5e: {  	v0 =	vld [tilespmem:s10+$0x60]  }
0x5f: {  	[tilespmem:s23+$0x40] =	vst v1  }
0x60: {  	v1 =	vld [tilespmem:s24+$0x50];
	[tilespmem:s21+$0x40] =	vst v2  }
0x61: {  	[tilespmem:s19+$0x40] =	vst v3;
	v2 =	vld [tilespmem:s22+$0x50]  }
0x62: {  	v3 =	vld [tilespmem:s20+$0x50]  }
0x63: {  	[tilespmem:s12+$0x60] =	vst v0  }
0x64: {  	v0 =	vld [tilespmem:s10+$0x70]  }
0x65: {  	[tilespmem:s23+$0x50] =	vst v1  }
0x66: {  	v1 =	vld [tilespmem:s24+$0x60];
	[tilespmem:s21+$0x50] =	vst v2  }
0x67: {  	[tilespmem:s19+$0x50] =	vst v3;
	v2 =	vld [tilespmem:s22+$0x60]  }
0x68: {  	v3 =	vld [tilespmem:s20+$0x60]  }
0x69: {  	[tilespmem:s12+$0x70] =	vst v0  }
0x6a: {  	v0 =	vld [tilespmem:s10+$0x400]  }
0x6b: {  	[tilespmem:s23+$0x60] =	vst v1  }
0x6c: {  	v1 =	vld [tilespmem:s24+$0x70];
	[tilespmem:s21+$0x60] =	vst v2  }
0x6d: {  	[tilespmem:s19+$0x60] =	vst v3;
	v2 =	vld [tilespmem:s22+$0x70]  }
0x6e: {  	v3 =	vld [tilespmem:s20+$0x70]  }
0x6f: {  	[tilespmem:s12+$0x400] =	vst v0  }
0x70: {  	v0 =	vld [tilespmem:s10+$0x410]  }
0x71: {  	[tilespmem:s23+$0x70] =	vst v1  }
0x72: {  	v1 =	vld [tilespmem:s24+$0x400];
	[tilespmem:s21+$0x70] =	vst v2  }
0x73: {  	[tilespmem:s19+$0x70] =	vst v3;
	v2 =	vld [tilespmem:s22+$0x400]  }
0x74: {  	v3 =	vld [tilespmem:s20+$0x400]  }
0x75: {  	[tilespmem:s12+$0x410] =	vst v0  }
0x76: {  	v0 =	vld [tilespmem:s10+$0x420]  }
0x77: {  	[tilespmem:s23+$0x400] =	vst v1  }
0x78: {  	v1 =	vld [tilespmem:s24+$0x410];
	[tilespmem:s21+$0x400] =	vst v2  }
0x79: {  	[tilespmem:s19+$0x400] =	vst v3;
	v2 =	vld [tilespmem:s22+$0x410]  }
0x7a: {  	v3 =	vld [tilespmem:s20+$0x410]  }
0x7b: {  	[tilespmem:s12+$0x420] =	vst v0  }
0x7c: {  	v0 =	vld [tilespmem:s10+$0x430]  }
0x7d: {  	[tilespmem:s23+$0x410] =	vst v1  }
0x7e: {  	v1 =	vld [tilespmem:s24+$0x420];
	[tilespmem:s21+$0x410] =	vst v2  }
0x7f: {  	[tilespmem:s19+$0x410] =	vst v3;
	v2 =	vld [tilespmem:s22+$0x420]  }
0x80: {  	v3 =	vld [tilespmem:s20+$0x420]  }
0x81: {  	[tilespmem:s12+$0x430] =	vst v0  }
0x82: {  	v0 =	vld [tilespmem:s10+$0x440]  }
0x83: {  	[tilespmem:s23+$0x420] =	vst v1  }
0x84: {  	v1 =	vld [tilespmem:s24+$0x430];
	[tilespmem:s21+$0x420] =	vst v2  }
0x85: {  	[tilespmem:s19+$0x420] =	vst v3;
	v2 =	vld [tilespmem:s22+$0x430]  }
0x86: {  	v3 =	vld [tilespmem:s20+$0x430]  }
0x87: {  	[tilespmem:s12+$0x440] =	vst v0  }
0x88: {  	v0 =	vld [tilespmem:s10+$0x450]  }
0x89: {  	[tilespmem:s23+$0x430] =	vst v1  }
0x8a: {  	v1 =	vld [tilespmem:s24+$0x440];
	[tilespmem:s21+$0x430] =	vst v2  }
0x8b: {  	[tilespmem:s19+$0x430] =	vst v3;
	v2 =	vld [tilespmem:s22+$0x440]  }
0x8c: {  	v3 =	vld [tilespmem:s20+$0x440]  }
0x8d: {  	[tilespmem:s12+$0x450] =	vst v0  }
0x8e: {  	v0 =	vld [tilespmem:s10+$0x460]  }
0x8f: {  	[tilespmem:s23+$0x440] =	vst v1  }
0x90: {  	v1 =	vld [tilespmem:s24+$0x450];
	[tilespmem:s21+$0x440] =	vst v2  }
0x91: {  	[tilespmem:s19+$0x440] =	vst v3;
	v2 =	vld [tilespmem:s22+$0x450]  }
0x92: {  	v3 =	vld [tilespmem:s20+$0x450]  }
0x93: {  	[tilespmem:s12+$0x460] =	vst v0  }
0x94: {  	v0 =	vld [tilespmem:s10+$0x470]  }
0x95: {  	[tilespmem:s23+$0x450] =	vst v1  }
0x96: {  	[tilespmem:s21+$0x450] =	vst v2;
	v1 =	vld [tilespmem:s24+$0x460]  }
0x97: {  	[tilespmem:s19+$0x450] =	vst v3;
	v2 =	vld [tilespmem:s22+$0x460]  }
0x98: {  	v3 =	vld [tilespmem:s20+$0x460]  }
0x99: {  	[tilespmem:s12+$0x470] =	vst v0  }
0x9a: {  	v0 =	vld [tilespmem:s10+$0x800]  }
0x9b: {  	[tilespmem:s23+$0x460] =	vst v1  }
0x9c: {  	[tilespmem:s21+$0x460] =	vst v2;
	v1 =	vld [tilespmem:s24+$0x470]  }
0x9d: {  	[tilespmem:s19+$0x460] =	vst v3;
	v2 =	vld [tilespmem:s22+$0x470]  }
0x9e: {  	v3 =	vld [tilespmem:s20+$0x470]  }
0x9f: {  	[tilespmem:s12+$0x800] =	vst v0  }
0xa0: {  	v0 =	vld [tilespmem:s10+$0x810]  }
0xa1: {  	[tilespmem:s23+$0x470] =	vst v1  }
0xa2: {  	[tilespmem:s21+$0x470] =	vst v2;
	v1 =	vld [tilespmem:s24+$0x800]  }
0xa3: {  	[tilespmem:s19+$0x470] =	vst v3;
	v2 =	vld [tilespmem:s22+$0x800]  }
0xa4: {  	v3 =	vld [tilespmem:s20+$0x800]  }
0xa5: {  	[tilespmem:s12+$0x810] =	vst v0  }
0xa6: {  	v0 =	vld [tilespmem:s10+$0x820]  }
0xa7: {  	[tilespmem:s23+$0x800] =	vst v1  }
0xa8: {  	[tilespmem:s21+$0x800] =	vst v2;
	v1 =	vld [tilespmem:s24+$0x810]  }
0xa9: {  	[tilespmem:s19+$0x800] =	vst v3;
	v2 =	vld [tilespmem:s22+$0x810]  }
0xaa: {  	v3 =	vld [tilespmem:s20+$0x810]  }
0xab: {  	[tilespmem:s12+$0x820] =	vst v0  }
0xac: {  	v0 =	vld [tilespmem:s10+$0x830]  }
0xad: {  	[tilespmem:s23+$0x810] =	vst v1  }
0xae: {  	[tilespmem:s21+$0x810] =	vst v2;
	v1 =	vld [tilespmem:s24+$0x820]  }
0xaf: {  	[tilespmem:s19+$0x810] =	vst v3;
	v2 =	vld [tilespmem:s22+$0x820]  }
0xb0: {  	v3 =	vld [tilespmem:s20+$0x820]  }
0xb1: {  	[tilespmem:s12+$0x830] =	vst v0  }
0xb2: {  	v0 =	vld [tilespmem:s10+$0x840]  }
0xb3: {  	[tilespmem:s23+$0x820] =	vst v1  }
0xb4: {  	[tilespmem:s21+$0x820] =	vst v2;
	v1 =	vld [tilespmem:s24+$0x830]  }
0xb5: {  	[tilespmem:s19+$0x820] =	vst v3;
	v2 =	vld [tilespmem:s22+$0x830]  }
0xb6: {  	v3 =	vld [tilespmem:s20+$0x830]  }
0xb7: {  	[tilespmem:s12+$0x840] =	vst v0  }
0xb8: {  	v0 =	vld [tilespmem:s10+$0x850]  }
0xb9: {  	[tilespmem:s23+$0x830] =	vst v1  }
0xba: {  	[tilespmem:s21+$0x830] =	vst v2;
	v1 =	vld [tilespmem:s24+$0x840]  }
0xbb: {  	[tilespmem:s19+$0x830] =	vst v3;
	v2 =	vld [tilespmem:s22+$0x840]  }
0xbc: {  	v3 =	vld [tilespmem:s20+$0x840]  }
0xbd: {  	[tilespmem:s12+$0x850] =	vst v0  }
0xbe: {  	v0 =	vld [tilespmem:s10+$0x860]  }
0xbf: {  	[tilespmem:s23+$0x840] =	vst v1  }
0xc0: {  	[tilespmem:s21+$0x840] =	vst v2;
	v1 =	vld [tilespmem:s24+$0x850]  }
0xc1: {  	[tilespmem:s19+$0x840] =	vst v3;
	v2 =	vld [tilespmem:s22+$0x850]  }
0xc2: {  	v3 =	vld [tilespmem:s20+$0x850]  }
0xc3: {  	[tilespmem:s12+$0x860] =	vst v0  }
0xc4: {  	v0 =	vld [tilespmem:s10+$0x870]  }
0xc5: {  	[tilespmem:s23+$0x850] =	vst v1  }
0xc6: {  	[tilespmem:s21+$0x850] =	vst v2;
	v1 =	vld [tilespmem:s24+$0x860]  }
0xc7: {  	[tilespmem:s19+$0x850] =	vst v3;
	v2 =	vld [tilespmem:s22+$0x860]  }
0xc8: {  	v3 =	vld [tilespmem:s20+$0x860]  }
0xc9: {  	[tilespmem:s12+$0x870] =	vst v0  }
0xca: {  	v0 =	vld [tilespmem:s10+$0xC00]  }
0xcb: {  	[tilespmem:s23+$0x860] =	vst v1  }
0xcc: {  	[tilespmem:s21+$0x860] =	vst v2;
	v1 =	vld [tilespmem:s24+$0x870]  }
0xcd: {  	[tilespmem:s19+$0x860] =	vst v3;
	v2 =	vld [tilespmem:s22+$0x870]  }
0xce: {  	v3 =	vld [tilespmem:s20+$0x870]  }
0xcf: {  	[tilespmem:s12+$0xC00] =	vst v0  }
0xd0: {  	v0 =	vld [tilespmem:s10+$0xC10]  }
0xd1: {  	[tilespmem:s23+$0x870] =	vst v1  }
0xd2: {  	[tilespmem:s21+$0x870] =	vst v2;
	v1 =	vld [tilespmem:s24+$0xC00]  }
0xd3: {  	[tilespmem:s19+$0x870] =	vst v3;
	v2 =	vld [tilespmem:s22+$0xC00]  }
0xd4: {  	v3 =	vld [tilespmem:s20+$0xC00]  }
0xd5: {  	[tilespmem:s12+$0xC10] =	vst v0  }
0xd6: {  	v0 =	vld [tilespmem:s10+$0xC20]  }
0xd7: {  	[tilespmem:s23+$0xC00] =	vst v1  }
0xd8: {  	[tilespmem:s21+$0xC00] =	vst v2;
	v1 =	vld [tilespmem:s24+$0xC10]  }
0xd9: {  	[tilespmem:s19+$0xC00] =	vst v3;
	v2 =	vld [tilespmem:s22+$0xC10]  }
0xda: {  	v3 =	vld [tilespmem:s20+$0xC10]  }
0xdb: {  	[tilespmem:s12+$0xC20] =	vst v0  }
0xdc: {  	v0 =	vld [tilespmem:s10+$0xC30]  }
0xdd: {  	[tilespmem:s23+$0xC10] =	vst v1  }
0xde: {  	[tilespmem:s21+$0xC10] =	vst v2;
	v1 =	vld [tilespmem:s24+$0xC20]  }
0xdf: {  	[tilespmem:s19+$0xC10] =	vst v3;
	v2 =	vld [tilespmem:s22+$0xC20]  }
0xe0: {  	v3 =	vld [tilespmem:s20+$0xC20]  }
0xe1: {  	[tilespmem:s12+$0xC30] =	vst v0  }
0xe2: {  	v0 =	vld [tilespmem:s10+$0xC40]  }
0xe3: {  	[tilespmem:s23+$0xC20] =	vst v1  }
0xe4: {  	[tilespmem:s21+$0xC20] =	vst v2;
	v1 =	vld [tilespmem:s24+$0xC30]  }
0xe5: {  	[tilespmem:s19+$0xC20] =	vst v3;
	v2 =	vld [tilespmem:s22+$0xC30]  }
0xe6: {  	v3 =	vld [tilespmem:s20+$0xC30]  }
0xe7: {  	[tilespmem:s12+$0xC40] =	vst v0  }
0xe8: {  	v0 =	vld [tilespmem:s10+$0xC50]  }
0xe9: {  	[tilespmem:s23+$0xC30] =	vst v1  }
0xea: {  	[tilespmem:s21+$0xC30] =	vst v2;
	v1 =	vld [tilespmem:s24+$0xC40]  }
0xeb: {  	[tilespmem:s19+$0xC30] =	vst v3;
	v2 =	vld [tilespmem:s22+$0xC40]  }
0xec: {  	v3 =	vld [tilespmem:s20+$0xC40]  }
0xed: {  	s3 =	sadd.s32 $0x0, s2;
	[tilespmem:s12+$0xC50] =	vst v0  }
0xee: {  	s6 =	sadd.s32 $0x7, s3;
	v0 =	vld [tilespmem:s10+$0xC60]  }
0xef: {  	s9 =	sshrl.u32 s6, $0x3;
	[tilespmem:s23+$0xC40] =	vst v1  }
0xf0: {  	s9 =	smul.u32 $0x6000, s9;
	s5 =	rddreg [dreg:$0x3];
	[tilespmem:s21+$0xC40] =	vst v2;
	v1 =	vld [tilespmem:s24+$0xC50]  }
0xf1: {  	s1 =	sadd.s32 $0x200, s5;
	[tilespmem:s19+$0xC40] =	vst v3;
	v2 =	vld [tilespmem:s22+$0xC50]  }
0xf2: {  	s9 =	sshra.s32 s9, $0x2;
	s7 =	sadd.s32 $0x180, s1;
	v3 =	vld [tilespmem:s20+$0xC50]  }
0xf3: {  	s9 =	sadd.s32 s9, s25;
	s11 =	sand.u32 $0x380, s7;
	[tilespmem:s12+$0xC60] =	vst v0  }
0xf4: {  	s8 =	simm.s32 $0x0;
	s26 =	sadd.s32 s11, s9;
	v0 =	vld [tilespmem:s10+$0xC70]  }
0xf5: {  	s14 =	smul.u32 $0x6000, s8;
	v4 =	vld [tilespmem:s26+$0x0];
	[tilespmem:s23+$0xC50] =	vst v1  }
0xf6: {  	s11 =	sadd.s32 $0x5, s3;
	[tilespmem:s21+$0xC50] =	vst v2;
	v1 =	vld [tilespmem:s24+$0xC60]  }
0xf7: {  	s15 =	simm.s32 $0x380;
	s9 =	sshrl.u32 s11, $0x3;
	s11 =	sshra.s32 s14, $0x2;
	[tilespmem:s19+$0xC50] =	vst v3;
	v2 =	vld [tilespmem:s22+$0xC60]  }
0xf8: {  	s0 =	sadd.s32 $0x6, s3;
	s14 =	sand.u32 $0x380, s15;
	s3 =	sadd.s32 s11, s18;
	v3 =	vld [tilespmem:s20+$0xC60]  }
0xf9: {  	s28 =	sadd.s32 s14, s3;
	[tilespmem:s12+$0xC70] =	vst v0  }
0xfa: {  	s0 =	sshrl.u32 s0, $0x3;
	[tilespmem:s28+$0x0] =	vst v4;
	v0 =	vld [tilespmem:s10+$0x1000]  }
0xfb: {  	s0 =	smul.u32 $0x6000, s0;
	v4 =	vld [tilespmem:s26+$0x10];
	[tilespmem:s23+$0xC60] =	vst v1  }
0xfc: {  	s9 =	smul.u32 $0x6000, s9;
	[tilespmem:s21+$0xC60] =	vst v2;
	v1 =	vld [tilespmem:s24+$0xC70]  }
0xfd: {  	[tilespmem:s19+$0xC60] =	vst v3;
	v2 =	vld [tilespmem:s22+$0xC70]  }
0xfe: {  	s0 =	sshra.s32 s0, $0x2;
	s5 =	sadd.s32 $0x80, s1;
	s9 =	sshra.s32 s9, $0x2;
	v3 =	vld [tilespmem:s20+$0xC70]  }
0xff: {  	s29 =	sadd.s32 $0x100, s1;
	s14 =	sand.u32 $0x380, s5;
	s9 =	sadd.s32 s9, s25;
	[tilespmem:s12+$0x1000] =	vst v0  }
0x100: {  	s0 =	sadd.s32 s0, s25;
	s30 =	sand.u32 $0x380, s29;
	s29 =	sadd.s32 s14, s9;
	[tilespmem:s28+$0x10] =	vst v4;
	v0 =	vld [tilespmem:s10+$0x1010]  }
0x101: {  	s1 =	sand.u32 $0x380, s1;
	s30 =	sadd.s32 s30, s0;
	s6 =	sadd.s32 s11, s25;
	[tilespmem:s23+$0xC70] =	vst v1;
	v1 =	vld [tilespmem:s29+$0x0]  }
0x102: {  	s31 =	sadd.s32 s1, s6;
	[tilespmem:s21+$0xC70] =	vst v2;
	v2 =	vld [tilespmem:s30+$0x0]  }
0x103: {  	s7 =	simm.s32 $0x280;
	[tilespmem:s19+$0xC70] =	vst v3;
	v3 =	vld [tilespmem:s31+$0x0]  }
0x104: {  	s8 =	simm.s32 $0x300;
	s0 =	sand.u32 $0x280, s7;
	v5 =	vld [tilespmem:s26+$0x20]  }
0x105: {  	s11 =	simm.s32 $0x200;
	s1 =	sadd.s32 s0, s3;
	s9 =	sand.u32 $0x300, s8;
	v4 =	vld [tilespmem:s24+$0x1000];
	[tilespmem:s12+$0x1010] =	vst v0  }
0x106: {  	s14 =	sand.u32 $0x200, s11;
	s0 =	sadd.s32 s9, s3;
	[tilespmem:s1+$0x0] =	vst v1;
	v0 =	vld [tilespmem:s10+$0x1020]  }
0x107: {  	s9 =	sadd.s32 s14, s3;
	[tilespmem:s0+$0x0] =	vst v2;
	v1 =	vld [tilespmem:s29+$0x10]  }
0x108: {  	[tilespmem:s9+$0x0] =	vst v3;
	v2 =	vld [tilespmem:s30+$0x10]  }
0x109: {  	[tilespmem:s28+$0x20] =	vst v5;
	v3 =	vld [tilespmem:s31+$0x10]  }
0x10a: {  	v5 =	vld [tilespmem:s26+$0x30];
	[tilespmem:s23+$0x1000] =	vst v4  }
0x10b: {  	v4 =	vld [tilespmem:s22+$0x1000];
	[tilespmem:s12+$0x1020] =	vst v0  }
0x10c: {  	[tilespmem:s1+$0x10] =	vst v1;
	v0 =	vld [tilespmem:s10+$0x1030]  }
0x10d: {  	[tilespmem:s0+$0x10] =	vst v2;
	v1 =	vld [tilespmem:s29+$0x20]  }
0x10e: {  	[tilespmem:s9+$0x10] =	vst v3;
	v2 =	vld [tilespmem:s30+$0x20]  }
0x10f: {  	[tilespmem:s28+$0x30] =	vst v5;
	v3 =	vld [tilespmem:s31+$0x20]  }
0x110: {  	v5 =	vld [tilespmem:s26+$0x40];
	[tilespmem:s21+$0x1000] =	vst v4  }
0x111: {  	v4 =	vld [tilespmem:s20+$0x1000];
	[tilespmem:s12+$0x1030] =	vst v0  }
0x112: {  	[tilespmem:s1+$0x20] =	vst v1;
	v0 =	vld [tilespmem:s10+$0x1040]  }
0x113: {  	[tilespmem:s0+$0x20] =	vst v2;
	v1 =	vld [tilespmem:s29+$0x30]  }
0x114: {  	[tilespmem:s9+$0x20] =	vst v3;
	v2 =	vld [tilespmem:s30+$0x30]  }
0x115: {  	[tilespmem:s28+$0x40] =	vst v5;
	v3 =	vld [tilespmem:s31+$0x30]  }
0x116: {  	v5 =	vld [tilespmem:s26+$0x50];
	[tilespmem:s19+$0x1000] =	vst v4  }
0x117: {  	v4 =	vld [tilespmem:s24+$0x1010];
	[tilespmem:s12+$0x1040] =	vst v0  }
0x118: {  	[tilespmem:s1+$0x30] =	vst v1;
	v0 =	vld [tilespmem:s10+$0x1050]  }
0x119: {  	[tilespmem:s0+$0x30] =	vst v2;
	v1 =	vld [tilespmem:s29+$0x40]  }
0x11a: {  	[tilespmem:s9+$0x30] =	vst v3;
	v2 =	vld [tilespmem:s30+$0x40]  }
0x11b: {  	[tilespmem:s28+$0x50] =	vst v5;
	v3 =	vld [tilespmem:s31+$0x40]  }
0x11c: {  	v5 =	vld [tilespmem:s26+$0x60];
	[tilespmem:s23+$0x1010] =	vst v4  }
0x11d: {  	v4 =	vld [tilespmem:s22+$0x1010];
	[tilespmem:s12+$0x1050] =	vst v0  }
0x11e: {  	[tilespmem:s1+$0x40] =	vst v1;
	v0 =	vld [tilespmem:s10+$0x1060]  }
0x11f: {  	[tilespmem:s0+$0x40] =	vst v2;
	v1 =	vld [tilespmem:s29+$0x50]  }
0x120: {  	[tilespmem:s9+$0x40] =	vst v3;
	v2 =	vld [tilespmem:s30+$0x50]  }
0x121: {  	[tilespmem:s28+$0x60] =	vst v5;
	v3 =	vld [tilespmem:s31+$0x50]  }
0x122: {  	v5 =	vld [tilespmem:s26+$0x70];
	[tilespmem:s21+$0x1010] =	vst v4  }
0x123: {  	v4 =	vld [tilespmem:s20+$0x1010];
	[tilespmem:s12+$0x1060] =	vst v0  }
0x124: {  	[tilespmem:s1+$0x50] =	vst v1;
	v0 =	vld [tilespmem:s10+$0x1070]  }
0x125: {  	[tilespmem:s0+$0x50] =	vst v2;
	v1 =	vld [tilespmem:s29+$0x60]  }
0x126: {  	[tilespmem:s9+$0x50] =	vst v3;
	v2 =	vld [tilespmem:s30+$0x60]  }
0x127: {  	[tilespmem:s28+$0x70] =	vst v5;
	v3 =	vld [tilespmem:s31+$0x60]  }
0x128: {  	v5 =	vld [tilespmem:s26+$0x400];
	[tilespmem:s19+$0x1010] =	vst v4  }
0x129: {  	v4 =	vld [tilespmem:s24+$0x1020];
	[tilespmem:s12+$0x1070] =	vst v0  }
0x12a: {  	[tilespmem:s1+$0x60] =	vst v1;
	v0 =	vld [tilespmem:s10+$0x1400]  }
0x12b: {  	[tilespmem:s0+$0x60] =	vst v2;
	v1 =	vld [tilespmem:s29+$0x70]  }
0x12c: {  	[tilespmem:s9+$0x60] =	vst v3;
	v2 =	vld [tilespmem:s30+$0x70]  }
0x12d: {  	[tilespmem:s28+$0x400] =	vst v5;
	v3 =	vld [tilespmem:s31+$0x70]  }
0x12e: {  	v5 =	vld [tilespmem:s26+$0x410];
	[tilespmem:s23+$0x1020] =	vst v4  }
0x12f: {  	v4 =	vld [tilespmem:s22+$0x1020];
	[tilespmem:s12+$0x1400] =	vst v0  }
0x130: {  	[tilespmem:s1+$0x70] =	vst v1;
	v0 =	vld [tilespmem:s10+$0x1410]  }
0x131: {  	[tilespmem:s0+$0x70] =	vst v2;
	v1 =	vld [tilespmem:s29+$0x400]  }
0x132: {  	[tilespmem:s9+$0x70] =	vst v3;
	v2 =	vld [tilespmem:s30+$0x400]  }
0x133: {  	[tilespmem:s28+$0x410] =	vst v5;
	v3 =	vld [tilespmem:s31+$0x400]  }
0x134: {  	v5 =	vld [tilespmem:s26+$0x420];
	[tilespmem:s21+$0x1020] =	vst v4  }
0x135: {  	v4 =	vld [tilespmem:s20+$0x1020];
	[tilespmem:s12+$0x1410] =	vst v0  }
0x136: {  	[tilespmem:s1+$0x400] =	vst v1;
	v0 =	vld [tilespmem:s10+$0x1420]  }
0x137: {  	[tilespmem:s0+$0x400] =	vst v2;
	v1 =	vld [tilespmem:s29+$0x410]  }
0x138: {  	[tilespmem:s9+$0x400] =	vst v3;
	v2 =	vld [tilespmem:s30+$0x410]  }
0x139: {  	[tilespmem:s28+$0x420] =	vst v5;
	v3 =	vld [tilespmem:s31+$0x410]  }
0x13a: {  	v5 =	vld [tilespmem:s26+$0x430];
	[tilespmem:s19+$0x1020] =	vst v4  }
0x13b: {  	v4 =	vld [tilespmem:s24+$0x1030];
	[tilespmem:s12+$0x1420] =	vst v0  }
0x13c: {  	[tilespmem:s1+$0x410] =	vst v1;
	v0 =	vld [tilespmem:s10+$0x1430]  }
0x13d: {  	[tilespmem:s0+$0x410] =	vst v2;
	v1 =	vld [tilespmem:s29+$0x420]  }
0x13e: {  	[tilespmem:s9+$0x410] =	vst v3;
	v2 =	vld [tilespmem:s30+$0x420]  }
0x13f: {  	[tilespmem:s28+$0x430] =	vst v5;
	v3 =	vld [tilespmem:s31+$0x420]  }
0x140: {  	v5 =	vld [tilespmem:s26+$0x440];
	[tilespmem:s23+$0x1030] =	vst v4  }
0x141: {  	v4 =	vld [tilespmem:s22+$0x1030];
	[tilespmem:s12+$0x1430] =	vst v0  }
0x142: {  	[tilespmem:s1+$0x420] =	vst v1;
	v0 =	vld [tilespmem:s10+$0x1440]  }
0x143: {  	[tilespmem:s0+$0x420] =	vst v2;
	v1 =	vld [tilespmem:s29+$0x430]  }
0x144: {  	[tilespmem:s9+$0x420] =	vst v3;
	v2 =	vld [tilespmem:s30+$0x430]  }
0x145: {  	[tilespmem:s28+$0x440] =	vst v5;
	v3 =	vld [tilespmem:s31+$0x430]  }
0x146: {  	v5 =	vld [tilespmem:s26+$0x450];
	[tilespmem:s21+$0x1030] =	vst v4  }
0x147: {  	v4 =	vld [tilespmem:s20+$0x1030];
	[tilespmem:s12+$0x1440] =	vst v0  }
0x148: {  	[tilespmem:s1+$0x430] =	vst v1;
	v0 =	vld [tilespmem:s10+$0x1450]  }
0x149: {  	[tilespmem:s0+$0x430] =	vst v2;
	v1 =	vld [tilespmem:s29+$0x440]  }
0x14a: {  	[tilespmem:s9+$0x430] =	vst v3;
	v2 =	vld [tilespmem:s30+$0x440]  }
0x14b: {  	[tilespmem:s28+$0x450] =	vst v5;
	v3 =	vld [tilespmem:s31+$0x440]  }
0x14c: {  	v5 =	vld [tilespmem:s26+$0x460];
	[tilespmem:s19+$0x1030] =	vst v4  }
0x14d: {  	v4 =	vld [tilespmem:s24+$0x1040];
	[tilespmem:s12+$0x1450] =	vst v0  }
0x14e: {  	[tilespmem:s1+$0x440] =	vst v1;
	v0 =	vld [tilespmem:s10+$0x1460]  }
0x14f: {  	[tilespmem:s0+$0x440] =	vst v2;
	v1 =	vld [tilespmem:s29+$0x450]  }
0x150: {  	[tilespmem:s9+$0x440] =	vst v3;
	v2 =	vld [tilespmem:s30+$0x450]  }
0x151: {  	[tilespmem:s28+$0x460] =	vst v5;
	v3 =	vld [tilespmem:s31+$0x450]  }
0x152: {  	v5 =	vld [tilespmem:s26+$0x470];
	[tilespmem:s23+$0x1040] =	vst v4  }
0x153: {  	v4 =	vld [tilespmem:s22+$0x1040];
	[tilespmem:s12+$0x1460] =	vst v0  }
0x154: {  	[tilespmem:s1+$0x450] =	vst v1;
	v0 =	vld [tilespmem:s10+$0x1470]  }
0x155: {  	[tilespmem:s0+$0x450] =	vst v2;
	v1 =	vld [tilespmem:s29+$0x460]  }
0x156: {  	[tilespmem:s9+$0x450] =	vst v3;
	v2 =	vld [tilespmem:s30+$0x460]  }
0x157: {  	[tilespmem:s28+$0x470] =	vst v5;
	v3 =	vld [tilespmem:s31+$0x460]  }
0x158: {  	v5 =	vld [tilespmem:s24+$0x1050];
	[tilespmem:s21+$0x1040] =	vst v4  }
0x159: {  	v4 =	vld [tilespmem:s20+$0x1040];
	[tilespmem:s12+$0x1470] =	vst v0  }
0x15a: {  	[tilespmem:s1+$0x460] =	vst v1;
	v0 =	vld [tilespmem:s26+$0x800]  }
0x15b: {  	[tilespmem:s0+$0x460] =	vst v2;
	v1 =	vld [tilespmem:s29+$0x470]  }
0x15c: {  	[tilespmem:s9+$0x460] =	vst v3;
	v2 =	vld [tilespmem:s30+$0x470]  }
0x15d: {  	[tilespmem:s23+$0x1050] =	vst v5;
	v3 =	vld [tilespmem:s31+$0x470]  }
0x15e: {  	[tilespmem:s19+$0x1040] =	vst v4;
	v4 =	vld [tilespmem:s22+$0x1050]  }
0x15f: {  	[tilespmem:s28+$0x800] =	vst v0;
	v0 =	vld [tilespmem:s20+$0x1050]  }
0x160: {  	[tilespmem:s1+$0x470] =	vst v1;
	v1 =	vld [tilespmem:s26+$0x810]  }
0x161: {  	[tilespmem:s0+$0x470] =	vst v2;
	v5 =	vld [tilespmem:s29+$0x800]  }
0x162: {  	[tilespmem:s9+$0x470] =	vst v3;
	v2 =	vld [tilespmem:s30+$0x800]  }
0x163: {  	[tilespmem:s21+$0x1050] =	vst v4;
	v3 =	vld [tilespmem:s31+$0x800]  }
0x164: {  	[tilespmem:s19+$0x1050] =	vst v0;
	v0 =	vld [tilespmem:s24+$0x1060]  }
0x165: {  	[tilespmem:s28+$0x810] =	vst v1;
	v1 =	vld [tilespmem:s22+$0x1060]  }
0x166: {  	[tilespmem:s1+$0x800] =	vst v5;
	v4 =	vld [tilespmem:s26+$0x820]  }
0x167: {  	[tilespmem:s0+$0x800] =	vst v2;
	v5 =	vld [tilespmem:s29+$0x810]  }
0x168: {  	[tilespmem:s9+$0x800] =	vst v3;
	v2 =	vld [tilespmem:s30+$0x810]  }
0x169: {  	v3 =	vld [tilespmem:s31+$0x810];
	[tilespmem:s23+$0x1060] =	vst v0  }
0x16a: {  	v0 =	vld [tilespmem:s20+$0x1060];
	[tilespmem:s21+$0x1060] =	vst v1  }
0x16b: {  	v1 =	vld [tilespmem:s24+$0x1070];
	[tilespmem:s28+$0x820] =	vst v4  }
0x16c: {  	[tilespmem:s1+$0x810] =	vst v5;
	v4 =	vld [tilespmem:s26+$0x830]  }
0x16d: {  	[tilespmem:s0+$0x810] =	vst v2;
	v5 =	vld [tilespmem:s29+$0x820]  }
0x16e: {  	[tilespmem:s9+$0x810] =	vst v3;
	v2 =	vld [tilespmem:s30+$0x820]  }
0x16f: {  	v3 =	vld [tilespmem:s31+$0x820];
	[tilespmem:s19+$0x1060] =	vst v0  }
0x170: {  	v0 =	vld [tilespmem:s22+$0x1070];
	[tilespmem:s23+$0x1070] =	vst v1  }
0x171: {  	v1 =	vld [tilespmem:s20+$0x1070];
	[tilespmem:s28+$0x830] =	vst v4  }
0x172: {  	[tilespmem:s1+$0x820] =	vst v5;
	v4 =	vld [tilespmem:s26+$0x840]  }
0x173: {  	[tilespmem:s0+$0x820] =	vst v2;
	v5 =	vld [tilespmem:s29+$0x830]  }
0x174: {  	[tilespmem:s9+$0x820] =	vst v3;
	v2 =	vld [tilespmem:s30+$0x830]  }
0x175: {  	v3 =	vld [tilespmem:s31+$0x830];
	[tilespmem:s21+$0x1070] =	vst v0  }
0x176: {  	v0 =	vld [tilespmem:s24+$0x1400];
	[tilespmem:s19+$0x1070] =	vst v1  }
0x177: {  	v1 =	vld [tilespmem:s22+$0x1400];
	[tilespmem:s28+$0x840] =	vst v4  }
0x178: {  	[tilespmem:s1+$0x830] =	vst v5;
	v4 =	vld [tilespmem:s26+$0x850]  }
0x179: {  	[tilespmem:s0+$0x830] =	vst v2;
	v5 =	vld [tilespmem:s29+$0x840]  }
0x17a: {  	[tilespmem:s9+$0x830] =	vst v3;
	v2 =	vld [tilespmem:s30+$0x840]  }
0x17b: {  	[tilespmem:s23+$0x1400] =	vst v0;
	v3 =	vld [tilespmem:s31+$0x840]  }
0x17c: {  	v0 =	vld [tilespmem:s20+$0x1400];
	[tilespmem:s21+$0x1400] =	vst v1  }
0x17d: {  	v1 =	vld [tilespmem:s24+$0x1410];
	[tilespmem:s28+$0x850] =	vst v4  }
0x17e: {  	[tilespmem:s1+$0x840] =	vst v5;
	v4 =	vld [tilespmem:s26+$0x860]  }
0x17f: {  	[tilespmem:s0+$0x840] =	vst v2;
	v5 =	vld [tilespmem:s29+$0x850]  }
0x180: {  	[tilespmem:s9+$0x840] =	vst v3;
	v2 =	vld [tilespmem:s30+$0x850]  }
0x181: {  	[tilespmem:s19+$0x1400] =	vst v0;
	v3 =	vld [tilespmem:s31+$0x850]  }
0x182: {  	v0 =	vld [tilespmem:s22+$0x1410];
	[tilespmem:s23+$0x1410] =	vst v1  }
0x183: {  	v1 =	vld [tilespmem:s20+$0x1410];
	[tilespmem:s28+$0x860] =	vst v4  }
0x184: {  	[tilespmem:s1+$0x850] =	vst v5;
	v4 =	vld [tilespmem:s26+$0x870]  }
0x185: {  	[tilespmem:s0+$0x850] =	vst v2;
	v5 =	vld [tilespmem:s29+$0x860]  }
0x186: {  	[tilespmem:s9+$0x850] =	vst v3;
	v2 =	vld [tilespmem:s30+$0x860]  }
0x187: {  	[tilespmem:s21+$0x1410] =	vst v0;
	v3 =	vld [tilespmem:s31+$0x860]  }
0x188: {  	v0 =	vld [tilespmem:s24+$0x1420];
	[tilespmem:s19+$0x1410] =	vst v1  }
0x189: {  	v1 =	vld [tilespmem:s22+$0x1420];
	[tilespmem:s28+$0x870] =	vst v4  }
0x18a: {  	[tilespmem:s1+$0x860] =	vst v5;
	v4 =	vld [tilespmem:s26+$0xC00]  }
0x18b: {  	[tilespmem:s0+$0x860] =	vst v2;
	v5 =	vld [tilespmem:s29+$0x870]  }
0x18c: {  	[tilespmem:s9+$0x860] =	vst v3;
	v2 =	vld [tilespmem:s30+$0x870]  }
0x18d: {  	[tilespmem:s23+$0x1420] =	vst v0;
	v3 =	vld [tilespmem:s31+$0x870]  }
0x18e: {  	v0 =	vld [tilespmem:s20+$0x1420];
	[tilespmem:s21+$0x1420] =	vst v1  }
0x18f: {  	v1 =	vld [tilespmem:s24+$0x1430];
	[tilespmem:s28+$0xC00] =	vst v4  }
0x190: {  	[tilespmem:s1+$0x870] =	vst v5;
	v4 =	vld [tilespmem:s26+$0xC10]  }
0x191: {  	[tilespmem:s0+$0x870] =	vst v2;
	v5 =	vld [tilespmem:s29+$0xC00]  }
0x192: {  	[tilespmem:s9+$0x870] =	vst v3;
	v2 =	vld [tilespmem:s30+$0xC00]  }
0x193: {  	[tilespmem:s19+$0x1420] =	vst v0;
	v3 =	vld [tilespmem:s31+$0xC00]  }
0x194: {  	v0 =	vld [tilespmem:s22+$0x1430];
	[tilespmem:s23+$0x1430] =	vst v1  }
0x195: {  	v1 =	vld [tilespmem:s20+$0x1430];
	[tilespmem:s28+$0xC10] =	vst v4  }
0x196: {  	[tilespmem:s1+$0xC00] =	vst v5;
	v4 =	vld [tilespmem:s26+$0xC20]  }
0x197: {  	[tilespmem:s0+$0xC00] =	vst v2;
	v5 =	vld [tilespmem:s29+$0xC10]  }
0x198: {  	[tilespmem:s9+$0xC00] =	vst v3;
	v2 =	vld [tilespmem:s30+$0xC10]  }
0x199: {  	[tilespmem:s21+$0x1430] =	vst v0;
	v3 =	vld [tilespmem:s31+$0xC10]  }
0x19a: {  	v0 =	vld [tilespmem:s24+$0x1440];
	[tilespmem:s19+$0x1430] =	vst v1  }
0x19b: {  	v1 =	vld [tilespmem:s22+$0x1440];
	[tilespmem:s28+$0xC20] =	vst v4  }
0x19c: {  	[tilespmem:s1+$0xC10] =	vst v5;
	v4 =	vld [tilespmem:s26+$0xC30]  }
0x19d: {  	[tilespmem:s0+$0xC10] =	vst v2;
	v5 =	vld [tilespmem:s29+$0xC20]  }
0x19e: {  	[tilespmem:s9+$0xC10] =	vst v3;
	v2 =	vld [tilespmem:s30+$0xC20]  }
0x19f: {  	[tilespmem:s23+$0x1440] =	vst v0;
	v3 =	vld [tilespmem:s31+$0xC20]  }
0x1a0: {  	v0 =	vld [tilespmem:s20+$0x1440];
	[tilespmem:s21+$0x1440] =	vst v1  }
0x1a1: {  	v1 =	vld [tilespmem:s24+$0x1450];
	[tilespmem:s28+$0xC30] =	vst v4  }
0x1a2: {  	[tilespmem:s1+$0xC20] =	vst v5;
	v4 =	vld [tilespmem:s26+$0xC40]  }
0x1a3: {  	[tilespmem:s0+$0xC20] =	vst v2;
	v5 =	vld [tilespmem:s29+$0xC30]  }
0x1a4: {  	[tilespmem:s9+$0xC20] =	vst v3;
	v2 =	vld [tilespmem:s30+$0xC30]  }
0x1a5: {  	[tilespmem:s19+$0x1440] =	vst v0;
	v3 =	vld [tilespmem:s31+$0xC30]  }
0x1a6: {  	v0 =	vld [tilespmem:s22+$0x1450];
	[tilespmem:s23+$0x1450] =	vst v1  }
0x1a7: {  	v1 =	vld [tilespmem:s20+$0x1450];
	[tilespmem:s28+$0xC40] =	vst v4  }
0x1a8: {  	[tilespmem:s1+$0xC30] =	vst v5;
	v4 =	vld [tilespmem:s26+$0xC50]  }
0x1a9: {  	[tilespmem:s0+$0xC30] =	vst v2;
	v5 =	vld [tilespmem:s29+$0xC40]  }
0x1aa: {  	[tilespmem:s9+$0xC30] =	vst v3;
	v3 =	vld [tilespmem:s30+$0xC40]  }
0x1ab: {  	[tilespmem:s21+$0x1450] =	vst v0;
	v6 =	vld [tilespmem:s31+$0xC40]  }
0x1ac: {  	[tilespmem:s19+$0x1450] =	vst v1;
	v1 =	vld [tilespmem:s24+$0x1460]  }
0x1ad: {  	v0 =	vld [tilespmem:s22+$0x1460];
	[tilespmem:s28+$0xC50] =	vst v4  }
0x1ae: {  	[tilespmem:s1+$0xC40] =	vst v5;
	v2 =	vld [tilespmem:s26+$0xC60]  }
0x1af: {  	s15 =	sshrl.u32 s17, $0x2;
	[tilespmem:s0+$0xC40] =	vst v3;
	v4 =	vld [tilespmem:s29+$0xC50]  }
0x1b0: {  	s10 =	simm.s32 $0x4;
	s12 =	sadd.s32 s4, s15;
	[tilespmem:s9+$0xC40] =	vst v6;
	v3 =	vld [tilespmem:s30+$0xC50]  }
.LBB2_3:
0x1b1: {  	s14 =	sadd.s32 s10, s2  }
0x1b2: {  	v5 =	vld [tilespmem:s31+$0xC50];
	s7 =	sadd.s32 $0x7, s14;
	[tilespmem:s23+$0x1460] =	vst v1  }
0x1b3: {  	s15 =	rddreg [dreg:$0x3];
	s11 =	sadd.s32 $0x200, s11;
	s7 =	sshrl.u32 s7, $0x3;
	v1 =	vld [tilespmem:s20+$0x1460];
	[tilespmem:s21+$0x1460] =	vst v0  }
0x1b4: {  	s10 =	sadd.s32 $0x4, s10;
	s5 =	sadd.s32 $0x5, s14;
	s7 =	smul.u32 $0x6000, s7;
	[tilespmem:s28+$0xC60] =	vst v2;
	v0 =	vld [tilespmem:s24+$0x1470]  }
0x1b5: {  	s14 =	sadd.s32 $0x6, s14;
	s15 =	sadd.s32 s11, s15;
	s5 =	sshrl.u32 s5, $0x3;
	[tilespmem:s1+$0xC50] =	vst v4;
	v2 =	vld [tilespmem:s26+$0xC70]  }
0x1b6: {  	s14 =	sshrl.u32 s14, $0x3;
	s4 =	sadd.s32 $0x180, s15;
	[tilespmem:s0+$0xC50] =	vst v3;
	v4 =	vld [tilespmem:s29+$0xC60];
	s7 =	sshra.s32 s7, $0x2  }
0x1b7: {  	s3 =	smul.u32 $0x6000, s14;
	s14 =	sand.u32 $0x380, s4;
	[tilespmem:s9+$0xC50] =	vst v5;
	v3 =	vld [tilespmem:s30+$0xC60];
	s7 =	sadd.s32 s7, s25  }
0x1b8: {  	s5 =	smul.u32 $0x6000, s5;
	s4 =	sshrl.u32 s10, $0x3;
	v5 =	vld [tilespmem:s31+$0xC60];
	s14 =	sadd.s32 s14, s7;
	[tilespmem:s19+$0x1460] =	vst v1  }
0x1b9: {  	s4 =	smul.u32 $0x6000, s4;
	v1 =	vld [tilespmem:s14+$0x0];
	[tilespmem:s23+$0x1470] =	vst v0  }
0x1ba: {  	s8 =	sadd.s32 $0x180, s11;
	s6 =	sadd.s32 $0x80, s15;
	v0 =	vld [tilespmem:s22+$0x1470];
	[tilespmem:s28+$0xC70] =	vst v2  }
0x1bb: {  	s5 =	sshra.s32 s5, $0x2;
	s4 =	sshra.s32 s4, $0x2;
	s7 =	sand.u32 $0x380, s6;
	[tilespmem:s1+$0xC60] =	vst v4;
	v2 =	vld [tilespmem:s26+$0x1000]  }
0x1bc: {  	s6 =	sadd.s32 s4, s25;
	s4 =	sadd.s32 s4, s18;
	s23 =	sand.u32 $0x380, s8;
	[tilespmem:s0+$0xC60] =	vst v3;
	v4 =	vld [tilespmem:s29+$0xC70]  }
0x1bd: {  	s22 =	sadd.s32 $0x100, s15;
	s8 =	sand.u32 $0x380, s15;
	s15 =	sadd.s32 s23, s4;
	[tilespmem:s9+$0xC60] =	vst v5;
	v3 =	vld [tilespmem:s30+$0xC70]  }
0x1be: {  	s3 =	sshra.s32 s3, $0x2;
	s5 =	sadd.s32 s5, s25;
	v5 =	vld [tilespmem:s31+$0xC70];
	[tilespmem:s15+$0x0] =	vst v1  }
0x1bf: {  	s24 =	sadd.s32 $0x80, s11;
	s3 =	sadd.s32 s3, s25;
	s5 =	sadd.s32 s7, s5;
	[tilespmem:s21+$0x1470] =	vst v0;
	v0 =	vld [tilespmem:s20+$0x1470]  }
0x1c0: {  	s22 =	sand.u32 $0x380, s22;
	s6 =	sadd.s32 s8, s6;
	s23 =	sand.u32 $0x280, s24;
	v1 =	vld [tilespmem:s14+$0x10];
	[tilespmem:s28+$0x1000] =	vst v2  }
0x1c1: {  	s24 =	sadd.s32 $0x100, s11;
	s3 =	sadd.s32 s22, s3;
	s22 =	sand.u32 $0x200, s11;
	[tilespmem:s1+$0xC70] =	vst v4;
	v2 =	vld [tilespmem:s26+$0x1010]  }
0x1c2: {  	s8 =	sadd.s32 s23, s4;
	s7 =	sadd.s32 s22, s4;
	s20 =	sand.u32 $0x300, s24;
	[tilespmem:s0+$0xC70] =	vst v3;
	v4 =	vld [tilespmem:s5+$0x0]  }
0x1c3: {  	s4 =	sadd.s32 s20, s4;
	s20 =	smov.u32 s31;
	s31 =	smov.u32 s6;
	v3 =	vld [tilespmem:s3+$0x0];
	[tilespmem:s9+$0xC70] =	vst v5  }
0x1c4: {  	s24 =	smov.u32 s29;
	v5 =	vld [tilespmem:s31+$0x0];
	[tilespmem:s19+$0x1470] =	vst v0  }
0x1c5: {  	[tilespmem:s15+$0x10] =	vst v1;
	v0 =	vld [tilespmem:s24+$0x1000]  }
0x1c6: {  	s23 =	smov.u32 s1;
	s22 =	smov.u32 s30;
	s1 =	smov.u32 s8;
	v1 =	vld [tilespmem:s14+$0x20];
	[tilespmem:s28+$0x1010] =	vst v2  }
0x1c7: {  	s29 =	smov.u32 s5;
	s21 =	smov.u32 s0;
	s0 =	smov.u32 s4;
	[tilespmem:s1+$0x0] =	vst v4;
	v2 =	vld [tilespmem:s26+$0x1020]  }
0x1c8: {  	s30 =	smov.u32 s3;
	s19 =	smov.u32 s9;
	s9 =	smov.u32 s7;
	[tilespmem:s0+$0x0] =	vst v3;
	v4 =	vld [tilespmem:s29+$0x10]  }
0x1c9: {  	[tilespmem:s9+$0x0] =	vst v5;
	v3 =	vld [tilespmem:s30+$0x10]  }
0x1ca: {  	v5 =	vld [tilespmem:s31+$0x10];
	[tilespmem:s23+$0x1000] =	vst v0  }
0x1cb: {  	v0 =	vld [tilespmem:s22+$0x1000];
	[tilespmem:s15+$0x20] =	vst v1  }
0x1cc: {  	v1 =	vld [tilespmem:s14+$0x30];
	[tilespmem:s28+$0x1020] =	vst v2  }
0x1cd: {  	[tilespmem:s1+$0x10] =	vst v4;
	v2 =	vld [tilespmem:s26+$0x1030]  }
0x1ce: {  	[tilespmem:s0+$0x10] =	vst v3;
	v4 =	vld [tilespmem:s29+$0x20]  }
0x1cf: {  	[tilespmem:s9+$0x10] =	vst v5;
	v3 =	vld [tilespmem:s30+$0x20]  }
0x1d0: {  	[tilespmem:s21+$0x1000] =	vst v0;
	v5 =	vld [tilespmem:s31+$0x20]  }
0x1d1: {  	v0 =	vld [tilespmem:s20+$0x1000];
	[tilespmem:s15+$0x30] =	vst v1  }
0x1d2: {  	v1 =	vld [tilespmem:s14+$0x40];
	[tilespmem:s28+$0x1030] =	vst v2  }
0x1d3: {  	[tilespmem:s1+$0x20] =	vst v4;
	v2 =	vld [tilespmem:s26+$0x1040]  }
0x1d4: {  	[tilespmem:s0+$0x20] =	vst v3;
	v4 =	vld [tilespmem:s29+$0x30]  }
0x1d5: {  	[tilespmem:s9+$0x20] =	vst v5;
	v3 =	vld [tilespmem:s30+$0x30]  }
0x1d6: {  	v5 =	vld [tilespmem:s31+$0x30];
	[tilespmem:s19+$0x1000] =	vst v0  }
0x1d7: {  	v0 =	vld [tilespmem:s24+$0x1010];
	[tilespmem:s15+$0x40] =	vst v1  }
0x1d8: {  	v1 =	vld [tilespmem:s14+$0x50];
	[tilespmem:s28+$0x1040] =	vst v2  }
0x1d9: {  	[tilespmem:s1+$0x30] =	vst v4;
	v2 =	vld [tilespmem:s26+$0x1050]  }
0x1da: {  	[tilespmem:s0+$0x30] =	vst v3;
	v4 =	vld [tilespmem:s29+$0x40]  }
0x1db: {  	[tilespmem:s9+$0x30] =	vst v5;
	v3 =	vld [tilespmem:s30+$0x40]  }
0x1dc: {  	[tilespmem:s23+$0x1010] =	vst v0;
	v5 =	vld [tilespmem:s31+$0x40]  }
0x1dd: {  	v0 =	vld [tilespmem:s22+$0x1010];
	[tilespmem:s15+$0x50] =	vst v1  }
0x1de: {  	v1 =	vld [tilespmem:s14+$0x60];
	[tilespmem:s28+$0x1050] =	vst v2  }
0x1df: {  	[tilespmem:s1+$0x40] =	vst v4;
	v2 =	vld [tilespmem:s26+$0x1060]  }
0x1e0: {  	[tilespmem:s0+$0x40] =	vst v3;
	v4 =	vld [tilespmem:s29+$0x50]  }
0x1e1: {  	[tilespmem:s9+$0x40] =	vst v5;
	v3 =	vld [tilespmem:s30+$0x50]  }
0x1e2: {  	[tilespmem:s21+$0x1010] =	vst v0;
	v5 =	vld [tilespmem:s31+$0x50]  }
0x1e3: {  	v0 =	vld [tilespmem:s20+$0x1010];
	[tilespmem:s15+$0x60] =	vst v1  }
0x1e4: {  	v1 =	vld [tilespmem:s14+$0x70];
	[tilespmem:s28+$0x1060] =	vst v2  }
0x1e5: {  	[tilespmem:s1+$0x50] =	vst v4;
	v2 =	vld [tilespmem:s26+$0x1070]  }
0x1e6: {  	[tilespmem:s0+$0x50] =	vst v3;
	v4 =	vld [tilespmem:s29+$0x60]  }
0x1e7: {  	[tilespmem:s9+$0x50] =	vst v5;
	v3 =	vld [tilespmem:s30+$0x60]  }
0x1e8: {  	v5 =	vld [tilespmem:s31+$0x60];
	[tilespmem:s19+$0x1010] =	vst v0  }
0x1e9: {  	v0 =	vld [tilespmem:s24+$0x1020];
	[tilespmem:s15+$0x70] =	vst v1  }
0x1ea: {  	v1 =	vld [tilespmem:s14+$0x400];
	[tilespmem:s28+$0x1070] =	vst v2  }
0x1eb: {  	[tilespmem:s1+$0x60] =	vst v4;
	v2 =	vld [tilespmem:s26+$0x1400]  }
0x1ec: {  	[tilespmem:s0+$0x60] =	vst v3;
	v4 =	vld [tilespmem:s29+$0x70]  }
0x1ed: {  	[tilespmem:s9+$0x60] =	vst v5;
	v3 =	vld [tilespmem:s30+$0x70]  }
0x1ee: {  	[tilespmem:s23+$0x1020] =	vst v0;
	v5 =	vld [tilespmem:s31+$0x70]  }
0x1ef: {  	v0 =	vld [tilespmem:s22+$0x1020];
	[tilespmem:s15+$0x400] =	vst v1  }
0x1f0: {  	v1 =	vld [tilespmem:s14+$0x410];
	[tilespmem:s28+$0x1400] =	vst v2  }
0x1f1: {  	[tilespmem:s1+$0x70] =	vst v4;
	v2 =	vld [tilespmem:s26+$0x1410]  }
0x1f2: {  	[tilespmem:s0+$0x70] =	vst v3;
	v4 =	vld [tilespmem:s29+$0x400]  }
0x1f3: {  	[tilespmem:s9+$0x70] =	vst v5;
	v3 =	vld [tilespmem:s30+$0x400]  }
0x1f4: {  	[tilespmem:s21+$0x1020] =	vst v0;
	v5 =	vld [tilespmem:s31+$0x400]  }
0x1f5: {  	v0 =	vld [tilespmem:s20+$0x1020];
	[tilespmem:s15+$0x410] =	vst v1  }
0x1f6: {  	v1 =	vld [tilespmem:s14+$0x420];
	[tilespmem:s28+$0x1410] =	vst v2  }
0x1f7: {  	[tilespmem:s1+$0x400] =	vst v4;
	v2 =	vld [tilespmem:s26+$0x1420]  }
0x1f8: {  	[tilespmem:s0+$0x400] =	vst v3;
	v4 =	vld [tilespmem:s29+$0x410]  }
0x1f9: {  	[tilespmem:s9+$0x400] =	vst v5;
	v3 =	vld [tilespmem:s30+$0x410]  }
0x1fa: {  	v5 =	vld [tilespmem:s31+$0x410];
	[tilespmem:s19+$0x1020] =	vst v0  }
0x1fb: {  	v0 =	vld [tilespmem:s24+$0x1030];
	[tilespmem:s15+$0x420] =	vst v1  }
0x1fc: {  	v1 =	vld [tilespmem:s14+$0x430];
	[tilespmem:s28+$0x1420] =	vst v2  }
0x1fd: {  	[tilespmem:s1+$0x410] =	vst v4;
	v2 =	vld [tilespmem:s26+$0x1430]  }
0x1fe: {  	[tilespmem:s0+$0x410] =	vst v3;
	v4 =	vld [tilespmem:s29+$0x420]  }
0x1ff: {  	[tilespmem:s9+$0x410] =	vst v5;
	v3 =	vld [tilespmem:s30+$0x420]  }
0x200: {  	[tilespmem:s23+$0x1030] =	vst v0;
	v5 =	vld [tilespmem:s31+$0x420]  }
0x201: {  	v0 =	vld [tilespmem:s22+$0x1030];
	[tilespmem:s15+$0x430] =	vst v1  }
0x202: {  	v1 =	vld [tilespmem:s14+$0x440];
	[tilespmem:s28+$0x1430] =	vst v2  }
0x203: {  	[tilespmem:s1+$0x420] =	vst v4;
	v2 =	vld [tilespmem:s26+$0x1440]  }
0x204: {  	[tilespmem:s0+$0x420] =	vst v3;
	v4 =	vld [tilespmem:s29+$0x430]  }
0x205: {  	[tilespmem:s9+$0x420] =	vst v5;
	v3 =	vld [tilespmem:s30+$0x430]  }
0x206: {  	[tilespmem:s21+$0x1030] =	vst v0;
	v5 =	vld [tilespmem:s31+$0x430]  }
0x207: {  	v0 =	vld [tilespmem:s20+$0x1030];
	[tilespmem:s15+$0x440] =	vst v1  }
0x208: {  	v1 =	vld [tilespmem:s14+$0x450];
	[tilespmem:s28+$0x1440] =	vst v2  }
0x209: {  	[tilespmem:s1+$0x430] =	vst v4;
	v2 =	vld [tilespmem:s26+$0x1450]  }
0x20a: {  	[tilespmem:s0+$0x430] =	vst v3;
	v4 =	vld [tilespmem:s29+$0x440]  }
0x20b: {  	[tilespmem:s9+$0x430] =	vst v5;
	v3 =	vld [tilespmem:s30+$0x440]  }
0x20c: {  	v5 =	vld [tilespmem:s31+$0x440];
	[tilespmem:s19+$0x1030] =	vst v0  }
0x20d: {  	v0 =	vld [tilespmem:s24+$0x1040];
	[tilespmem:s15+$0x450] =	vst v1  }
0x20e: {  	v1 =	vld [tilespmem:s14+$0x460];
	[tilespmem:s28+$0x1450] =	vst v2  }
0x20f: {  	[tilespmem:s1+$0x440] =	vst v4;
	v2 =	vld [tilespmem:s26+$0x1460]  }
0x210: {  	[tilespmem:s0+$0x440] =	vst v3;
	v4 =	vld [tilespmem:s29+$0x450]  }
0x211: {  	[tilespmem:s9+$0x440] =	vst v5;
	v3 =	vld [tilespmem:s30+$0x450]  }
0x212: {  	[tilespmem:s23+$0x1040] =	vst v0;
	v5 =	vld [tilespmem:s31+$0x450]  }
0x213: {  	v0 =	vld [tilespmem:s22+$0x1040];
	[tilespmem:s15+$0x460] =	vst v1  }
0x214: {  	v1 =	vld [tilespmem:s14+$0x470];
	[tilespmem:s28+$0x1460] =	vst v2  }
0x215: {  	[tilespmem:s1+$0x450] =	vst v4;
	v2 =	vld [tilespmem:s26+$0x1470]  }
0x216: {  	[tilespmem:s0+$0x450] =	vst v3;
	v4 =	vld [tilespmem:s29+$0x460]  }
0x217: {  	[tilespmem:s9+$0x450] =	vst v5;
	v3 =	vld [tilespmem:s30+$0x460]  }
0x218: {  	[tilespmem:s21+$0x1040] =	vst v0;
	v5 =	vld [tilespmem:s31+$0x460]  }
0x219: {  	v0 =	vld [tilespmem:s20+$0x1040];
	[tilespmem:s15+$0x470] =	vst v1  }
0x21a: {  	s26 =	smov.u32 s14;
	v1 =	vld [tilespmem:s24+$0x1050];
	[tilespmem:s28+$0x1470] =	vst v2  }
0x21b: {  	[tilespmem:s1+$0x460] =	vst v4;
	v2 =	vld [tilespmem:s26+$0x800]  }
0x21c: {  	[tilespmem:s0+$0x460] =	vst v3;
	v4 =	vld [tilespmem:s29+$0x470]  }
0x21d: {  	[tilespmem:s9+$0x460] =	vst v5;
	v3 =	vld [tilespmem:s30+$0x470]  }
0x21e: {  	v5 =	vld [tilespmem:s31+$0x470];
	[tilespmem:s19+$0x1040] =	vst v0  }
0x21f: {  	s28 =	smov.u32 s15;
	[tilespmem:s23+$0x1050] =	vst v1;
	v0 =	vld [tilespmem:s22+$0x1050]  }
0x220: {  	v1 =	vld [tilespmem:s20+$0x1050];
	[tilespmem:s28+$0x800] =	vst v2  }
0x221: {  	[tilespmem:s1+$0x470] =	vst v4;
	v2 =	vld [tilespmem:s26+$0x810]  }
0x222: {  	[tilespmem:s0+$0x470] =	vst v3;
	v4 =	vld [tilespmem:s29+$0x800]  }
0x223: {  	[tilespmem:s9+$0x470] =	vst v5;
	v3 =	vld [tilespmem:s30+$0x800]  }
0x224: {  	[tilespmem:s21+$0x1050] =	vst v0;
	v5 =	vld [tilespmem:s31+$0x800]  }
0x225: {  	v0 =	vld [tilespmem:s24+$0x1060];
	[tilespmem:s19+$0x1050] =	vst v1  }
0x226: {  	v1 =	vld [tilespmem:s22+$0x1060];
	[tilespmem:s28+$0x810] =	vst v2  }
0x227: {  	[tilespmem:s1+$0x800] =	vst v4;
	v2 =	vld [tilespmem:s26+$0x820]  }
0x228: {  	[tilespmem:s0+$0x800] =	vst v3;
	v4 =	vld [tilespmem:s29+$0x810]  }
0x229: {  	[tilespmem:s9+$0x800] =	vst v5;
	v3 =	vld [tilespmem:s30+$0x810]  }
0x22a: {  	[tilespmem:s23+$0x1060] =	vst v0;
	v5 =	vld [tilespmem:s31+$0x810]  }
0x22b: {  	[tilespmem:s21+$0x1060] =	vst v1;
	v1 =	vld [tilespmem:s24+$0x1070]  }
0x22c: {  	v0 =	vld [tilespmem:s20+$0x1060];
	[tilespmem:s28+$0x820] =	vst v2  }
0x22d: {  	[tilespmem:s1+$0x810] =	vst v4;
	v2 =	vld [tilespmem:s26+$0x830]  }
0x22e: {  	[tilespmem:s0+$0x810] =	vst v3;
	v4 =	vld [tilespmem:s29+$0x820]  }
0x22f: {  	[tilespmem:s9+$0x810] =	vst v5;
	v3 =	vld [tilespmem:s30+$0x820]  }
0x230: {  	[tilespmem:s23+$0x1070] =	vst v1;
	v5 =	vld [tilespmem:s31+$0x820]  }
0x231: {  	[tilespmem:s19+$0x1060] =	vst v0;
	v0 =	vld [tilespmem:s22+$0x1070]  }
0x232: {  	v1 =	vld [tilespmem:s20+$0x1070];
	[tilespmem:s28+$0x830] =	vst v2  }
0x233: {  	[tilespmem:s1+$0x820] =	vst v4;
	v2 =	vld [tilespmem:s26+$0x840]  }
0x234: {  	[tilespmem:s0+$0x820] =	vst v3;
	v4 =	vld [tilespmem:s29+$0x830]  }
0x235: {  	[tilespmem:s9+$0x820] =	vst v5;
	v3 =	vld [tilespmem:s30+$0x830]  }
0x236: {  	[tilespmem:s21+$0x1070] =	vst v0;
	v5 =	vld [tilespmem:s31+$0x830]  }
0x237: {  	v0 =	vld [tilespmem:s24+$0x1400];
	[tilespmem:s19+$0x1070] =	vst v1  }
0x238: {  	v1 =	vld [tilespmem:s22+$0x1400];
	[tilespmem:s28+$0x840] =	vst v2  }
0x239: {  	[tilespmem:s1+$0x830] =	vst v4;
	v2 =	vld [tilespmem:s26+$0x850]  }
0x23a: {  	[tilespmem:s0+$0x830] =	vst v3;
	v4 =	vld [tilespmem:s29+$0x840]  }
0x23b: {  	[tilespmem:s9+$0x830] =	vst v5;
	v3 =	vld [tilespmem:s30+$0x840]  }
0x23c: {  	[tilespmem:s23+$0x1400] =	vst v0;
	v5 =	vld [tilespmem:s31+$0x840]  }
0x23d: {  	[tilespmem:s21+$0x1400] =	vst v1;
	v1 =	vld [tilespmem:s24+$0x1410]  }
0x23e: {  	v0 =	vld [tilespmem:s20+$0x1400];
	[tilespmem:s28+$0x850] =	vst v2  }
0x23f: {  	[tilespmem:s1+$0x840] =	vst v4;
	v2 =	vld [tilespmem:s26+$0x860]  }
0x240: {  	[tilespmem:s0+$0x840] =	vst v3;
	v4 =	vld [tilespmem:s29+$0x850]  }
0x241: {  	[tilespmem:s9+$0x840] =	vst v5;
	v3 =	vld [tilespmem:s30+$0x850]  }
0x242: {  	[tilespmem:s23+$0x1410] =	vst v1;
	v5 =	vld [tilespmem:s31+$0x850]  }
0x243: {  	[tilespmem:s19+$0x1400] =	vst v0;
	v0 =	vld [tilespmem:s22+$0x1410]  }
0x244: {  	v1 =	vld [tilespmem:s20+$0x1410];
	[tilespmem:s28+$0x860] =	vst v2  }
0x245: {  	[tilespmem:s1+$0x850] =	vst v4;
	v2 =	vld [tilespmem:s26+$0x870]  }
0x246: {  	[tilespmem:s0+$0x850] =	vst v3;
	v4 =	vld [tilespmem:s29+$0x860]  }
0x247: {  	[tilespmem:s9+$0x850] =	vst v5;
	v3 =	vld [tilespmem:s30+$0x860]  }
0x248: {  	[tilespmem:s21+$0x1410] =	vst v0;
	v5 =	vld [tilespmem:s31+$0x860]  }
0x249: {  	v0 =	vld [tilespmem:s24+$0x1420];
	[tilespmem:s19+$0x1410] =	vst v1  }
0x24a: {  	v1 =	vld [tilespmem:s22+$0x1420];
	[tilespmem:s28+$0x870] =	vst v2  }
0x24b: {  	[tilespmem:s1+$0x860] =	vst v4;
	v2 =	vld [tilespmem:s26+$0xC00]  }
0x24c: {  	[tilespmem:s0+$0x860] =	vst v3;
	v4 =	vld [tilespmem:s29+$0x870]  }
0x24d: {  	[tilespmem:s9+$0x860] =	vst v5;
	v3 =	vld [tilespmem:s30+$0x870]  }
0x24e: {  	[tilespmem:s23+$0x1420] =	vst v0;
	v5 =	vld [tilespmem:s31+$0x870]  }
0x24f: {  	[tilespmem:s21+$0x1420] =	vst v1;
	v1 =	vld [tilespmem:s24+$0x1430]  }
0x250: {  	v0 =	vld [tilespmem:s20+$0x1420];
	[tilespmem:s28+$0xC00] =	vst v2  }
0x251: {  	[tilespmem:s1+$0x870] =	vst v4;
	v2 =	vld [tilespmem:s26+$0xC10]  }
0x252: {  	[tilespmem:s0+$0x870] =	vst v3;
	v4 =	vld [tilespmem:s29+$0xC00]  }
0x253: {  	[tilespmem:s9+$0x870] =	vst v5;
	v3 =	vld [tilespmem:s30+$0xC00]  }
0x254: {  	[tilespmem:s23+$0x1430] =	vst v1;
	v5 =	vld [tilespmem:s31+$0xC00]  }
0x255: {  	[tilespmem:s19+$0x1420] =	vst v0;
	v0 =	vld [tilespmem:s22+$0x1430]  }
0x256: {  	v1 =	vld [tilespmem:s20+$0x1430];
	[tilespmem:s28+$0xC10] =	vst v2  }
0x257: {  	[tilespmem:s1+$0xC00] =	vst v4;
	v2 =	vld [tilespmem:s26+$0xC20]  }
0x258: {  	[tilespmem:s0+$0xC00] =	vst v3;
	v4 =	vld [tilespmem:s29+$0xC10]  }
0x259: {  	[tilespmem:s9+$0xC00] =	vst v5;
	v3 =	vld [tilespmem:s30+$0xC10]  }
0x25a: {  	[tilespmem:s21+$0x1430] =	vst v0;
	v5 =	vld [tilespmem:s31+$0xC10]  }
0x25b: {  	v0 =	vld [tilespmem:s24+$0x1440];
	[tilespmem:s19+$0x1430] =	vst v1  }
0x25c: {  	v1 =	vld [tilespmem:s22+$0x1440];
	[tilespmem:s28+$0xC20] =	vst v2  }
0x25d: {  	[tilespmem:s1+$0xC10] =	vst v4;
	v2 =	vld [tilespmem:s26+$0xC30]  }
0x25e: {  	[tilespmem:s0+$0xC10] =	vst v3;
	v4 =	vld [tilespmem:s29+$0xC20]  }
0x25f: {  	[tilespmem:s9+$0xC10] =	vst v5;
	v3 =	vld [tilespmem:s30+$0xC20]  }
0x260: {  	[tilespmem:s23+$0x1440] =	vst v0;
	v5 =	vld [tilespmem:s31+$0xC20]  }
0x261: {  	[tilespmem:s21+$0x1440] =	vst v1;
	v1 =	vld [tilespmem:s24+$0x1450]  }
0x262: {  	v0 =	vld [tilespmem:s20+$0x1440];
	[tilespmem:s28+$0xC30] =	vst v2  }
0x263: {  	[tilespmem:s1+$0xC20] =	vst v4;
	v2 =	vld [tilespmem:s26+$0xC40]  }
0x264: {  	[tilespmem:s0+$0xC20] =	vst v3;
	v4 =	vld [tilespmem:s29+$0xC30]  }
0x265: {  	[tilespmem:s9+$0xC20] =	vst v5;
	v3 =	vld [tilespmem:s30+$0xC30]  }
0x266: {  	[tilespmem:s23+$0x1450] =	vst v1;
	v5 =	vld [tilespmem:s31+$0xC30]  }
0x267: {  	[tilespmem:s19+$0x1440] =	vst v0;
	v0 =	vld [tilespmem:s22+$0x1450]  }
0x268: {  	v1 =	vld [tilespmem:s20+$0x1450];
	[tilespmem:s28+$0xC40] =	vst v2  }
0x269: {  	[tilespmem:s1+$0xC30] =	vst v4;
	v2 =	vld [tilespmem:s26+$0xC50]  }
0x26a: {  	[tilespmem:s0+$0xC30] =	vst v3;
	v4 =	vld [tilespmem:s29+$0xC40]  }
0x26b: {  	[tilespmem:s9+$0xC30] =	vst v5;
	v3 =	vld [tilespmem:s30+$0xC40]  }
0x26c: {  	p2 =	slt.u32 s10, $0x1C;
	[tilespmem:s21+$0x1450] =	vst v0;
	v5 =	vld [tilespmem:s31+$0xC40]  }
.Ltmp3:
0x26d: {  	[tilespmem:s19+$0x1450] =	vst v1;
	v1 =	vld [tilespmem:s24+$0x1460];
	(pc) =	sbr.rel @p2 .LBB2_3-.Ltmp3, $4  }
0x26e: {  	v0 =	vld [tilespmem:s22+$0x1460];
	[tilespmem:s28+$0xC50] =	vst v2  }
0x26f: {  	[tilespmem:s1+$0xC40] =	vst v4;
	v2 =	vld [tilespmem:s26+$0xC60]  }
0x270: {  	[tilespmem:s0+$0xC40] =	vst v3;
	v4 =	vld [tilespmem:s29+$0xC50]  }
0x271: {  	[tilespmem:s9+$0xC40] =	vst v5;
	v3 =	vld [tilespmem:s30+$0xC50]  }
0x272: {  	v5 =	vld [tilespmem:s31+$0xC50];
	_ =	sdelay $0x2  }
0x273: {  	[tilespmem:s1+$0xC50] =	vst v4  }
0x274: {  	v4 =	vld [tilespmem:s29+$0xC60];
	[tilespmem:s0+$0xC50] =	vst v3  }
0x275: {  	[tilespmem:s9+$0xC50] =	vst v5;
	v3 =	vld [tilespmem:s30+$0xC60]  }
0x276: {  	v5 =	vld [tilespmem:s31+$0xC60];
	_ =	sdelay $0x1  }
0x277: {  	[tilespmem:s28+$0xC60] =	vst v2  }
0x278: {  	v2 =	vld [tilespmem:s26+$0xC70];
	[tilespmem:s1+$0xC60] =	vst v4  }
0x279: {  	v4 =	vld [tilespmem:s29+$0xC70];
	[tilespmem:s0+$0xC60] =	vst v3  }
0x27a: {  	[tilespmem:s9+$0xC60] =	vst v5;
	v3 =	vld [tilespmem:s30+$0xC70]  }
0x27b: {  	v5 =	vld [tilespmem:s31+$0xC70];
	_ =	sdelay $0x1  }
0x27c: {  	[tilespmem:s28+$0xC70] =	vst v2  }
0x27d: {  	v2 =	vld [tilespmem:s26+$0x1000];
	[tilespmem:s1+$0xC70] =	vst v4  }
0x27e: {  	[tilespmem:s0+$0xC70] =	vst v3;
	v53 =	vld [tilespmem:s29+$0x1000]  }
0x27f: {  	[tilespmem:s9+$0xC70] =	vst v5;
	v54 =	vld [tilespmem:s30+$0x1000]  }
0x280: {  	v5 =	vld [tilespmem:s31+$0x1000];
	_ =	sdelay $0x1  }
0x281: {  	[tilespmem:s28+$0x1000] =	vst v2  }
0x282: {  	v2 =	vld [tilespmem:s26+$0x1010];
	[tilespmem:s1+$0x1000] =	vst v53  }
0x283: {  	[tilespmem:s0+$0x1000] =	vst v54;
	v3 =	vld [tilespmem:s29+$0x1010]  }
0x284: {  	[tilespmem:s9+$0x1000] =	vst v5;
	v4 =	vld [tilespmem:s30+$0x1010]  }
0x285: {  	v5 =	vld [tilespmem:s31+$0x1010];
	_ =	sdelay $0x1  }
0x286: {  	[tilespmem:s28+$0x1010] =	vst v2  }
0x287: {  	v2 =	vld [tilespmem:s26+$0x1020];
	[tilespmem:s1+$0x1010] =	vst v3  }
0x288: {  	[tilespmem:s0+$0x1010] =	vst v4;
	v3 =	vld [tilespmem:s29+$0x1020]  }
0x289: {  	[tilespmem:s9+$0x1010] =	vst v5;
	v4 =	vld [tilespmem:s30+$0x1020]  }
0x28a: {  	v5 =	vld [tilespmem:s31+$0x1020];
	_ =	sdelay $0x1  }
0x28b: {  	[tilespmem:s28+$0x1020] =	vst v2  }
0x28c: {  	v2 =	vld [tilespmem:s26+$0x1030];
	[tilespmem:s1+$0x1020] =	vst v3  }
0x28d: {  	[tilespmem:s0+$0x1020] =	vst v4;
	v3 =	vld [tilespmem:s29+$0x1030]  }
0x28e: {  	[tilespmem:s9+$0x1020] =	vst v5;
	v4 =	vld [tilespmem:s30+$0x1030]  }
0x28f: {  	v5 =	vld [tilespmem:s31+$0x1030];
	_ =	sdelay $0x1  }
0x290: {  	[tilespmem:s28+$0x1030] =	vst v2  }
0x291: {  	v2 =	vld [tilespmem:s26+$0x1040];
	[tilespmem:s1+$0x1030] =	vst v3  }
0x292: {  	[tilespmem:s0+$0x1030] =	vst v4;
	v3 =	vld [tilespmem:s29+$0x1040]  }
0x293: {  	[tilespmem:s9+$0x1030] =	vst v5;
	v4 =	vld [tilespmem:s30+$0x1040]  }
0x294: {  	v5 =	vld [tilespmem:s31+$0x1040];
	_ =	sdelay $0x1  }
0x295: {  	[tilespmem:s28+$0x1040] =	vst v2  }
0x296: {  	v2 =	vld [tilespmem:s26+$0x1050];
	[tilespmem:s1+$0x1040] =	vst v3  }
0x297: {  	[tilespmem:s0+$0x1040] =	vst v4;
	v3 =	vld [tilespmem:s29+$0x1050]  }
0x298: {  	[tilespmem:s9+$0x1040] =	vst v5;
	v4 =	vld [tilespmem:s30+$0x1050]  }
0x299: {  	v5 =	vld [tilespmem:s31+$0x1050];
	_ =	sdelay $0x1  }
0x29a: {  	[tilespmem:s28+$0x1050] =	vst v2  }
0x29b: {  	v2 =	vld [tilespmem:s26+$0x1060];
	[tilespmem:s1+$0x1050] =	vst v3  }
0x29c: {  	[tilespmem:s0+$0x1050] =	vst v4;
	v3 =	vld [tilespmem:s29+$0x1060]  }
0x29d: {  	[tilespmem:s9+$0x1050] =	vst v5;
	v4 =	vld [tilespmem:s30+$0x1060]  }
0x29e: {  	v5 =	vld [tilespmem:s31+$0x1060];
	_ =	sdelay $0x1  }
0x29f: {  	[tilespmem:s28+$0x1060] =	vst v2  }
0x2a0: {  	v2 =	vld [tilespmem:s26+$0x1070];
	[tilespmem:s1+$0x1060] =	vst v3  }
0x2a1: {  	[tilespmem:s0+$0x1060] =	vst v4;
	v3 =	vld [tilespmem:s29+$0x1070]  }
0x2a2: {  	[tilespmem:s9+$0x1060] =	vst v5;
	v4 =	vld [tilespmem:s30+$0x1070]  }
0x2a3: {  	v5 =	vld [tilespmem:s31+$0x1070];
	_ =	sdelay $0x1  }
0x2a4: {  	[tilespmem:s28+$0x1070] =	vst v2  }
0x2a5: {  	v2 =	vld [tilespmem:s26+$0x1400];
	[tilespmem:s1+$0x1070] =	vst v3  }
0x2a6: {  	[tilespmem:s0+$0x1070] =	vst v4;
	v3 =	vld [tilespmem:s29+$0x1400]  }
0x2a7: {  	[tilespmem:s9+$0x1070] =	vst v5;
	v4 =	vld [tilespmem:s30+$0x1400]  }
0x2a8: {  	v5 =	vld [tilespmem:s31+$0x1400];
	_ =	sdelay $0x1  }
0x2a9: {  	[tilespmem:s28+$0x1400] =	vst v2  }
0x2aa: {  	v2 =	vld [tilespmem:s26+$0x1410];
	[tilespmem:s1+$0x1400] =	vst v3  }
0x2ab: {  	[tilespmem:s0+$0x1400] =	vst v4;
	v3 =	vld [tilespmem:s29+$0x1410]  }
0x2ac: {  	[tilespmem:s9+$0x1400] =	vst v5;
	v4 =	vld [tilespmem:s30+$0x1410]  }
0x2ad: {  	v5 =	vld [tilespmem:s31+$0x1410];
	_ =	sdelay $0x1  }
0x2ae: {  	[tilespmem:s28+$0x1410] =	vst v2  }
0x2af: {  	v2 =	vld [tilespmem:s26+$0x1420];
	[tilespmem:s1+$0x1410] =	vst v3  }
0x2b0: {  	[tilespmem:s0+$0x1410] =	vst v4;
	v3 =	vld [tilespmem:s29+$0x1420]  }
0x2b1: {  	[tilespmem:s9+$0x1410] =	vst v5;
	v4 =	vld [tilespmem:s30+$0x1420]  }
0x2b2: {  	v5 =	vld [tilespmem:s31+$0x1420];
	_ =	sdelay $0x1  }
0x2b3: {  	[tilespmem:s28+$0x1420] =	vst v2  }
0x2b4: {  	v2 =	vld [tilespmem:s26+$0x1430];
	[tilespmem:s1+$0x1420] =	vst v3  }
0x2b5: {  	[tilespmem:s0+$0x1420] =	vst v4;
	v3 =	vld [tilespmem:s29+$0x1430]  }
0x2b6: {  	[tilespmem:s9+$0x1420] =	vst v5;
	v4 =	vld [tilespmem:s30+$0x1430]  }
0x2b7: {  	v5 =	vld [tilespmem:s31+$0x1430];
	_ =	sdelay $0x1  }
0x2b8: {  	[tilespmem:s28+$0x1430] =	vst v2  }
0x2b9: {  	v2 =	vld [tilespmem:s26+$0x1440];
	[tilespmem:s1+$0x1430] =	vst v3  }
0x2ba: {  	[tilespmem:s0+$0x1430] =	vst v4;
	v3 =	vld [tilespmem:s29+$0x1440]  }
0x2bb: {  	[tilespmem:s9+$0x1430] =	vst v5;
	v4 =	vld [tilespmem:s30+$0x1440]  }
0x2bc: {  	v5 =	vld [tilespmem:s31+$0x1440];
	_ =	sdelay $0x1  }
0x2bd: {  	[tilespmem:s28+$0x1440] =	vst v2  }
0x2be: {  	v2 =	vld [tilespmem:s26+$0x1450];
	[tilespmem:s1+$0x1440] =	vst v3  }
0x2bf: {  	[tilespmem:s0+$0x1440] =	vst v4;
	v3 =	vld [tilespmem:s29+$0x1450]  }
0x2c0: {  	[tilespmem:s9+$0x1440] =	vst v5;
	v4 =	vld [tilespmem:s30+$0x1450]  }
0x2c1: {  	[tilespmem:s23+$0x1460] =	vst v1;
	v55 =	vld [tilespmem:s31+$0x1450]  }
0x2c2: {  	v56 =	vld [tilespmem:s20+$0x1460];
	[tilespmem:s21+$0x1460] =	vst v0  }
0x2c3: {  	v57 =	vld [tilespmem:s24+$0x1470];
	[tilespmem:s28+$0x1450] =	vst v2  }
0x2c4: {  	v2 =	vld [tilespmem:s26+$0x1460];
	[tilespmem:s1+$0x1450] =	vst v3  }
0x2c5: {  	[tilespmem:s0+$0x1450] =	vst v4;
	v3 =	vld [tilespmem:s29+$0x1460]  }
0x2c6: {  	[tilespmem:s9+$0x1450] =	vst v55;
	v58 =	vld [tilespmem:s30+$0x1460]  }
0x2c7: {  	[tilespmem:s19+$0x1460] =	vst v56;
	v59 =	vld [tilespmem:s31+$0x1460]  }
0x2c8: {  	v60 =	vld [tilespmem:s22+$0x1470];
	[tilespmem:s23+$0x1470] =	vst v57  }
0x2c9: {  	v5 =	vld [tilespmem:s20+$0x1470];
	[tilespmem:s28+$0x1460] =	vst v2  }
0x2ca: {  	v2 =	vld [tilespmem:s26+$0x1470];
	[tilespmem:s1+$0x1460] =	vst v3  }
0x2cb: {  	[tilespmem:s0+$0x1460] =	vst v58;
	v61 =	vld [tilespmem:s29+$0x1470]  }
0x2cc: {  	[tilespmem:s9+$0x1460] =	vst v59;
	v62 =	vld [tilespmem:s30+$0x1470]  }
0x2cd: {  	[tilespmem:s21+$0x1470] =	vst v60;
	v63 =	vld [tilespmem:s31+$0x1470]  }
0x2ce: {  	[tilespmem:s19+$0x1470] =	vst v5  }
0x2cf: {  	s3 =	sshll.u32 s17, $0x2;
	[tilespmem:s28+$0x1470] =	vst v2  }
0x2d0: {  	s4 =	smul.u32 $0x18000, s12;
	s3 =	sand.u32 $0xC, s3;
	[tilespmem:s1+$0x1470] =	vst v61  }
0x2d1: {  	s3 =	smul.u32 $0x1800, s3;
	[tilespmem:s0+$0x1470] =	vst v62  }
0x2d2: {  	[tilespmem:s9+$0x1470] =	vst v63  }
0x2d3: {  	s28 =	sadd.s32 s3, s4;
	s4 =	rddreg [dreg:$0x6]  }
0x2d4: {  	p2 =	sne.s32 s16, s4  }
.Ltmp4:
0x2d5: {  	_ = 	snop;
	(pc) =	sbr.rel @p2 .LBB2_2-.Ltmp4, $4  }
.Ltmp5:
0x2d6: {  	_ = 	snop;
	(pc) =	sbr.rel @!p2 .LBB2_5-.Ltmp5, $4  }
0x2d7: {  	s29 =	sshrl.u32 s28, $0x3;
	s30 =	rddreg [dreg:$0x1]  }
0x2d8: {  	s31 =	simm.s32 $0x0;
	s0 =	sadd.s32 s30, s29  }
0x2d9: {  	[hbm4b:s0+s31] =	stream.linear.scatter [tilespmem:s18], [sflag:$0x2], $0x6000, $0x38;
	[tilespmem:$0x1B000] =	vst v63  }
0x2da: {  	_ = 	snop  }
.LBB2_6:
0x2db: {  	_ =	sfence.sel $0x180000  }
0x2dc: {  	[bflag:$0x0] =	sbarrier.arrive $0xFFFF  }
0x2dd: {  	_ =	strace $0x90000047  }
0x2de: {  	s0 =	stileid.u32;
	[bflag:$0x2] =	sbarrier.arrive $0xFFFF  }
0x2df: {  	p0 =	sne.s32 s0, $0x0;
	s0 =	rddreg [dreg:$0x2]  }
0x2e0: {  	s0 =	sadd.s32 @!p0 $0x100000, s0  }
0x2e1: {  	[sflag:s0] =	ssyncadd.tile.s32 @!p0 $0x1;
	_ =	shalt  }
.Lfunc_end2:
_tile_overlayer_lowered:
.L_overlay_start_2:
0x2e2: {  	(tag) =	ssettag $0x2  }
0x2e3: {  	s0 =	rddreg [dreg:$0x0];
	s2 =	stileid.u32  }
0x2e4: {  	s1 =	rddreg [dreg:$0x1];
	p0 =	sne.s32 s2, $0x0  }
0x2e5: {  	s3 =	rddreg [dreg:$0x2];
	[bflag:$0x3] =	sbarrier.arrive $0xFFFF;
	s2 =	simm.s32 @!p0 $0x1C03  }
0x2e6: {  	[timem:s3], [sflag:s2] =	dma.local @!p0 [hbm:s0], s1  }
0x2e7: {  	s0 =	simm.s32 @!p0 $0x3  }
0x2e8: {  	_ =	swait.ge @!p0 [sflag:s0], s1  }
0x2e9: {  	s1 =	ssub.s32 @!p0 $0x0, s1;
	[sflag:s0] =	ssyncset.done @!p0 $0x0  }
0x2ea: {  	[sflag:s0] =	ssyncadd.s32 @!p0 s1  }
0x2eb: {  	[bflag:$0x3] =	sbarrier.arrive $0xFFFF  }
0x2ec: {  	_ =	shalt  }

</sc_bundles>
